<compile_context>
chip_gen: v7x
topology: tpu7x:2x2x1
jax: 0.10.2.dev20260603
libtpu: 0.0.44.dev20260713+nightly
codegen_flags: <defaults>
</compile_context>

<pallas_src>
import functools

import jax
import jax.numpy as jnp
from jax import lax
from jax.experimental import pallas as pl
from jax.experimental.pallas import tpu as pltpu
from jax.experimental.pallas import tpu_sc as plsc

_B, _C, _H, _W = 2, 256, 50, 50
_N = 1000
_NPAD = 1024
_PH = _PW = 7
_NBINS = _PH * _PW
_SCALE = 0.0625
_NS = 16
_CHUNK = 16
_NCHUNK = _NPAD // _CHUNK
_CB = _CHUNK * _NBINS
_NGRP = _CB // 16
_NROWS = _B * _H * _W
_CG = 16
_NCG = _C // _CG


def _prep_body(rois_ref, idx_ref, w_ref):
    f = lax.broadcasted_iota(jnp.int32, (_NPAD, _NBINS * _NS), 1)
    bin_ = f // _NS
    s = f % _NS
    py = (bin_ // _PW).astype(jnp.float32)
    px = (bin_ % _PW).astype(jnp.float32)
    sy = ((s // 8) % 2).astype(jnp.float32)
    sx = ((s // 4) % 2).astype(jnp.float32)
    cy = (s // 2) % 2
    cx = s % 2

    rois = rois_ref[...]
    b = jnp.clip(rois[:, 0].astype(jnp.int32), 0, _B - 1)[:, None]
    x1 = (rois[:, 1] * _SCALE)[:, None]
    y1 = (rois[:, 2] * _SCALE)[:, None]
    x2 = (rois[:, 3] * _SCALE)[:, None]
    y2 = (rois[:, 4] * _SCALE)[:, None]
    roi_w = jnp.maximum(x2 - x1, 1.0)
    roi_h = jnp.maximum(y2 - y1, 1.0)
    bin_w = roi_w * (1.0 / _PW)
    bin_h = roi_h * (1.0 / _PH)

    ys = y1 + py * bin_h + (sy + 0.5) * bin_h * 0.5
    xs = x1 + px * bin_w + (sx + 0.5) * bin_w * 0.5
    valid = (ys > -1.0) & (ys < float(_H)) & (xs > -1.0) & (xs < float(_W))
    ycl = jnp.clip(ys, 0.0, float(_H - 1))
    xcl = jnp.clip(xs, 0.0, float(_W - 1))
    ylf = jnp.floor(ycl)
    xlf = jnp.floor(xcl)
    y_low = ylf.astype(jnp.int32)
    x_low = xlf.astype(jnp.int32)
    ly = ycl - ylf
    lx = xcl - xlf
    wy = jnp.where(cy == 1, ly, 1.0 - ly)
    wx = jnp.where(cx == 1, lx, 1.0 - lx)
    y_cor = jnp.where(cy == 1, jnp.minimum(y_low + 1, _H - 1), y_low)
    x_cor = jnp.where(cx == 1, jnp.minimum(x_low + 1, _W - 1), x_low)

    w = jnp.where(valid, wy * wx * 0.25, 0.0)
    idx = b * (_H * _W) + y_cor * _W + x_cor
    idx_ref[...] = idx
    w_ref[...] = w


def _sc_body(table_hbm, idx_hbm, w_hbm, out_hbm, table_v, idx_v, w_v, buf):
    core = lax.axis_index("c")
    cg = lax.axis_index("s")
    pltpu.sync_copy(table_hbm.at[cg], table_v)

    def chunk_body(ci, carry):
        chunk = core * (_NCHUNK // 2) + ci
        pltpu.sync_copy(idx_hbm.at[chunk], idx_v)
        pltpu.sync_copy(w_hbm.at[chunk], w_v)

        def group_body(j, carry2):
            accs = [jnp.zeros((16,), jnp.float32) for _ in range(_CG)]
            for si in range(_NS):
                iv = idx_v[j, si]
                wv = w_v[j, si]
                for ch in range(_CG):
                    g = plsc.load_gather(table_v, [iv + (ch * _NROWS)])
                    accs[ch] = accs[ch] + wv * g
            for ch in range(_CG):
                buf[ch, pl.ds(j * 16, 16)] = accs[ch]
            return carry2

        lax.fori_loop(0, _NGRP, group_body, 0, unroll=False)
        pltpu.sync_copy(buf, out_hbm.at[chunk, cg])
        return carry

    lax.fori_loop(0, _NCHUNK // 2, chunk_body, 0, unroll=False)


@jax.jit
def kernel(features, rois):
    table = features.transpose(1, 0, 2, 3).reshape(_NCG, _CG * _NROWS)
    rois_p = jnp.zeros((_NPAD, 5), jnp.float32).at[:_N].set(rois)

    idx_n, w_n = pl.pallas_call(
        _prep_body,
        out_shape=(
            jax.ShapeDtypeStruct((_NPAD, _NBINS * _NS), jnp.int32),
            jax.ShapeDtypeStruct((_NPAD, _NBINS * _NS), jnp.float32),
        ),
    )(rois_p)

    def _re(a):
        a = a.reshape(_NCHUNK, _CB, _NS)
        a = a.reshape(_NCHUNK, _NGRP, 16, _NS)
        return a.transpose(0, 1, 3, 2)

    idx_sc = _re(idx_n)
    w_sc = _re(w_n)

    mesh = plsc.VectorSubcoreMesh(core_axis_name="c", subcore_axis_name="s")
    out = pl.kernel(
        _sc_body,
        out_type=jax.ShapeDtypeStruct((_NCHUNK, _NCG, _CG, _CB), jnp.float32),
        mesh=mesh,
        scratch_types=[
            pltpu.VMEM((_NROWS * _CG,), jnp.float32),
            pltpu.VMEM((_NGRP, _NS, 16), jnp.int32),
            pltpu.VMEM((_NGRP, _NS, 16), jnp.float32),
            pltpu.VMEM((_CG, _CB), jnp.float32),
        ],
        compiler_params=pltpu.CompilerParams(
            needs_layout_passes=False, use_tc_tiling_on_sc=False
        ),
    )(table, idx_sc, w_sc)

    out = out.reshape(_NCHUNK, _NCG, _CG, _CHUNK, _NBINS)
    out = out.transpose(0, 3, 1, 2, 4).reshape(_NPAD, _C, _NBINS)
    return out[:_N].reshape(_N, _C, _PH, _PW)

# --- scband reference (transcript-rebuilt; emitter-appended) ---
"""Pipeline reference for scband-roialign-23931557773457 (READ-ONLY COPY).

The authoritative reference and input builder live on the scoring server;
editing this copy changes nothing except your own understanding.
"""

import jax, jax.numpy as jnp
import numpy as np

ALIGNED_H = 7
ALIGNED_W = 7
SPATIAL_SCALE = 0.0625
SAMPLING_RATIO = 2


def _roi_align(features, rois, ph, pw, scale, sr):
    B, C, H, W = features.shape
    N = rois.shape[0]
    bidx = jnp.clip(rois[:, 0].astype(jnp.int32), 0, B - 1)
    x1 = rois[:, 1] * scale
    y1 = rois[:, 2] * scale
    x2 = rois[:, 3] * scale
    y2 = rois[:, 4] * scale
    roi_w = jnp.maximum(x2 - x1, 1.0)
    roi_h = jnp.maximum(y2 - y1, 1.0)
    bin_w = roi_w / pw
    bin_h = roi_h / ph
    py = jnp.arange(ph, dtype=jnp.float32)
    px = jnp.arange(pw, dtype=jnp.float32)
    iy = jnp.arange(sr, dtype=jnp.float32)
    ix = jnp.arange(sr, dtype=jnp.float32)
    # sample point coords: y -> [N, ph, sr], x -> [N, pw, sr]
    y = (y1[:, None, None] + py[None, :, None] * bin_h[:, None, None]
         + (iy[None, None, :] + 0.5) * bin_h[:, None, None] / sr)
    x = (x1[:, None, None] + px[None, :, None] * bin_w[:, None, None]
         + (ix[None, None, :] + 0.5) * bin_w[:, None, None] / sr)
    # broadcast to [N, ph, pw, sr, sr]
    yb = jnp.broadcast_to(y[:, :, None, :, None], (N, ph, pw, sr, sr))
    xb = jnp.broadcast_to(x[:, None, :, None, :], (N, ph, pw, sr, sr))
    valid = (yb > -1.0) & (yb < H) & (xb > -1.0) & (xb < W)
    yc = jnp.clip(yb, 0.0, float(H - 1))
    xc = jnp.clip(xb, 0.0, float(W - 1))
    y_low = jnp.clip(jnp.floor(yc).astype(jnp.int32), 0, H - 1)
    x_low = jnp.clip(jnp.floor(xc).astype(jnp.int32), 0, W - 1)
    y_high = jnp.clip(y_low + 1, 0, H - 1)
    x_high = jnp.clip(x_low + 1, 0, W - 1)
    ly = yc - y_low.astype(jnp.float32)
    lx = xc - x_low.astype(jnp.float32)
    hy = 1.0 - ly
    hx = 1.0 - lx
    b5 = jnp.broadcast_to(bidx[:, None, None, None, None], (N, ph, pw, sr, sr))

    def gather(yy, xx):
        return features[b5, :, yy, xx]  # [N, ph, pw, sr, sr, C]

    v1 = gather(y_low, x_low)
    v2 = gather(y_low, x_high)
    v3 = gather(y_high, x_low)
    v4 = gather(y_high, x_high)
    w1 = (hy * hx)[..., None]
    w2 = (hy * lx)[..., None]
    w3 = (ly * hx)[..., None]
    w4 = (ly * lx)[..., None]
    val = w1 * v1 + w2 * v2 + w3 * v3 + w4 * v4
    val = jnp.where(valid[..., None], val, 0.0)
    out = val.mean(axis=(3, 4))  # [N, ph, pw, C]
    return jnp.transpose(out, (0, 3, 1, 2))  # [N, C, ph, pw]


def setup_inputs(seed: int = 0) -> dict:
    key = jax.random.key(seed)
    k1, k2, k3, k4, k5, k6 = jax.random.split(key, 6)
    B, C, H, W = 2, 256, 50, 50
    N = 1000
    img = 800.0
    features = jax.random.normal(k1, (B, C, H, W), dtype=jnp.float32)
    bidx = jax.random.randint(k2, (N,), 0, B).astype(jnp.float32)
    cx = jax.random.uniform(k3, (N,)) * img
    cy = jax.random.uniform(k4, (N,)) * img
    w = jax.random.uniform(k5, (N,)) * 380.0 + 20.0
    h = jax.random.uniform(k6, (N,)) * 380.0 + 20.0
    x1 = jnp.clip(cx - w / 2.0, 0.0, img)
    x2 = jnp.clip(cx + w / 2.0, 0.0, img)
    y1 = jnp.clip(cy - h / 2.0, 0.0, img)
    y2 = jnp.clip(cy + h / 2.0, 0.0, img)
    rois = jnp.stack([bidx, x1, y1, x2, y2], axis=1).astype(jnp.float32)
    return {"features": features, "rois": rois}


def reference(features, rois):
    return _roi_align(features, rois, ALIGNED_H, ALIGNED_W, SPATIAL_SCALE, SAMPLING_RATIO)

if __name__ == "__main__":
    import jax
    _d = setup_inputs()
    print(jax.jit(kernel)(*tuple(_d.values())))

</pallas_src>

<mosaic_0001>
#map = affine_map<(d0, d1) -> (0, 0)>
#map1 = affine_map<(d0, d1) -> (0, 0, 0, 0)>
module attributes {stable_mosaic.version = 14 : i64} {
  func.func @_sc_body(%arg0: i32, %arg1: i32, %arg2: memref<16x80000xf32, #tpu.memory_space<hbm>>, %arg3: memref<64x49x16x16xi32, #tpu.memory_space<hbm>>, %arg4: memref<64x49x16x16xf32, #tpu.memory_space<hbm>>, %arg5: memref<64x16x16x784xf32, #tpu.memory_space<hbm>>, %arg6: memref<80000xf32, #tpu.memory_space<vmem>>, %arg7: memref<49x16x16xi32, #tpu.memory_space<vmem>>, %arg8: memref<49x16x16xf32, #tpu.memory_space<vmem>>, %arg9: memref<16x784xf32, #tpu.memory_space<vmem>>) attributes {dimension_semantics = [#tpu.dimension_semantics<core_parallel>, #tpu.dimension_semantics<subcore_parallel>], iteration_bounds = array<i64: 2, 16>, scalar_prefetch = 0 : i64, scratch_operands = 4 : i64, tpu.core_type = #tpu.core_type<sc_vector_subcore>, window_params = [{transform_indices = #map}, {transform_indices = #map1}, {transform_indices = #map1}, {transform_indices = #map1}]} {
    "tpu.region"() ({
      %run_scoped3A = tpu.sem_alloc : memref<!tpu.dma_semaphore, #tpu.memory_space<semaphore_mem>>
      %dma_start3A = arith.constant 0 : i32
      %dma_start3A_5 = tpu.memref_slice %arg2[%arg1, %dma_start3A] : memref<16x80000xf32, #tpu.memory_space<hbm>> -> memref<1x80000xf32, #tpu.memory_space<hbm>>
      %dma_start3A_6 = tpu.memref_squeeze %dma_start3A_5 : memref<1x80000xf32, #tpu.memory_space<hbm>> -> memref<80000xf32, #tpu.memory_space<hbm>>
      %dma_start3A_7 = arith.constant 0 : i32
      %dma_start3A_8 = tpu.memref_slice %arg2[%arg1, %dma_start3A_7] : memref<16x80000xf32, #tpu.memory_space<hbm>> -> memref<1x80000xf32, #tpu.memory_space<hbm>>
      %dma_start3A_9 = tpu.memref_squeeze %dma_start3A_8 : memref<1x80000xf32, #tpu.memory_space<hbm>> -> memref<80000xf32, #tpu.memory_space<hbm>>
      tpu.enqueue_dma source(%dma_start3A_9 : memref<80000xf32, #tpu.memory_space<hbm>>) target(%arg6 : memref<80000xf32, #tpu.memory_space<vmem>>) target_semaphore(%run_scoped3A : memref<!tpu.dma_semaphore, #tpu.memory_space<semaphore_mem>>)
      %dma_wait3A = arith.constant 0 : i32
      %dma_wait3A_10 = tpu.memref_slice %arg2[%arg1, %dma_wait3A] : memref<16x80000xf32, #tpu.memory_space<hbm>> -> memref<1x80000xf32, #tpu.memory_space<hbm>>
      %dma_wait3A_11 = tpu.memref_squeeze %dma_wait3A_10 : memref<1x80000xf32, #tpu.memory_space<hbm>> -> memref<80000xf32, #tpu.memory_space<hbm>>
      %dma_wait3A_12 = arith.constant 0 : i32
      %dma_wait3A_13 = tpu.memref_slice %arg2[%arg1, %dma_wait3A_12] : memref<16x80000xf32, #tpu.memory_space<hbm>> -> memref<1x80000xf32, #tpu.memory_space<hbm>>
      %dma_wait3A_14 = tpu.memref_squeeze %dma_wait3A_13 : memref<1x80000xf32, #tpu.memory_space<hbm>> -> memref<80000xf32, #tpu.memory_space<hbm>>
      tpu.wait_dma2 semaphore(%run_scoped3A : memref<!tpu.dma_semaphore, #tpu.memory_space<semaphore_mem>>) src(%dma_wait3A_14 : memref<80000xf32, #tpu.memory_space<hbm>>) dst(%arg6 : memref<80000xf32, #tpu.memory_space<vmem>>)
      tpu.yield
    }) : () -> ()
    %scan3A = arith.constant 0 : i32
    %scan3A_0 = arith.constant 0 : i32
    %scan3A_1 = arith.constant 32 : i32
    %scan3A_2 = arith.addi %scan3A_0, %scan3A_1 : i32
    %scan3A_3 = arith.constant 1 : i32
    scf.for %scan3A_5 = %scan3A_0 to %scan3A_2 step %scan3A_3  : i32 {
      %mul3A = arith.constant 32 : i32
      %mul3A_6 = arith.muli %arg0, %mul3A : i32
      %add3A = arith.addi %mul3A_6, %scan3A_5 : i32
      "tpu.region"() ({
        %run_scoped3A = tpu.sem_alloc : memref<!tpu.dma_semaphore, #tpu.memory_space<semaphore_mem>>
        %dma_start3A = arith.constant 0 : i32
        %dma_start3A_13 = arith.constant 0 : i32
        %dma_start3A_14 = arith.constant 0 : i32
        %dma_start3A_15 = tpu.memref_slice %arg3[%add3A, %dma_start3A, %dma_start3A_13, %dma_start3A_14] : memref<64x49x16x16xi32, #tpu.memory_space<hbm>> -> memref<1x49x16x16xi32, #tpu.memory_space<hbm>>
        %dma_start3A_16 = tpu.memref_squeeze %dma_start3A_15 : memref<1x49x16x16xi32, #tpu.memory_space<hbm>> -> memref<49x16x16xi32, #tpu.memory_space<hbm>>
        %dma_start3A_17 = arith.constant 0 : i32
        %dma_start3A_18 = arith.constant 0 : i32
        %dma_start3A_19 = arith.constant 0 : i32
        %dma_start3A_20 = tpu.memref_slice %arg3[%add3A, %dma_start3A_17, %dma_start3A_18, %dma_start3A_19] : memref<64x49x16x16xi32, #tpu.memory_space<hbm>> -> memref<1x49x16x16xi32, #tpu.memory_space<hbm>>
        %dma_start3A_21 = tpu.memref_squeeze %dma_start3A_20 : memref<1x49x16x16xi32, #tpu.memory_space<hbm>> -> memref<49x16x16xi32, #tpu.memory_space<hbm>>
        tpu.enqueue_dma source(%dma_start3A_21 : memref<49x16x16xi32, #tpu.memory_space<hbm>>) target(%arg7 : memref<49x16x16xi32, #tpu.memory_space<vmem>>) target_semaphore(%run_scoped3A : memref<!tpu.dma_semaphore, #tpu.memory_space<semaphore_mem>>)
        %dma_wait3A = arith.constant 0 : i32
        %dma_wait3A_22 = arith.constant 0 : i32
        %dma_wait3A_23 = arith.constant 0 : i32
        %dma_wait3A_24 = tpu.memref_slice %arg3[%add3A, %dma_wait3A, %dma_wait3A_22, %dma_wait3A_23] : memref<64x49x16x16xi32, #tpu.memory_space<hbm>> -> memref<1x49x16x16xi32, #tpu.memory_space<hbm>>
        %dma_wait3A_25 = tpu.memref_squeeze %dma_wait3A_24 : memref<1x49x16x16xi32, #tpu.memory_space<hbm>> -> memref<49x16x16xi32, #tpu.memory_space<hbm>>
        %dma_wait3A_26 = arith.constant 0 : i32
        %dma_wait3A_27 = arith.constant 0 : i32
        %dma_wait3A_28 = arith.constant 0 : i32
        %dma_wait3A_29 = tpu.memref_slice %arg3[%add3A, %dma_wait3A_26, %dma_wait3A_27, %dma_wait3A_28] : memref<64x49x16x16xi32, #tpu.memory_space<hbm>> -> memref<1x49x16x16xi32, #tpu.memory_space<hbm>>
        %dma_wait3A_30 = tpu.memref_squeeze %dma_wait3A_29 : memref<1x49x16x16xi32, #tpu.memory_space<hbm>> -> memref<49x16x16xi32, #tpu.memory_space<hbm>>
        tpu.wait_dma2 semaphore(%run_scoped3A : memref<!tpu.dma_semaphore, #tpu.memory_space<semaphore_mem>>) src(%dma_wait3A_30 : memref<49x16x16xi32, #tpu.memory_space<hbm>>) dst(%arg7 : memref<49x16x16xi32, #tpu.memory_space<vmem>>)
        tpu.yield
      }) : () -> ()
      "tpu.region"() ({
        %run_scoped3A = tpu.sem_alloc : memref<!tpu.dma_semaphore, #tpu.memory_space<semaphore_mem>>
        %dma_start3A = arith.constant 0 : i32
        %dma_start3A_13 = arith.constant 0 : i32
        %dma_start3A_14 = arith.constant 0 : i32
        %dma_start3A_15 = tpu.memref_slice %arg4[%add3A, %dma_start3A, %dma_start3A_13, %dma_start3A_14] : memref<64x49x16x16xf32, #tpu.memory_space<hbm>> -> memref<1x49x16x16xf32, #tpu.memory_space<hbm>>
        %dma_start3A_16 = tpu.memref_squeeze %dma_start3A_15 : memref<1x49x16x16xf32, #tpu.memory_space<hbm>> -> memref<49x16x16xf32, #tpu.memory_space<hbm>>
        %dma_start3A_17 = arith.constant 0 : i32
        %dma_start3A_18 = arith.constant 0 : i32
        %dma_start3A_19 = arith.constant 0 : i32
        %dma_start3A_20 = tpu.memref_slice %arg4[%add3A, %dma_start3A_17, %dma_start3A_18, %dma_start3A_19] : memref<64x49x16x16xf32, #tpu.memory_space<hbm>> -> memref<1x49x16x16xf32, #tpu.memory_space<hbm>>
        %dma_start3A_21 = tpu.memref_squeeze %dma_start3A_20 : memref<1x49x16x16xf32, #tpu.memory_space<hbm>> -> memref<49x16x16xf32, #tpu.memory_space<hbm>>
        tpu.enqueue_dma source(%dma_start3A_21 : memref<49x16x16xf32, #tpu.memory_space<hbm>>) target(%arg8 : memref<49x16x16xf32, #tpu.memory_space<vmem>>) target_semaphore(%run_scoped3A : memref<!tpu.dma_semaphore, #tpu.memory_space<semaphore_mem>>)
        %dma_wait3A = arith.constant 0 : i32
        %dma_wait3A_22 = arith.constant 0 : i32
        %dma_wait3A_23 = arith.constant 0 : i32
        %dma_wait3A_24 = tpu.memref_slice %arg4[%add3A, %dma_wait3A, %dma_wait3A_22, %dma_wait3A_23] : memref<64x49x16x16xf32, #tpu.memory_space<hbm>> -> memref<1x49x16x16xf32, #tpu.memory_space<hbm>>
        %dma_wait3A_25 = tpu.memref_squeeze %dma_wait3A_24 : memref<1x49x16x16xf32, #tpu.memory_space<hbm>> -> memref<49x16x16xf32, #tpu.memory_space<hbm>>
        %dma_wait3A_26 = arith.constant 0 : i32
        %dma_wait3A_27 = arith.constant 0 : i32
        %dma_wait3A_28 = arith.constant 0 : i32
        %dma_wait3A_29 = tpu.memref_slice %arg4[%add3A, %dma_wait3A_26, %dma_wait3A_27, %dma_wait3A_28] : memref<64x49x16x16xf32, #tpu.memory_space<hbm>> -> memref<1x49x16x16xf32, #tpu.memory_space<hbm>>
        %dma_wait3A_30 = tpu.memref_squeeze %dma_wait3A_29 : memref<1x49x16x16xf32, #tpu.memory_space<hbm>> -> memref<49x16x16xf32, #tpu.memory_space<hbm>>
        tpu.wait_dma2 semaphore(%run_scoped3A : memref<!tpu.dma_semaphore, #tpu.memory_space<semaphore_mem>>) src(%dma_wait3A_30 : memref<49x16x16xf32, #tpu.memory_space<hbm>>) dst(%arg8 : memref<49x16x16xf32, #tpu.memory_space<vmem>>)
        tpu.yield
      }) : () -> ()
      %scan3A_7 = arith.constant 0 : i32
      %scan3A_8 = arith.constant 0 : i32
      %scan3A_9 = arith.constant 49 : i32
      %scan3A_10 = arith.addi %scan3A_8, %scan3A_9 : i32
      %scan3A_11 = arith.constant 1 : i32
      scf.for %scan3A_13 = %scan3A_8 to %scan3A_10 step %scan3A_11  : i32 {
        %broadcast_in_dim3A = arith.constant 0.000000e+00 : f32
        %broadcast_in_dim3A_14 = vector.broadcast %broadcast_in_dim3A : f32 to vector<16xf32>
        %broadcast_in_dim3A_15 = arith.constant 0.000000e+00 : f32
        %broadcast_in_dim3A_16 = vector.broadcast %broadcast_in_dim3A_15 : f32 to vector<16xf32>
        %broadcast_in_dim3A_17 = arith.constant 0.000000e+00 : f32
        %broadcast_in_dim3A_18 = vector.broadcast %broadcast_in_dim3A_17 : f32 to vector<16xf32>
        %broadcast_in_dim3A_19 = arith.constant 0.000000e+00 : f32
        %broadcast_in_dim3A_20 = vector.broadcast %broadcast_in_dim3A_19 : f32 to vector<16xf32>
        %broadcast_in_dim3A_21 = arith.constant 0.000000e+00 : f32
        %broadcast_in_dim3A_22 = vector.broadcast %broadcast_in_dim3A_21 : f32 to vector<16xf32>
        %broadcast_in_dim3A_23 = arith.constant 0.000000e+00 : f32
        %broadcast_in_dim3A_24 = vector.broadcast %broadcast_in_dim3A_23 : f32 to vector<16xf32>
        %broadcast_in_dim3A_25 = arith.constant 0.000000e+00 : f32
        %broadcast_in_dim3A_26 = vector.broadcast %broadcast_in_dim3A_25 : f32 to vector<16xf32>
        %broadcast_in_dim3A_27 = arith.constant 0.000000e+00 : f32
        %broadcast_in_dim3A_28 = vector.broadcast %broadcast_in_dim3A_27 : f32 to vector<16xf32>
        %broadcast_in_dim3A_29 = arith.constant 0.000000e+00 : f32
        %broadcast_in_dim3A_30 = vector.broadcast %broadcast_in_dim3A_29 : f32 to vector<16xf32>
        %broadcast_in_dim3A_31 = arith.constant 0.000000e+00 : f32
        %broadcast_in_dim3A_32 = vector.broadcast %broadcast_in_dim3A_31 : f32 to vector<16xf32>
        %broadcast_in_dim3A_33 = arith.constant 0.000000e+00 : f32
        %broadcast_in_dim3A_34 = vector.broadcast %broadcast_in_dim3A_33 : f32 to vector<16xf32>
        %broadcast_in_dim3A_35 = arith.constant 0.000000e+00 : f32
        %broadcast_in_dim3A_36 = vector.broadcast %broadcast_in_dim3A_35 : f32 to vector<16xf32>
        %broadcast_in_dim3A_37 = arith.constant 0.000000e+00 : f32
        %broadcast_in_dim3A_38 = vector.broadcast %broadcast_in_dim3A_37 : f32 to vector<16xf32>
        %broadcast_in_dim3A_39 = arith.constant 0.000000e+00 : f32
        %broadcast_in_dim3A_40 = vector.broadcast %broadcast_in_dim3A_39 : f32 to vector<16xf32>
        %broadcast_in_dim3A_41 = arith.constant 0.000000e+00 : f32
        %broadcast_in_dim3A_42 = vector.broadcast %broadcast_in_dim3A_41 : f32 to vector<16xf32>
        %broadcast_in_dim3A_43 = arith.constant 0.000000e+00 : f32
        %broadcast_in_dim3A_44 = vector.broadcast %broadcast_in_dim3A_43 : f32 to vector<16xf32>
        %get3A = arith.constant 0 : i32
        %get3A_45 = arith.index_cast %scan3A_13 : i32 to index
        %get3A_46 = arith.index_cast %get3A : i32 to index
        %get3A_47 = arith.constant 0 : index
        %get3A_48 = tpu.vector_load %arg7[%get3A_45, %get3A_46, %get3A_47] {strides = array<i32>} : memref<49x16x16xi32, #tpu.memory_space<vmem>>, vector<16xi32>,
        %get3A_49 = arith.constant 0 : i32
        %get3A_50 = arith.index_cast %scan3A_13 : i32 to index
        %get3A_51 = arith.index_cast %get3A_49 : i32 to index
        %get3A_52 = arith.constant 0 : index
        %get3A_53 = tpu.vector_load %arg8[%get3A_50, %get3A_51, %get3A_52] {strides = array<i32>} : memref<49x16x16xf32, #tpu.memory_space<vmem>>, vector<16xf32>,
        %add3A_54 = arith.constant 0 : i32
        %add3A_55 = vector.broadcast %add3A_54 : i32 to vector<16xi32>
        %add3A_56 = arith.addi %get3A_48, %add3A_55 : vector<16xi32>
        %gather3A = tpu.vector_load_idx %arg6[%add3A_56] : memref<80000xf32, #tpu.memory_space<vmem>>[vector<16xi32>], vector<16xf32>,
        %mul3A_57 = arith.mulf %get3A_53, %gather3A : vector<16xf32>
        %add3A_58 = arith.addf %broadcast_in_dim3A_14, %mul3A_57 : vector<16xf32>
        %add3A_59 = arith.constant 5000 : i32
        %add3A_60 = vector.broadcast %add3A_59 : i32 to vector<16xi32>
        %add3A_61 = arith.addi %get3A_48, %add3A_60 : vector<16xi32>
        %gather3A_62 = tpu.vector_load_idx %arg6[%add3A_61] : memref<80000xf32, #tpu.memory_space<vmem>>[vector<16xi32>], vector<16xf32>,
        %mul3A_63 = arith.mulf %get3A_53, %gather3A_62 : vector<16xf32>
        %add3A_64 = arith.addf %broadcast_in_dim3A_16, %mul3A_63 : vector<16xf32>
        %add3A_65 = arith.constant 10000 : i32
        %add3A_66 = vector.broadcast %add3A_65 : i32 to vector<16xi32>
        %add3A_67 = arith.addi %get3A_48, %add3A_66 : vector<16xi32>
        %gather3A_68 = tpu.vector_load_idx %arg6[%add3A_67] : memref<80000xf32, #tpu.memory_space<vmem>>[vector<16xi32>], vector<16xf32>,
        %mul3A_69 = arith.mulf %get3A_53, %gather3A_68 : vector<16xf32>
        %add3A_70 = arith.addf %broadcast_in_dim3A_18, %mul3A_69 : vector<16xf32>
        %add3A_71 = arith.constant 15000 : i32
        %add3A_72 = vector.broadcast %add3A_71 : i32 to vector<16xi32>
        %add3A_73 = arith.addi %get3A_48, %add3A_72 : vector<16xi32>
        %gather3A_74 = tpu.vector_load_idx %arg6[%add3A_73] : memref<80000xf32, #tpu.memory_space<vmem>>[vector<16xi32>], vector<16xf32>,
        %mul3A_75 = arith.mulf %get3A_53, %gather3A_74 : vector<16xf32>
        %add3A_76 = arith.addf %broadcast_in_dim3A_20, %mul3A_75 : vector<16xf32>
        %add3A_77 = arith.constant 20000 : i32
        %add3A_78 = vector.broadcast %add3A_77 : i32 to vector<16xi32>
        %add3A_79 = arith.addi %get3A_48, %add3A_78 : vector<16xi32>
        %gather3A_80 = tpu.vector_load_idx %arg6[%add3A_79] : memref<80000xf32, #tpu.memory_space<vmem>>[vector<16xi32>], vector<16xf32>,
        %mul3A_81 = arith.mulf %get3A_53, %gather3A_80 : vector<16xf32>
        %add3A_82 = arith.addf %broadcast_in_dim3A_22, %mul3A_81 : vector<16xf32>
        %add3A_83 = arith.constant 25000 : i32
        %add3A_84 = vector.broadcast %add3A_83 : i32 to vector<16xi32>
        %add3A_85 = arith.addi %get3A_48, %add3A_84 : vector<16xi32>
        %gather3A_86 = tpu.vector_load_idx %arg6[%add3A_85] : memref<80000xf32, #tpu.memory_space<vmem>>[vector<16xi32>], vector<16xf32>,
        %mul3A_87 = arith.mulf %get3A_53, %gather3A_86 : vector<16xf32>
        %add3A_88 = arith.addf %broadcast_in_dim3A_24, %mul3A_87 : vector<16xf32>
        %add3A_89 = arith.constant 30000 : i32
        %add3A_90 = vector.broadcast %add3A_89 : i32 to vector<16xi32>
        %add3A_91 = arith.addi %get3A_48, %add3A_90 : vector<16xi32>
        %gather3A_92 = tpu.vector_load_idx %arg6[%add3A_91] : memref<80000xf32, #tpu.memory_space<vmem>>[vector<16xi32>], vector<16xf32>,
        %mul3A_93 = arith.mulf %get3A_53, %gather3A_92 : vector<16xf32>
        %add3A_94 = arith.addf %broadcast_in_dim3A_26, %mul3A_93 : vector<16xf32>
        %add3A_95 = arith.constant 35000 : i32
        %add3A_96 = vector.broadcast %add3A_95 : i32 to vector<16xi32>
        %add3A_97 = arith.addi %get3A_48, %add3A_96 : vector<16xi32>
        %gather3A_98 = tpu.vector_load_idx %arg6[%add3A_97] : memref<80000xf32, #tpu.memory_space<vmem>>[vector<16xi32>], vector<16xf32>,
        %mul3A_99 = arith.mulf %get3A_53, %gather3A_98 : vector<16xf32>
        %add3A_100 = arith.addf %broadcast_in_dim3A_28, %mul3A_99 : vector<16xf32>
        %add3A_101 = arith.constant 40000 : i32
        %add3A_102 = vector.broadcast %add3A_101 : i32 to vector<16xi32>
        %add3A_103 = arith.addi %get3A_48, %add3A_102 : vector<16xi32>
        %gather3A_104 = tpu.vector_load_idx %arg6[%add3A_103] : memref<80000xf32, #tpu.memory_space<vmem>>[vector<16xi32>], vector<16xf32>,
        %mul3A_105 = arith.mulf %get3A_53, %gather3A_104 : vector<16xf32>
        %add3A_106 = arith.addf %broadcast_in_dim3A_30, %mul3A_105 : vector<16xf32>
        %add3A_107 = arith.constant 45000 : i32
        %add3A_108 = vector.broadcast %add3A_107 : i32 to vector<16xi32>
        %add3A_109 = arith.addi %get3A_48, %add3A_108 : vector<16xi32>
        %gather3A_110 = tpu.vector_load_idx %arg6[%add3A_109] : memref<80000xf32, #tpu.memory_space<vmem>>[vector<16xi32>], vector<16xf32>,
        %mul3A_111 = arith.mulf %get3A_53, %gather3A_110 : vector<16xf32>
        %add3A_112 = arith.addf %broadcast_in_dim3A_32, %mul3A_111 : vector<16xf32>
        %add3A_113 = arith.constant 50000 : i32
        %add3A_114 = vector.broadcast %add3A_113 : i32 to vector<16xi32>
        %add3A_115 = arith.addi %get3A_48, %add3A_114 : vector<16xi32>
        %gather3A_116 = tpu.vector_load_idx %arg6[%add3A_115] : memref<80000xf32, #tpu.memory_space<vmem>>[vector<16xi32>], vector<16xf32>,
        %mul3A_117 = arith.mulf %get3A_53, %gather3A_116 : vector<16xf32>
        %add3A_118 = arith.addf %broadcast_in_dim3A_34, %mul3A_117 : vector<16xf32>
        %add3A_119 = arith.constant 55000 : i32
        %add3A_120 = vector.broadcast %add3A_119 : i32 to vector<16xi32>
        %add3A_121 = arith.addi %get3A_48, %add3A_120 : vector<16xi32>
        %gather3A_122 = tpu.vector_load_idx %arg6[%add3A_121] : memref<80000xf32, #tpu.memory_space<vmem>>[vector<16xi32>], vector<16xf32>,
        %mul3A_123 = arith.mulf %get3A_53, %gather3A_122 : vector<16xf32>
        %add3A_124 = arith.addf %broadcast_in_dim3A_36, %mul3A_123 : vector<16xf32>
        %add3A_125 = arith.constant 60000 : i32
        %add3A_126 = vector.broadcast %add3A_125 : i32 to vector<16xi32>
        %add3A_127 = arith.addi %get3A_48, %add3A_126 : vector<16xi32>
        %gather3A_128 = tpu.vector_load_idx %arg6[%add3A_127] : memref<80000xf32, #tpu.memory_space<vmem>>[vector<16xi32>], vector<16xf32>,
        %mul3A_129 = arith.mulf %get3A_53, %gather3A_128 : vector<16xf32>
        %add3A_130 = arith.addf %broadcast_in_dim3A_38, %mul3A_129 : vector<16xf32>
        %add3A_131 = arith.constant 65000 : i32
        %add3A_132 = vector.broadcast %add3A_131 : i32 to vector<16xi32>
        %add3A_133 = arith.addi %get3A_48, %add3A_132 : vector<16xi32>
        %gather3A_134 = tpu.vector_load_idx %arg6[%add3A_133] : memref<80000xf32, #tpu.memory_space<vmem>>[vector<16xi32>], vector<16xf32>,
        %mul3A_135 = arith.mulf %get3A_53, %gather3A_134 : vector<16xf32>
        %add3A_136 = arith.addf %broadcast_in_dim3A_40, %mul3A_135 : vector<16xf32>
        %add3A_137 = arith.constant 70000 : i32
        %add3A_138 = vector.broadcast %add3A_137 : i32 to vector<16xi32>
        %add3A_139 = arith.addi %get3A_48, %add3A_138 : vector<16xi32>
        %gather3A_140 = tpu.vector_load_idx %arg6[%add3A_139] : memref<80000xf32, #tpu.memory_space<vmem>>[vector<16xi32>], vector<16xf32>,
        %mul3A_141 = arith.mulf %get3A_53, %gather3A_140 : vector<16xf32>
        %add3A_142 = arith.addf %broadcast_in_dim3A_42, %mul3A_141 : vector<16xf32>
        %add3A_143 = arith.constant 75000 : i32
        %add3A_144 = vector.broadcast %add3A_143 : i32 to vector<16xi32>
        %add3A_145 = arith.addi %get3A_48, %add3A_144 : vector<16xi32>
        %gather3A_146 = tpu.vector_load_idx %arg6[%add3A_145] : memref<80000xf32, #tpu.memory_space<vmem>>[vector<16xi32>], vector<16xf32>,
        %mul3A_147 = arith.mulf %get3A_53, %gather3A_146 : vector<16xf32>
        %add3A_148 = arith.addf %broadcast_in_dim3A_44, %mul3A_147 : vector<16xf32>
        %get3A_149 = arith.constant 1 : i32
        %get3A_150 = arith.index_cast %scan3A_13 : i32 to index
        %get3A_151 = arith.index_cast %get3A_149 : i32 to index
        %get3A_152 = arith.constant 0 : index
        %get3A_153 = tpu.vector_load %arg7[%get3A_150, %get3A_151, %get3A_152] {strides = array<i32>} : memref<49x16x16xi32, #tpu.memory_space<vmem>>, vector<16xi32>,
        %get3A_154 = arith.constant 1 : i32
        %get3A_155 = arith.index_cast %scan3A_13 : i32 to index
        %get3A_156 = arith.index_cast %get3A_154 : i32 to index
        %get3A_157 = arith.constant 0 : index
        %get3A_158 = tpu.vector_load %arg8[%get3A_155, %get3A_156, %get3A_157] {strides = array<i32>} : memref<49x16x16xf32, #tpu.memory_space<vmem>>, vector<16xf32>,
        %add3A_159 = arith.constant 0 : i32
        %add3A_160 = vector.broadcast %add3A_159 : i32 to vector<16xi32>
        %add3A_161 = arith.addi %get3A_153, %add3A_160 : vector<16xi32>
        %gather3A_162 = tpu.vector_load_idx %arg6[%add3A_161] : memref<80000xf32, #tpu.memory_space<vmem>>[vector<16xi32>], vector<16xf32>,
        %mul3A_163 = arith.mulf %get3A_158, %gather3A_162 : vector<16xf32>
        %add3A_164 = arith.addf %add3A_58, %mul3A_163 : vector<16xf32>
        %add3A_165 = arith.constant 5000 : i32
        %add3A_166 = vector.broadcast %add3A_165 : i32 to vector<16xi32>
        %add3A_167 = arith.addi %get3A_153, %add3A_166 : vector<16xi32>
        %gather3A_168 = tpu.vector_load_idx %arg6[%add3A_167] : memref<80000xf32, #tpu.memory_space<vmem>>[vector<16xi32>], vector<16xf32>,
        %mul3A_169 = arith.mulf %get3A_158, %gather3A_168 : vector<16xf32>
        %add3A_170 = arith.addf %add3A_64, %mul3A_169 : vector<16xf32>
        %add3A_171 = arith.constant 10000 : i32
        %add3A_172 = vector.broadcast %add3A_171 : i32 to vector<16xi32>
        %add3A_173 = arith.addi %get3A_153, %add3A_172 : vector<16xi32>
        %gather3A_174 = tpu.vector_load_idx %arg6[%add3A_173] : memref<80000xf32, #tpu.memory_space<vmem>>[vector<16xi32>], vector<16xf32>,
        %mul3A_175 = arith.mulf %get3A_158, %gather3A_174 : vector<16xf32>
        %add3A_176 = arith.addf %add3A_70, %mul3A_175 : vector<16xf32>
        %add3A_177 = arith.constant 15000 : i32
        %add3A_178 = vector.broadcast %add3A_177 : i32 to vector<16xi32>
        %add3A_179 = arith.addi %get3A_153, %add3A_178 : vector<16xi32>
        %gather3A_180 = tpu.vector_load_idx %arg6[%add3A_179] : memref<80000xf32, #tpu.memory_space<vmem>>[vector<16xi32>], vector<16xf32>,
        %mul3A_181 = arith.mulf %get3A_158, %gather3A_180 : vector<16xf32>
        %add3A_182 = arith.addf %add3A_76, %mul3A_181 : vector<16xf32>
        %add3A_183 = arith.constant 20000 : i32
        %add3A_184 = vector.broadcast %add3A_183 : i32 to vector<16xi32>
        %add3A_185 = arith.addi %get3A_153, %add3A_184 : vector<16xi32>
        %gather3A_186 = tpu.vector_load_idx %arg6[%add3A_185] : memref<80000xf32, #tpu.memory_space<vmem>>[vector<16xi32>], vector<16xf32>,
        %mul3A_187 = arith.mulf %get3A_158, %gather3A_186 : vector<16xf32>
        %add3A_188 = arith.addf %add3A_82, %mul3A_187 : vector<16xf32>
        %add3A_189 = arith.constant 25000 : i32
        %add3A_190 = vector.broadcast %add3A_189 : i32 to vector<16xi32>
        %add3A_191 = arith.addi %get3A_153, %add3A_190 : vector<16xi32>
        %gather3A_192 = tpu.vector_load_idx %arg6[%add3A_191] : memref<80000xf32, #tpu.memory_space<vmem>>[vector<16xi32>], vector<16xf32>,
        %mul3A_193 = arith.mulf %get3A_158, %gather3A_192 : vector<16xf32>
        %add3A_194 = arith.addf %add3A_88, %mul3A_193 : vector<16xf32>
        %add3A_195 = arith.constant 30000 : i32
        %add3A_196 = vector.broadcast %add3A_195 : i32 to vector<16xi32>
        %add3A_197 = arith.addi %get3A_153, %add3A_196 : vector<16xi32>
        %gather3A_198 = tpu.vector_load_idx %arg6[%add3A_197] : memref<80000xf32, #tpu.memory_space<vmem>>[vector<16xi32>], vector<16xf32>,
        %mul3A_199 = arith.mulf %get3A_158, %gather3A_198 : vector<16xf32>
        %add3A_200 = arith.addf %add3A_94, %mul3A_199 : vector<16xf32>
        %add3A_201 = arith.constant 35000 : i32
        %add3A_202 = vector.broadcast %add3A_201 : i32 to vector<16xi32>
        %add3A_203 = arith.addi %get3A_153, %add3A_202 : vector<16xi32>
        %gather3A_204 = tpu.vector_load_idx %arg6[%add3A_203] : memref<80000xf32, #tpu.memory_space<vmem>>[vector<16xi32>], vector<16xf32>,
        %mul3A_205 = arith.mulf %get3A_158, %gather3A_204 : vector<16xf32>
        %add3A_206 = arith.addf %add3A_100, %mul3A_205 : vector<16xf32>
        %add3A_207 = arith.constant 40000 : i32
        %add3A_208 = vector.broadcast %add3A_207 : i32 to vector<16xi32>
        %add3A_209 = arith.addi %get3A_153, %add3A_208 : vector<16xi32>
        %gather3A_210 = tpu.vector_load_idx %arg6[%add3A_209] : memref<80000xf32, #tpu.memory_space<vmem>>[vector<16xi32>], vector<16xf32>,
        %mul3A_211 = arith.mulf %get3A_158, %gather3A_210 : vector<16xf32>
        %add3A_212 = arith.addf %add3A_106, %mul3A_211 : vector<16xf32>
        %add3A_213 = arith.constant 45000 : i32
        %add3A_214 = vector.broadcast %add3A_213 : i32 to vector<16xi32>
        %add3A_215 = arith.addi %get3A_153, %add3A_214 : vector<16xi32>
        %gather3A_216 = tpu.vector_load_idx %arg6[%add3A_215] : memref<80000xf32, #tpu.memory_space<vmem>>[vector<16xi32>], vector<16xf32>,
        %mul3A_217 = arith.mulf %get3A_158, %gather3A_216 : vector<16xf32>
        %add3A_218 = arith.addf %add3A_112, %mul3A_217 : vector<16xf32>
        %add3A_219 = arith.constant 50000 : i32
        %add3A_220 = vector.broadcast %add3A_219 : i32 to vector<16xi32>
        %add3A_221 = arith.addi %get3A_153, %add3A_220 : vector<16xi32>
        %gather3A_222 = tpu.vector_load_idx %arg6[%add3A_221] : memref<80000xf32, #tpu.memory_space<vmem>>[vector<16xi32>], vector<16xf32>,
        %mul3A_223 = arith.mulf %get3A_158, %gather3A_222 : vector<16xf32>
        %add3A_224 = arith.addf %add3A_118, %mul3A_223 : vector<16xf32>
        %add3A_225 = arith.constant 55000 : i32
        %add3A_226 = vector.broadcast %add3A_225 : i32 to vector<16xi32>
        %add3A_227 = arith.addi %get3A_153, %add3A_226 : vector<16xi32>
        %gather3A_228 = tpu.vector_load_idx %arg6[%add3A_227] : memref<80000xf32, #tpu.memory_space<vmem>>[vector<16xi32>], vector<16xf32>,
        %mul3A_229 = arith.mulf %get3A_158, %gather3A_228 : vector<16xf32>
        %add3A_230 = arith.addf %add3A_124, %mul3A_229 : vector<16xf32>
        %add3A_231 = arith.constant 60000 : i32
        %add3A_232 = vector.broadcast %add3A_231 : i32 to vector<16xi32>
        %add3A_233 = arith.addi %get3A_153, %add3A_232 : vector<16xi32>
        %gather3A_234 = tpu.vector_load_idx %arg6[%add3A_233] : memref<80000xf32, #tpu.memory_space<vmem>>[vector<16xi32>], vector<16xf32>,
        %mul3A_235 = arith.mulf %get3A_158, %gather3A_234 : vector<16xf32>
        %add3A_236 = arith.addf %add3A_130, %mul3A_235 : vector<16xf32>
        %add3A_237 = arith.constant 65000 : i32
        %add3A_238 = vector.broadcast %add3A_237 : i32 to vector<16xi32>
        %add3A_239 = arith.addi %get3A_153, %add3A_238 : vector<16xi32>
        %gather3A_240 = tpu.vector_load_idx %arg6[%add3A_239] : memref<80000xf32, #tpu.memory_space<vmem>>[vector<16xi32>], vector<16xf32>,
        %mul3A_241 = arith.mulf %get3A_158, %gather3A_240 : vector<16xf32>
        %add3A_242 = arith.addf %add3A_136, %mul3A_241 : vector<16xf32>
        %add3A_243 = arith.constant 70000 : i32
        %add3A_244 = vector.broadcast %add3A_243 : i32 to vector<16xi32>
        %add3A_245 = arith.addi %get3A_153, %add3A_244 : vector<16xi32>
        %gather3A_246 = tpu.vector_load_idx %arg6[%add3A_245] : memref<80000xf32, #tpu.memory_space<vmem>>[vector<16xi32>], vector<16xf32>,
        %mul3A_247 = arith.mulf %get3A_158, %gather3A_246 : vector<16xf32>
        %add3A_248 = arith.addf %add3A_142, %mul3A_247 : vector<16xf32>
        %add3A_249 = arith.constant 75000 : i32
        %add3A_250 = vector.broadcast %add3A_249 : i32 to vector<16xi32>
        %add3A_251 = arith.addi %get3A_153, %add3A_250 : vector<16xi32>
        %gather3A_252 = tpu.vector_load_idx %arg6[%add3A_251] : memref<80000xf32, #tpu.memory_space<vmem>>[vector<16xi32>], vector<16xf32>,
        %mul3A_253 = arith.mulf %get3A_158, %gather3A_252 : vector<16xf32>
        %add3A_254 = arith.addf %add3A_148, %mul3A_253 : vector<16xf32>
        %get3A_255 = arith.constant 2 : i32
        %get3A_256 = arith.index_cast %scan3A_13 : i32 to index
        %get3A_257 = arith.index_cast %get3A_255 : i32 to index
        %get3A_258 = arith.constant 0 : index
        %get3A_259 = tpu.vector_load %arg7[%get3A_256, %get3A_257, %get3A_258] {strides = array<i32>} : memref<49x16x16xi32, #tpu.memory_space<vmem>>, vector<16xi32>,
        %get3A_260 = arith.constant 2 : i32
        %get3A_261 = arith.index_cast %scan3A_13 : i32 to index
        %get3A_262 = arith.index_cast %get3A_260 : i32 to index
        %get3A_263 = arith.constant 0 : index
        %get3A_264 = tpu.vector_load %arg8[%get3A_261, %get3A_262, %get3A_263] {strides = array<i32>} : memref<49x16x16xf32, #tpu.memory_space<vmem>>, vector<16xf32>,
        %add3A_265 = arith.constant 0 : i32
        %add3A_266 = vector.broadcast %add3A_265 : i32 to vector<16xi32>
        %add3A_267 = arith.addi %get3A_259, %add3A_266 : vector<16xi32>
        %gather3A_268 = tpu.vector_load_idx %arg6[%add3A_267] : memref<80000xf32, #tpu.memory_space<vmem>>[vector<16xi32>], vector<16xf32>,
        %mul3A_269 = arith.mulf %get3A_264, %gather3A_268 : vector<16xf32>
        %add3A_270 = arith.addf %add3A_164, %mul3A_269 : vector<16xf32>
        %add3A_271 = arith.constant 5000 : i32
        %add3A_272 = vector.broadcast %add3A_271 : i32 to vector<16xi32>
        %add3A_273 = arith.addi %get3A_259, %add3A_272 : vector<16xi32>
        %gather3A_274 = tpu.vector_load_idx %arg6[%add3A_273] : memref<80000xf32, #tpu.memory_space<vmem>>[vector<16xi32>], vector<16xf32>,
        %mul3A_275 = arith.mulf %get3A_264, %gather3A_274 : vector<16xf32>
        %add3A_276 = arith.addf %add3A_170, %mul3A_275 : vector<16xf32>
        %add3A_277 = arith.constant 10000 : i32
        %add3A_278 = vector.broadcast %add3A_277 : i32 to vector<16xi32>
        %add3A_279 = arith.addi %get3A_259, %add3A_278 : vector<16xi32>
        %gather3A_280 = tpu.vector_load_idx %arg6[%add3A_279] : memref<80000xf32, #tpu.memory_space<vmem>>[vector<16xi32>], vector<16xf32>,
        %mul3A_281 = arith.mulf %get3A_264, %gather3A_280 : vector<16xf32>
        %add3A_282 = arith.addf %add3A_176, %mul3A_281 : vector<16xf32>
        %add3A_283 = arith.constant 15000 : i32
        %add3A_284 = vector.broadcast %add3A_283 : i32 to vector<16xi32>
        %add3A_285 = arith.addi %get3A_259, %add3A_284 : vector<16xi32>
        %gather3A_286 = tpu.vector_load_idx %arg6[%add3A_285] : memref<80000xf32, #tpu.memory_space<vmem>>[vector<16xi32>], vector<16xf32>,
        %mul3A_287 = arith.mulf %get3A_264, %gather3A_286 : vector<16xf32>
        %add3A_288 = arith.addf %add3A_182, %mul3A_287 : vector<16xf32>
        %add3A_289 = arith.constant 20000 : i32
        %add3A_290 = vector.broadcast %add3A_289 : i32 to vector<16xi32>
        %add3A_291 = arith.addi %get3A_259, %add3A_290 : vector<16xi32>
        %gather3A_292 = tpu.vector_load_idx %arg6[%add3A_291] : memref<80000xf32, #tpu.memory_space<vmem>>[vector<16xi32>], vector<16xf32>,
        %mul3A_293 = arith.mulf %get3A_264, %gather3A_292 : vector<16xf32>
        %add3A_294 = arith.addf %add3A_188, %mul3A_293 : vector<16xf32>
        %add3A_295 = arith.constant 25000 : i32
        %add3A_296 = vector.broadcast %add3A_295 : i32 to vector<16xi32>
        %add3A_297 = arith.addi %get3A_259, %add3A_296 : vector<16xi32>
        %gather3A_298 = tpu.vector_load_idx %arg6[%add3A_297] : memref<80000xf32, #tpu.memory_space<vmem>>[vector<16xi32>], vector<16xf32>,
        %mul3A_299 = arith.mulf %get3A_264, %gather3A_298 : vector<16xf32>
        %add3A_300 = arith.addf %add3A_194, %mul3A_299 : vector<16xf32>
        %add3A_301 = arith.constant 30000 : i32
        %add3A_302 = vector.broadcast %add3A_301 : i32 to vector<16xi32>
        %add3A_303 = arith.addi %get3A_259, %add3A_302 : vector<16xi32>
        %gather3A_304 = tpu.vector_load_idx %arg6[%add3A_303] : memref<80000xf32, #tpu.memory_space<vmem>>[vector<16xi32>], vector<16xf32>,
        %mul3A_305 = arith.mulf %get3A_264, %gather3A_304 : vector<16xf32>
        %add3A_306 = arith.addf %add3A_200, %mul3A_305 : vector<16xf32>
        %add3A_307 = arith.constant 35000 : i32
        %add3A_308 = vector.broadcast %add3A_307 : i32 to vector<16xi32>
        %add3A_309 = arith.addi %get3A_259, %add3A_308 : vector<16xi32>
        %gather3A_310 = tpu.vector_load_idx %arg6[%add3A_309] : memref<80000xf32, #tpu.memory_space<vmem>>[vector<16xi32>], vector<16xf32>,
        %mul3A_311 = arith.mulf %get3A_264, %gather3A_310 : vector<16xf32>
        %add3A_312 = arith.addf %add3A_206, %mul3A_311 : vector<16xf32>
        %add3A_313 = arith.constant 40000 : i32
        %add3A_314 = vector.broadcast %add3A_313 : i32 to vector<16xi32>
        %add3A_315 = arith.addi %get3A_259, %add3A_314 : vector<16xi32>
        %gather3A_316 = tpu.vector_load_idx %arg6[%add3A_315] : memref<80000xf32, #tpu.memory_space<vmem>>[vector<16xi32>], vector<16xf32>,
        %mul3A_317 = arith.mulf %get3A_264, %gather3A_316 : vector<16xf32>
        %add3A_318 = arith.addf %add3A_212, %mul3A_317 : vector<16xf32>
        %add3A_319 = arith.constant 45000 : i32
        %add3A_320 = vector.broadcast %add3A_319 : i32 to vector<16xi32>
        %add3A_321 = arith.addi %get3A_259, %add3A_320 : vector<16xi32>
        %gather3A_322 = tpu.vector_load_idx %arg6[%add3A_321] : memref<80000xf32, #tpu.memory_space<vmem>>[vector<16xi32>], vector<16xf32>,
        %mul3A_323 = arith.mulf %get3A_264, %gather3A_322 : vector<16xf32>
        %add3A_324 = arith.addf %add3A_218, %mul3A_323 : vector<16xf32>
        %add3A_325 = arith.constant 50000 : i32
        %add3A_326 = vector.broadcast %add3A_325 : i32 to vector<16xi32>
        %add3A_327 = arith.addi %get3A_259, %add3A_326 : vector<16xi32>
        %gather3A_328 = tpu.vector_load_idx %arg6[%add3A_327] : memref<80000xf32, #tpu.memory_space<vmem>>[vector<16xi32>], vector<16xf32>,
        %mul3A_329 = arith.mulf %get3A_264, %gather3A_328 : vector<16xf32>
        %add3A_330 = arith.addf %add3A_224, %mul3A_329 : vector<16xf32>
        %add3A_331 = arith.constant 55000 : i32
        %add3A_332 = vector.broadcast %add3A_331 : i32 to vector<16xi32>
        %add3A_333 = arith.addi %get3A_259, %add3A_332 : vector<16xi32>
        %gather3A_334 = tpu.vector_load_idx %arg6[%add3A_333] : memref<80000xf32, #tpu.memory_space<vmem>>[vector<16xi32>], vector<16xf32>,
        %mul3A_335 = arith.mulf %get3A_264, %gather3A_334 : vector<16xf32>
        %add3A_336 = arith.addf %add3A_230, %mul3A_335 : vector<16xf32>
        %add3A_337 = arith.constant 60000 : i32
        %add3A_338 = vector.broadcast %add3A_337 : i32 to vector<16xi32>
        %add3A_339 = arith.addi %get3A_259, %add3A_338 : vector<16xi32>
        %gather3A_340 = tpu.vector_load_idx %arg6[%add3A_339] : memref<80000xf32, #tpu.memory_space<vmem>>[vector<16xi32>], vector<16xf32>,
        %mul3A_341 = arith.mulf %get3A_264, %gather3A_340 : vector<16xf32>
        %add3A_342 = arith.addf %add3A_236, %mul3A_341 : vector<16xf32>
        %add3A_343 = arith.constant 65000 : i32
        %add3A_344 = vector.broadcast %add3A_343 : i32 to vector<16xi32>
        %add3A_345 = arith.addi %get3A_259, %add3A_344 : vector<16xi32>
        %gather3A_346 = tpu.vector_load_idx %arg6[%add3A_345] : memref<80000xf32, #tpu.memory_space<vmem>>[vector<16xi32>], vector<16xf32>,
        %mul3A_347 = arith.mulf %get3A_264, %gather3A_346 : vector<16xf32>
        %add3A_348 = arith.addf %add3A_242, %mul3A_347 : vector<16xf32>
        %add3A_349 = arith.constant 70000 : i32
        %add3A_350 = vector.broadcast %add3A_349 : i32 to vector<16xi32>
        %add3A_351 = arith.addi %get3A_259, %add3A_350 : vector<16xi32>
        %gather3A_352 = tpu.vector_load_idx %arg6[%add3A_351] : memref<80000xf32, #tpu.memory_space<vmem>>[vector<16xi32>], vector<16xf32>,
        %mul3A_353 = arith.mulf %get3A_264, %gather3A_352 : vector<16xf32>
        %add3A_354 = arith.addf %add3A_248, %mul3A_353 : vector<16xf32>
        %add3A_355 = arith.constant 75000 : i32
        %add3A_356 = vector.broadcast %add3A_355 : i32 to vector<16xi32>
        %add3A_357 = arith.addi %get3A_259, %add3A_356 : vector<16xi32>
        %gather3A_358 = tpu.vector_load_idx %arg6[%add3A_357] : memref<80000xf32, #tpu.memory_space<vmem>>[vector<16xi32>], vector<16xf32>,
        %mul3A_359 = arith.mulf %get3A_264, %gather3A_358 : vector<16xf32>
        %add3A_360 = arith.addf %add3A_254, %mul3A_359 : vector<16xf32>
        %get3A_361 = arith.constant 3 : i32
        %get3A_362 = arith.index_cast %scan3A_13 : i32 to index
        %get3A_363 = arith.index_cast %get3A_361 : i32 to index
        %get3A_364 = arith.constant 0 : index
        %get3A_365 = tpu.vector_load %arg7[%get3A_362, %get3A_363, %get3A_364] {strides = array<i32>} : memref<49x16x16xi32, #tpu.memory_space<vmem>>, vector<16xi32>,
        %get3A_366 = arith.constant 3 : i32
        %get3A_367 = arith.index_cast %scan3A_13 : i32 to index
        %get3A_368 = arith.index_cast %get3A_366 : i32 to index
        %get3A_369 = arith.constant 0 : index
        %get3A_370 = tpu.vector_load %arg8[%get3A_367, %get3A_368, %get3A_369] {strides = array<i32>} : memref<49x16x16xf32, #tpu.memory_space<vmem>>, vector<16xf32>,
        %add3A_371 = arith.constant 0 : i32
        %add3A_372 = vector.broadcast %add3A_371 : i32 to vector<16xi32>
        %add3A_373 = arith.addi %get3A_365, %add3A_372 : vector<16xi32>
        %gather3A_374 = tpu.vector_load_idx %arg6[%add3A_373] : memref<80000xf32, #tpu.memory_space<vmem>>[vector<16xi32>], vector<16xf32>,
        %mul3A_375 = arith.mulf %get3A_370, %gather3A_374 : vector<16xf32>
        %add3A_376 = arith.addf %add3A_270, %mul3A_375 : vector<16xf32>
        %add3A_377 = arith.constant 5000 : i32
        %add3A_378 = vector.broadcast %add3A_377 : i32 to vector<16xi32>
        %add3A_379 = arith.addi %get3A_365, %add3A_378 : vector<16xi32>
        %gather3A_380 = tpu.vector_load_idx %arg6[%add3A_379] : memref<80000xf32, #tpu.memory_space<vmem>>[vector<16xi32>], vector<16xf32>,
        %mul3A_381 = arith.mulf %get3A_370, %gather3A_380 : vector<16xf32>
        %add3A_382 = arith.addf %add3A_276, %mul3A_381 : vector<16xf32>
        %add3A_383 = arith.constant 10000 : i32
        %add3A_384 = vector.broadcast %add3A_383 : i32 to vector<16xi32>
        %add3A_385 = arith.addi %get3A_365, %add3A_384 : vector<16xi32>
        %gather3A_386 = tpu.vector_load_idx %arg6[%add3A_385] : memref<80000xf32, #tpu.memory_space<vmem>>[vector<16xi32>], vector<16xf32>,
        %mul3A_387 = arith.mulf %get3A_370, %gather3A_386 : vector<16xf32>
        %add3A_388 = arith.addf %add3A_282, %mul3A_387 : vector<16xf32>
        %add3A_389 = arith.constant 15000 : i32
        %add3A_390 = vector.broadcast %add3A_389 : i32 to vector<16xi32>
        %add3A_391 = arith.addi %get3A_365, %add3A_390 : vector<16xi32>
        %gather3A_392 = tpu.vector_load_idx %arg6[%add3A_391] : memref<80000xf32, #tpu.memory_space<vmem>>[vector<16xi32>], vector<16xf32>,
        %mul3A_393 = arith.mulf %get3A_370, %gather3A_392 : vector<16xf32>
        %add3A_394 = arith.addf %add3A_288, %mul3A_393 : vector<16xf32>
        %add3A_395 = arith.constant 20000 : i32
        %add3A_396 = vector.broadcast %add3A_395 : i32 to vector<16xi32>
        %add3A_397 = arith.addi %get3A_365, %add3A_396 : vector<16xi32>
        %gather3A_398 = tpu.vector_load_idx %arg6[%add3A_397] : memref<80000xf32, #tpu.memory_space<vmem>>[vector<16xi32>], vector<16xf32>,
        %mul3A_399 = arith.mulf %get3A_370, %gather3A_398 : vector<16xf32>
        %add3A_400 = arith.addf %add3A_294, %mul3A_399 : vector<16xf32>
        %add3A_401 = arith.constant 25000 : i32
        %add3A_402 = vector.broadcast %add3A_401 : i32 to vector<16xi32>
        %add3A_403 = arith.addi %get3A_365, %add3A_402 : vector<16xi32>
        %gather3A_404 = tpu.vector_load_idx %arg6[%add3A_403] : memref<80000xf32, #tpu.memory_space<vmem>>[vector<16xi32>], vector<16xf32>,
        %mul3A_405 = arith.mulf %get3A_370, %gather3A_404 : vector<16xf32>
        %add3A_406 = arith.addf %add3A_300, %mul3A_405 : vector<16xf32>
        %add3A_407 = arith.constant 30000 : i32
        %add3A_408 = vector.broadcast %add3A_407 : i32 to vector<16xi32>
        %add3A_409 = arith.addi %get3A_365, %add3A_408 : vector<16xi32>
        %gather3A_410 = tpu.vector_load_idx %arg6[%add3A_409] : memref<80000xf32, #tpu.memory_space<vmem>>[vector<16xi32>], vector<16xf32>,
        %mul3A_411 = arith.mulf %get3A_370, %gather3A_410 : vector<16xf32>
        %add3A_412 = arith.addf %add3A_306, %mul3A_411 : vector<16xf32>
        %add3A_413 = arith.constant 35000 : i32
        %add3A_414 = vector.broadcast %add3A_413 : i32 to vector<16xi32>
        %add3A_415 = arith.addi %get3A_365, %add3A_414 : vector<16xi32>
        %gather3A_416 = tpu.vector_load_idx %arg6[%add3A_415] : memref<80000xf32, #tpu.memory_space<vmem>>[vector<16xi32>], vector<16xf32>,
        %mul3A_417 = arith.mulf %get3A_370, %gather3A_416 : vector<16xf32>
        %add3A_418 = arith.addf %add3A_312, %mul3A_417 : vector<16xf32>
        %add3A_419 = arith.constant 40000 : i32
        %add3A_420 = vector.broadcast %add3A_419 : i32 to vector<16xi32>
        %add3A_421 = arith.addi %get3A_365, %add3A_420 : vector<16xi32>
        %gather3A_422 = tpu.vector_load_idx %arg6[%add3A_421] : memref<80000xf32, #tpu.memory_space<vmem>>[vector<16xi32>], vector<16xf32>,
        %mul3A_423 = arith.mulf %get3A_370, %gather3A_422 : vector<16xf32>
        %add3A_424 = arith.addf %add3A_318, %mul3A_423 : vector<16xf32>
        %add3A_425 = arith.constant 45000 : i32
        %add3A_426 = vector.broadcast %add3A_425 : i32 to vector<16xi32>
        %add3A_427 = arith.addi %get3A_365, %add3A_426 : vector<16xi32>
        %gather3A_428 = tpu.vector_load_idx %arg6[%add3A_427] : memref<80000xf32, #tpu.memory_space<vmem>>[vector<16xi32>], vector<16xf32>,
        %mul3A_429 = arith.mulf %get3A_370, %gather3A_428 : vector<16xf32>
        %add3A_430 = arith.addf %add3A_324, %mul3A_429 : vector<16xf32>
        %add3A_431 = arith.constant 50000 : i32
        %add3A_432 = vector.broadcast %add3A_431 : i32 to vector<16xi32>
        %add3A_433 = arith.addi %get3A_365, %add3A_432 : vector<16xi32>
        %gather3A_434 = tpu.vector_load_idx %arg6[%add3A_433] : memref<80000xf32, #tpu.memory_space<vmem>>[vector<16xi32>], vector<16xf32>,
        %mul3A_435 = arith.mulf %get3A_370, %gather3A_434 : vector<16xf32>
        %add3A_436 = arith.addf %add3A_330, %mul3A_435 : vector<16xf32>
        %add3A_437 = arith.constant 55000 : i32
        %add3A_438 = vector.broadcast %add3A_437 : i32 to vector<16xi32>
        %add3A_439 = arith.addi %get3A_365, %add3A_438 : vector<16xi32>
        %gather3A_440 = tpu.vector_load_idx %arg6[%add3A_439] : memref<80000xf32, #tpu.memory_space<vmem>>[vector<16xi32>], vector<16xf32>,
        %mul3A_441 = arith.mulf %get3A_370, %gather3A_440 : vector<16xf32>
        %add3A_442 = arith.addf %add3A_336, %mul3A_441 : vector<16xf32>
        %add3A_443 = arith.constant 60000 : i32
        %add3A_444 = vector.broadcast %add3A_443 : i32 to vector<16xi32>
        %add3A_445 = arith.addi %get3A_365, %add3A_444 : vector<16xi32>
        %gather3A_446 = tpu.vector_load_idx %arg6[%add3A_445] : memref<80000xf32, #tpu.memory_space<vmem>>[vector<16xi32>], vector<16xf32>,
        %mul3A_447 = arith.mulf %get3A_370, %gather3A_446 : vector<16xf32>
        %add3A_448 = arith.addf %add3A_342, %mul3A_447 : vector<16xf32>
        %add3A_449 = arith.constant 65000 : i32
        %add3A_450 = vector.broadcast %add3A_449 : i32 to vector<16xi32>
        %add3A_451 = arith.addi %get3A_365, %add3A_450 : vector<16xi32>
        %gather3A_452 = tpu.vector_load_idx %arg6[%add3A_451] : memref<80000xf32, #tpu.memory_space<vmem>>[vector<16xi32>], vector<16xf32>,
        %mul3A_453 = arith.mulf %get3A_370, %gather3A_452 : vector<16xf32>
        %add3A_454 = arith.addf %add3A_348, %mul3A_453 : vector<16xf32>
        %add3A_455 = arith.constant 70000 : i32
        %add3A_456 = vector.broadcast %add3A_455 : i32 to vector<16xi32>
        %add3A_457 = arith.addi %get3A_365, %add3A_456 : vector<16xi32>
        %gather3A_458 = tpu.vector_load_idx %arg6[%add3A_457] : memref<80000xf32, #tpu.memory_space<vmem>>[vector<16xi32>], vector<16xf32>,
        %mul3A_459 = arith.mulf %get3A_370, %gather3A_458 : vector<16xf32>
        %add3A_460 = arith.addf %add3A_354, %mul3A_459 : vector<16xf32>
        %add3A_461 = arith.constant 75000 : i32
        %add3A_462 = vector.broadcast %add3A_461 : i32 to vector<16xi32>
        %add3A_463 = arith.addi %get3A_365, %add3A_462 : vector<16xi32>
        %gather3A_464 = tpu.vector_load_idx %arg6[%add3A_463] : memref<80000xf32, #tpu.memory_space<vmem>>[vector<16xi32>], vector<16xf32>,
        %mul3A_465 = arith.mulf %get3A_370, %gather3A_464 : vector<16xf32>
        %add3A_466 = arith.addf %add3A_360, %mul3A_465 : vector<16xf32>
        %get3A_467 = arith.constant 4 : i32
        %get3A_468 = arith.index_cast %scan3A_13 : i32 to index
        %get3A_469 = arith.index_cast %get3A_467 : i32 to index
        %get3A_470 = arith.constant 0 : index
        %get3A_471 = tpu.vector_load %arg7[%get3A_468, %get3A_469, %get3A_470] {strides = array<i32>} : memref<49x16x16xi32, #tpu.memory_space<vmem>>, vector<16xi32>,
        %get3A_472 = arith.constant 4 : i32
        %get3A_473 = arith.index_cast %scan3A_13 : i32 to index
        %get3A_474 = arith.index_cast %get3A_472 : i32 to index
        %get3A_475 = arith.constant 0 : index
        %get3A_476 = tpu.vector_load %arg8[%get3A_473, %get3A_474, %get3A_475] {strides = array<i32>} : memref<49x16x16xf32, #tpu.memory_space<vmem>>, vector<16xf32>,
        %add3A_477 = arith.constant 0 : i32
        %add3A_478 = vector.broadcast %add3A_477 : i32 to vector<16xi32>
        %add3A_479 = arith.addi %get3A_471, %add3A_478 : vector<16xi32>
        %gather3A_480 = tpu.vector_load_idx %arg6[%add3A_479] : memref<80000xf32, #tpu.memory_space<vmem>>[vector<16xi32>], vector<16xf32>,
        %mul3A_481 = arith.mulf %get3A_476, %gather3A_480 : vector<16xf32>
        %add3A_482 = arith.addf %add3A_376, %mul3A_481 : vector<16xf32>
        %add3A_483 = arith.constant 5000 : i32
        %add3A_484 = vector.broadcast %add3A_483 : i32 to vector<16xi32>
        %add3A_485 = arith.addi %get3A_471, %add3A_484 : vector<16xi32>
        %gather3A_486 = tpu.vector_load_idx %arg6[%add3A_485] : memref<80000xf32, #tpu.memory_space<vmem>>[vector<16xi32>], vector<16xf32>,
        %mul3A_487 = arith.mulf %get3A_476, %gather3A_486 : vector<16xf32>
        %add3A_488 = arith.addf %add3A_382, %mul3A_487 : vector<16xf32>
        %add3A_489 = arith.constant 10000 : i32
        %add3A_490 = vector.broadcast %add3A_489 : i32 to vector<16xi32>
        %add3A_491 = arith.addi %get3A_471, %add3A_490 : vector<16xi32>
        %gather3A_492 = tpu.vector_load_idx %arg6[%add3A_491] : memref<80000xf32, #tpu.memory_space<vmem>>[vector<16xi32>], vector<16xf32>,
        %mul3A_493 = arith.mulf %get3A_476, %gather3A_492 : vector<16xf32>
        %add3A_494 = arith.addf %add3A_388, %mul3A_493 : vector<16xf32>
        %add3A_495 = arith.constant 15000 : i32
        %add3A_496 = vector.broadcast %add3A_495 : i32 to vector<16xi32>
        %add3A_497 = arith.addi %get3A_471, %add3A_496 : vector<16xi32>
        %gather3A_498 = tpu.vector_load_idx %arg6[%add3A_497] : memref<80000xf32, #tpu.memory_space<vmem>>[vector<16xi32>], vector<16xf32>,
        %mul3A_499 = arith.mulf %get3A_476, %gather3A_498 : vector<16xf32>
        %add3A_500 = arith.addf %add3A_394, %mul3A_499 : vector<16xf32>
        %add3A_501 = arith.constant 20000 : i32
        %add3A_502 = vector.broadcast %add3A_501 : i32 to vector<16xi32>
        %add3A_503 = arith.addi %get3A_471, %add3A_502 : vector<16xi32>
        %gather3A_504 = tpu.vector_load_idx %arg6[%add3A_503] : memref<80000xf32, #tpu.memory_space<vmem>>[vector<16xi32>], vector<16xf32>,
        %mul3A_505 = arith.mulf %get3A_476, %gather3A_504 : vector<16xf32>
        %add3A_506 = arith.addf %add3A_400, %mul3A_505 : vector<16xf32>
        %add3A_507 = arith.constant 25000 : i32
        %add3A_508 = vector.broadcast %add3A_507 : i32 to vector<16xi32>
        %add3A_509 = arith.addi %get3A_471, %add3A_508 : vector<16xi32>
        %gather3A_510 = tpu.vector_load_idx %arg6[%add3A_509] : memref<80000xf32, #tpu.memory_space<vmem>>[vector<16xi32>], vector<16xf32>,
        %mul3A_511 = arith.mulf %get3A_476, %gather3A_510 : vector<16xf32>
        %add3A_512 = arith.addf %add3A_406, %mul3A_511 : vector<16xf32>
        %add3A_513 = arith.constant 30000 : i32
        %add3A_514 = vector.broadcast %add3A_513 : i32 to vector<16xi32>
        %add3A_515 = arith.addi %get3A_471, %add3A_514 : vector<16xi32>
        %gather3A_516 = tpu.vector_load_idx %arg6[%add3A_515] : memref<80000xf32, #tpu.memory_space<vmem>>[vector<16xi32>], vector<16xf32>,
        %mul3A_517 = arith.mulf %get3A_476, %gather3A_516 : vector<16xf32>
        %add3A_518 = arith.addf %add3A_412, %mul3A_517 : vector<16xf32>
        %add3A_519 = arith.constant 35000 : i32
        %add3A_520 = vector.broadcast %add3A_519 : i32 to vector<16xi32>
        %add3A_521 = arith.addi %get3A_471, %add3A_520 : vector<16xi32>
        %gather3A_522 = tpu.vector_load_idx %arg6[%add3A_521] : memref<80000xf32, #tpu.memory_space<vmem>>[vector<16xi32>], vector<16xf32>,
        %mul3A_523 = arith.mulf %get3A_476, %gather3A_522 : vector<16xf32>
        %add3A_524 = arith.addf %add3A_418, %mul3A_523 : vector<16xf32>
        %add3A_525 = arith.constant 40000 : i32
        %add3A_526 = vector.broadcast %add3A_525 : i32 to vector<16xi32>
        %add3A_527 = arith.addi %get3A_471, %add3A_526 : vector<16xi32>
        %gather3A_528 = tpu.vector_load_idx %arg6[%add3A_527] : memref<80000xf32, #tpu.memory_space<vmem>>[vector<16xi32>], vector<16xf32>,
        %mul3A_529 = arith.mulf %get3A_476, %gather3A_528 : vector<16xf32>
        %add3A_530 = arith.addf %add3A_424, %mul3A_529 : vector<16xf32>
        %add3A_531 = arith.constant 45000 : i32
        %add3A_532 = vector.broadcast %add3A_531 : i32 to vector<16xi32>
        %add3A_533 = arith.addi %get3A_471, %add3A_532 : vector<16xi32>
        %gather3A_534 = tpu.vector_load_idx %arg6[%add3A_533] : memref<80000xf32, #tpu.memory_space<vmem>>[vector<16xi32>], vector<16xf32>,
        %mul3A_535 = arith.mulf %get3A_476, %gather3A_534 : vector<16xf32>
        %add3A_536 = arith.addf %add3A_430, %mul3A_535 : vector<16xf32>
        %add3A_537 = arith.constant 50000 : i32
        %add3A_538 = vector.broadcast %add3A_537 : i32 to vector<16xi32>
        %add3A_539 = arith.addi %get3A_471, %add3A_538 : vector<16xi32>
        %gather3A_540 = tpu.vector_load_idx %arg6[%add3A_539] : memref<80000xf32, #tpu.memory_space<vmem>>[vector<16xi32>], vector<16xf32>,
        %mul3A_541 = arith.mulf %get3A_476, %gather3A_540 : vector<16xf32>
        %add3A_542 = arith.addf %add3A_436, %mul3A_541 : vector<16xf32>
        %add3A_543 = arith.constant 55000 : i32
        %add3A_544 = vector.broadcast %add3A_543 : i32 to vector<16xi32>
        %add3A_545 = arith.addi %get3A_471, %add3A_544 : vector<16xi32>
        %gather3A_546 = tpu.vector_load_idx %arg6[%add3A_545] : memref<80000xf32, #tpu.memory_space<vmem>>[vector<16xi32>], vector<16xf32>,
        %mul3A_547 = arith.mulf %get3A_476, %gather3A_546 : vector<16xf32>
        %add3A_548 = arith.addf %add3A_442, %mul3A_547 : vector<16xf32>
        %add3A_549 = arith.constant 60000 : i32
        %add3A_550 = vector.broadcast %add3A_549 : i32 to vector<16xi32>
        %add3A_551 = arith.addi %get3A_471, %add3A_550 : vector<16xi32>
        %gather3A_552 = tpu.vector_load_idx %arg6[%add3A_551] : memref<80000xf32, #tpu.memory_space<vmem>>[vector<16xi32>], vector<16xf32>,
        %mul3A_553 = arith.mulf %get3A_476, %gather3A_552 : vector<16xf32>
        %add3A_554 = arith.addf %add3A_448, %mul3A_553 : vector<16xf32>
        %add3A_555 = arith.constant 65000 : i32
        %add3A_556 = vector.broadcast %add3A_555 : i32 to vector<16xi32>
        %add3A_557 = arith.addi %get3A_471, %add3A_556 : vector<16xi32>
        %gather3A_558 = tpu.vector_load_idx %arg6[%add3A_557] : memref<80000xf32, #tpu.memory_space<vmem>>[vector<16xi32>], vector<16xf32>,
        %mul3A_559 = arith.mulf %get3A_476, %gather3A_558 : vector<16xf32>
        %add3A_560 = arith.addf %add3A_454, %mul3A_559 : vector<16xf32>
        %add3A_561 = arith.constant 70000 : i32
        %add3A_562 = vector.broadcast %add3A_561 : i32 to vector<16xi32>
        %add3A_563 = arith.addi %get3A_471, %add3A_562 : vector<16xi32>
        %gather3A_564 = tpu.vector_load_idx %arg6[%add3A_563] : memref<80000xf32, #tpu.memory_space<vmem>>[vector<16xi32>], vector<16xf32>,
        %mul3A_565 = arith.mulf %get3A_476, %gather3A_564 : vector<16xf32>
        %add3A_566 = arith.addf %add3A_460, %mul3A_565 : vector<16xf32>
        %add3A_567 = arith.constant 75000 : i32
        %add3A_568 = vector.broadcast %add3A_567 : i32 to vector<16xi32>
        %add3A_569 = arith.addi %get3A_471, %add3A_568 : vector<16xi32>
        %gather3A_570 = tpu.vector_load_idx %arg6[%add3A_569] : memref<80000xf32, #tpu.memory_space<vmem>>[vector<16xi32>], vector<16xf32>,
        %mul3A_571 = arith.mulf %get3A_476, %gather3A_570 : vector<16xf32>
        %add3A_572 = arith.addf %add3A_466, %mul3A_571 : vector<16xf32>
        %get3A_573 = arith.constant 5 : i32
        %get3A_574 = arith.index_cast %scan3A_13 : i32 to index
        %get3A_575 = arith.index_cast %get3A_573 : i32 to index
        %get3A_576 = arith.constant 0 : index
        %get3A_577 = tpu.vector_load %arg7[%get3A_574, %get3A_575, %get3A_576] {strides = array<i32>} : memref<49x16x16xi32, #tpu.memory_space<vmem>>, vector<16xi32>,
        %get3A_578 = arith.constant 5 : i32
        %get3A_579 = arith.index_cast %scan3A_13 : i32 to index
        %get3A_580 = arith.index_cast %get3A_578 : i32 to index
        %get3A_581 = arith.constant 0 : index
        %get3A_582 = tpu.vector_load %arg8[%get3A_579, %get3A_580, %get3A_581] {strides = array<i32>} : memref<49x16x16xf32, #tpu.memory_space<vmem>>, vector<16xf32>,
        %add3A_583 = arith.constant 0 : i32
        %add3A_584 = vector.broadcast %add3A_583 : i32 to vector<16xi32>
        %add3A_585 = arith.addi %get3A_577, %add3A_584 : vector<16xi32>
        %gather3A_586 = tpu.vector_load_idx %arg6[%add3A_585] : memref<80000xf32, #tpu.memory_space<vmem>>[vector<16xi32>], vector<16xf32>,
        %mul3A_587 = arith.mulf %get3A_582, %gather3A_586 : vector<16xf32>
        %add3A_588 = arith.addf %add3A_482, %mul3A_587 : vector<16xf32>
        %add3A_589 = arith.constant 5000 : i32
        %add3A_590 = vector.broadcast %add3A_589 : i32 to vector<16xi32>
        %add3A_591 = arith.addi %get3A_577, %add3A_590 : vector<16xi32>
        %gather3A_592 = tpu.vector_load_idx %arg6[%add3A_591] : memref<80000xf32, #tpu.memory_space<vmem>>[vector<16xi32>], vector<16xf32>,
        %mul3A_593 = arith.mulf %get3A_582, %gather3A_592 : vector<16xf32>
        %add3A_594 = arith.addf %add3A_488, %mul3A_593 : vector<16xf32>
        %add3A_595 = arith.constant 10000 : i32
        %add3A_596 = vector.broadcast %add3A_595 : i32 to vector<16xi32>
        %add3A_597 = arith.addi %get3A_577, %add3A_596 : vector<16xi32>
        %gather3A_598 = tpu.vector_load_idx %arg6[%add3A_597] : memref<80000xf32, #tpu.memory_space<vmem>>[vector<16xi32>], vector<16xf32>,
        %mul3A_599 = arith.mulf %get3A_582, %gather3A_598 : vector<16xf32>
        %add3A_600 = arith.addf %add3A_494, %mul3A_599 : vector<16xf32>
        %add3A_601 = arith.constant 15000 : i32
        %add3A_602 = vector.broadcast %add3A_601 : i32 to vector<16xi32>
        %add3A_603 = arith.addi %get3A_577, %add3A_602 : vector<16xi32>
        %gather3A_604 = tpu.vector_load_idx %arg6[%add3A_603] : memref<80000xf32, #tpu.memory_space<vmem>>[vector<16xi32>], vector<16xf32>,
        %mul3A_605 = arith.mulf %get3A_582, %gather3A_604 : vector<16xf32>
        %add3A_606 = arith.addf %add3A_500, %mul3A_605 : vector<16xf32>
        %add3A_607 = arith.constant 20000 : i32
        %add3A_608 = vector.broadcast %add3A_607 : i32 to vector<16xi32>
        %add3A_609 = arith.addi %get3A_577, %add3A_608 : vector<16xi32>
        %gather3A_610 = tpu.vector_load_idx %arg6[%add3A_609] : memref<80000xf32, #tpu.memory_space<vmem>>[vector<16xi32>], vector<16xf32>,
        %mul3A_611 = arith.mulf %get3A_582, %gather3A_610 : vector<16xf32>
        %add3A_612 = arith.addf %add3A_506, %mul3A_611 : vector<16xf32>
        %add3A_613 = arith.constant 25000 : i32
        %add3A_614 = vector.broadcast %add3A_613 : i32 to vector<16xi32>
        %add3A_615 = arith.addi %get3A_577, %add3A_614 : vector<16xi32>
        %gather3A_616 = tpu.vector_load_idx %arg6[%add3A_615] : memref<80000xf32, #tpu.memory_space<vmem>>[vector<16xi32>], vector<16xf32>,
        %mul3A_617 = arith.mulf %get3A_582, %gather3A_616 : vector<16xf32>
        %add3A_618 = arith.addf %add3A_512, %mul3A_617 : vector<16xf32>
        %add3A_619 = arith.constant 30000 : i32
        %add3A_620 = vector.broadcast %add3A_619 : i32 to vector<16xi32>
        %add3A_621 = arith.addi %get3A_577, %add3A_620 : vector<16xi32>
        %gather3A_622 = tpu.vector_load_idx %arg6[%add3A_621] : memref<80000xf32, #tpu.memory_space<vmem>>[vector<16xi32>], vector<16xf32>,
        %mul3A_623 = arith.mulf %get3A_582, %gather3A_622 : vector<16xf32>
        %add3A_624 = arith.addf %add3A_518, %mul3A_623 : vector<16xf32>
        %add3A_625 = arith.constant 35000 : i32
        %add3A_626 = vector.broadcast %add3A_625 : i32 to vector<16xi32>
        %add3A_627 = arith.addi %get3A_577, %add3A_626 : vector<16xi32>
        %gather3A_628 = tpu.vector_load_idx %arg6[%add3A_627] : memref<80000xf32, #tpu.memory_space<vmem>>[vector<16xi32>], vector<16xf32>,
        %mul3A_629 = arith.mulf %get3A_582, %gather3A_628 : vector<16xf32>
        %add3A_630 = arith.addf %add3A_524, %mul3A_629 : vector<16xf32>
        %add3A_631 = arith.constant 40000 : i32
        %add3A_632 = vector.broadcast %add3A_631 : i32 to vector<16xi32>
        %add3A_633 = arith.addi %get3A_577, %add3A_632 : vector<16xi32>
        %gather3A_634 = tpu.vector_load_idx %arg6[%add3A_633] : memref<80000xf32, #tpu.memory_space<vmem>>[vector<16xi32>], vector<16xf32>,
        %mul3A_635 = arith.mulf %get3A_582, %gather3A_634 : vector<16xf32>
        %add3A_636 = arith.addf %add3A_530, %mul3A_635 : vector<16xf32>
        %add3A_637 = arith.constant 45000 : i32
        %add3A_638 = vector.broadcast %add3A_637 : i32 to vector<16xi32>
        %add3A_639 = arith.addi %get3A_577, %add3A_638 : vector<16xi32>
        %gather3A_640 = tpu.vector_load_idx %arg6[%add3A_639] : memref<80000xf32, #tpu.memory_space<vmem>>[vector<16xi32>], vector<16xf32>,
        %mul3A_641 = arith.mulf %get3A_582, %gather3A_640 : vector<16xf32>
        %add3A_642 = arith.addf %add3A_536, %mul3A_641 : vector<16xf32>
        %add3A_643 = arith.constant 50000 : i32
        %add3A_644 = vector.broadcast %add3A_643 : i32 to vector<16xi32>
        %add3A_645 = arith.addi %get3A_577, %add3A_644 : vector<16xi32>
        %gather3A_646 = tpu.vector_load_idx %arg6[%add3A_645] : memref<80000xf32, #tpu.memory_space<vmem>>[vector<16xi32>], vector<16xf32>,
        %mul3A_647 = arith.mulf %get3A_582, %gather3A_646 : vector<16xf32>
        %add3A_648 = arith.addf %add3A_542, %mul3A_647 : vector<16xf32>
        %add3A_649 = arith.constant 55000 : i32
        %add3A_650 = vector.broadcast %add3A_649 : i32 to vector<16xi32>
        %add3A_651 = arith.addi %get3A_577, %add3A_650 : vector<16xi32>
        %gather3A_652 = tpu.vector_load_idx %arg6[%add3A_651] : memref<80000xf32, #tpu.memory_space<vmem>>[vector<16xi32>], vector<16xf32>,
        %mul3A_653 = arith.mulf %get3A_582, %gather3A_652 : vector<16xf32>
        %add3A_654 = arith.addf %add3A_548, %mul3A_653 : vector<16xf32>
        %add3A_655 = arith.constant 60000 : i32
        %add3A_656 = vector.broadcast %add3A_655 : i32 to vector<16xi32>
        %add3A_657 = arith.addi %get3A_577, %add3A_656 : vector<16xi32>
        %gather3A_658 = tpu.vector_load_idx %arg6[%add3A_657] : memref<80000xf32, #tpu.memory_space<vmem>>[vector<16xi32>], vector<16xf32>,
        %mul3A_659 = arith.mulf %get3A_582, %gather3A_658 : vector<16xf32>
        %add3A_660 = arith.addf %add3A_554, %mul3A_659 : vector<16xf32>
        %add3A_661 = arith.constant 65000 : i32
        %add3A_662 = vector.broadcast %add3A_661 : i32 to vector<16xi32>
        %add3A_663 = arith.addi %get3A_577, %add3A_662 : vector<16xi32>
        %gather3A_664 = tpu.vector_load_idx %arg6[%add3A_663] : memref<80000xf32, #tpu.memory_space<vmem>>[vector<16xi32>], vector<16xf32>,
        %mul3A_665 = arith.mulf %get3A_582, %gather3A_664 : vector<16xf32>
        %add3A_666 = arith.addf %add3A_560, %mul3A_665 : vector<16xf32>
        %add3A_667 = arith.constant 70000 : i32
        %add3A_668 = vector.broadcast %add3A_667 : i32 to vector<16xi32>
        %add3A_669 = arith.addi %get3A_577, %add3A_668 : vector<16xi32>
        %gather3A_670 = tpu.vector_load_idx %arg6[%add3A_669] : memref<80000xf32, #tpu.memory_space<vmem>>[vector<16xi32>], vector<16xf32>,
        %mul3A_671 = arith.mulf %get3A_582, %gather3A_670 : vector<16xf32>
        %add3A_672 = arith.addf %add3A_566, %mul3A_671 : vector<16xf32>
        %add3A_673 = arith.constant 75000 : i32
        %add3A_674 = vector.broadcast %add3A_673 : i32 to vector<16xi32>
        %add3A_675 = arith.addi %get3A_577, %add3A_674 : vector<16xi32>
        %gather3A_676 = tpu.vector_load_idx %arg6[%add3A_675] : memref<80000xf32, #tpu.memory_space<vmem>>[vector<16xi32>], vector<16xf32>,
        %mul3A_677 = arith.mulf %get3A_582, %gather3A_676 : vector<16xf32>
        %add3A_678 = arith.addf %add3A_572, %mul3A_677 : vector<16xf32>
        %get3A_679 = arith.constant 6 : i32
        %get3A_680 = arith.index_cast %scan3A_13 : i32 to index
        %get3A_681 = arith.index_cast %get3A_679 : i32 to index
        %get3A_682 = arith.constant 0 : index
        %get3A_683 = tpu.vector_load %arg7[%get3A_680, %get3A_681, %get3A_682] {strides = array<i32>} : memref<49x16x16xi32, #tpu.memory_space<vmem>>, vector<16xi32>,
        %get3A_684 = arith.constant 6 : i32
        %get3A_685 = arith.index_cast %scan3A_13 : i32 to index
        %get3A_686 = arith.index_cast %get3A_684 : i32 to index
        %get3A_687 = arith.constant 0 : index
        %get3A_688 = tpu.vector_load %arg8[%get3A_685, %get3A_686, %get3A_687] {strides = array<i32>} : memref<49x16x16xf32, #tpu.memory_space<vmem>>, vector<16xf32>,
        %add3A_689 = arith.constant 0 : i32
        %add3A_690 = vector.broadcast %add3A_689 : i32 to vector<16xi32>
        %add3A_691 = arith.addi %get3A_683, %add3A_690 : vector<16xi32>
        %gather3A_692 = tpu.vector_load_idx %arg6[%add3A_691] : memref<80000xf32, #tpu.memory_space<vmem>>[vector<16xi32>], vector<16xf32>,
        %mul3A_693 = arith.mulf %get3A_688, %gather3A_692 : vector<16xf32>
        %add3A_694 = arith.addf %add3A_588, %mul3A_693 : vector<16xf32>
        %add3A_695 = arith.constant 5000 : i32
        %add3A_696 = vector.broadcast %add3A_695 : i32 to vector<16xi32>
        %add3A_697 = arith.addi %get3A_683, %add3A_696 : vector<16xi32>
        %gather3A_698 = tpu.vector_load_idx %arg6[%add3A_697] : memref<80000xf32, #tpu.memory_space<vmem>>[vector<16xi32>], vector<16xf32>,
        %mul3A_699 = arith.mulf %get3A_688, %gather3A_698 : vector<16xf32>
        %add3A_700 = arith.addf %add3A_594, %mul3A_699 : vector<16xf32>
        %add3A_701 = arith.constant 10000 : i32
        %add3A_702 = vector.broadcast %add3A_701 : i32 to vector<16xi32>
        %add3A_703 = arith.addi %get3A_683, %add3A_702 : vector<16xi32>
        %gather3A_704 = tpu.vector_load_idx %arg6[%add3A_703] : memref<80000xf32, #tpu.memory_space<vmem>>[vector<16xi32>], vector<16xf32>,
        %mul3A_705 = arith.mulf %get3A_688, %gather3A_704 : vector<16xf32>
        %add3A_706 = arith.addf %add3A_600, %mul3A_705 : vector<16xf32>
        %add3A_707 = arith.constant 15000 : i32
        %add3A_708 = vector.broadcast %add3A_707 : i32 to vector<16xi32>
        %add3A_709 = arith.addi %get3A_683, %add3A_708 : vector<16xi32>
        %gather3A_710 = tpu.vector_load_idx %arg6[%add3A_709] : memref<80000xf32, #tpu.memory_space<vmem>>[vector<16xi32>], vector<16xf32>,
        %mul3A_711 = arith.mulf %get3A_688, %gather3A_710 : vector<16xf32>
        %add3A_712 = arith.addf %add3A_606, %mul3A_711 : vector<16xf32>
        %add3A_713 = arith.constant 20000 : i32
        %add3A_714 = vector.broadcast %add3A_713 : i32 to vector<16xi32>
        %add3A_715 = arith.addi %get3A_683, %add3A_714 : vector<16xi32>
        %gather3A_716 = tpu.vector_load_idx %arg6[%add3A_715] : memref<80000xf32, #tpu.memory_space<vmem>>[vector<16xi32>], vector<16xf32>,
        %mul3A_717 = arith.mulf %get3A_688, %gather3A_716 : vector<16xf32>
        %add3A_718 = arith.addf %add3A_612, %mul3A_717 : vector<16xf32>
        %add3A_719 = arith.constant 25000 : i32
        %add3A_720 = vector.broadcast %add3A_719 : i32 to vector<16xi32>
        %add3A_721 = arith.addi %get3A_683, %add3A_720 : vector<16xi32>
        %gather3A_722 = tpu.vector_load_idx %arg6[%add3A_721] : memref<80000xf32, #tpu.memory_space<vmem>>[vector<16xi32>], vector<16xf32>,
        %mul3A_723 = arith.mulf %get3A_688, %gather3A_722 : vector<16xf32>
        %add3A_724 = arith.addf %add3A_618, %mul3A_723 : vector<16xf32>
        %add3A_725 = arith.constant 30000 : i32
        %add3A_726 = vector.broadcast %add3A_725 : i32 to vector<16xi32>
        %add3A_727 = arith.addi %get3A_683, %add3A_726 : vector<16xi32>
        %gather3A_728 = tpu.vector_load_idx %arg6[%add3A_727] : memref<80000xf32, #tpu.memory_space<vmem>>[vector<16xi32>], vector<16xf32>,
        %mul3A_729 = arith.mulf %get3A_688, %gather3A_728 : vector<16xf32>
        %add3A_730 = arith.addf %add3A_624, %mul3A_729 : vector<16xf32>
        %add3A_731 = arith.constant 35000 : i32
        %add3A_732 = vector.broadcast %add3A_731 : i32 to vector<16xi32>
        %add3A_733 = arith.addi %get3A_683, %add3A_732 : vector<16xi32>
        %gather3A_734 = tpu.vector_load_idx %arg6[%add3A_733] : memref<80000xf32, #tpu.memory_space<vmem>>[vector<16xi32>], vector<16xf32>,
        %mul3A_735 = arith.mulf %get3A_688, %gather3A_734 : vector<16xf32>
        %add3A_736 = arith.addf %add3A_630, %mul3A_735 : vector<16xf32>
        %add3A_737 = arith.constant 40000 : i32
        %add3A_738 = vector.broadcast %add3A_737 : i32 to vector<16xi32>
        %add3A_739 = arith.addi %get3A_683, %add3A_738 : vector<16xi32>
        %gather3A_740 = tpu.vector_load_idx %arg6[%add3A_739] : memref<80000xf32, #tpu.memory_space<vmem>>[vector<16xi32>], vector<16xf32>,
        %mul3A_741 = arith.mulf %get3A_688, %gather3A_740 : vector<16xf32>
        %add3A_742 = arith.addf %add3A_636, %mul3A_741 : vector<16xf32>
        %add3A_743 = arith.constant 45000 : i32
        %add3A_744 = vector.broadcast %add3A_743 : i32 to vector<16xi32>
        %add3A_745 = arith.addi %get3A_683, %add3A_744 : vector<16xi32>
        %gather3A_746 = tpu.vector_load_idx %arg6[%add3A_745] : memref<80000xf32, #tpu.memory_space<vmem>>[vector<16xi32>], vector<16xf32>,
        %mul3A_747 = arith.mulf %get3A_688, %gather3A_746 : vector<16xf32>
        %add3A_748 = arith.addf %add3A_642, %mul3A_747 : vector<16xf32>
        %add3A_749 = arith.constant 50000 : i32
        %add3A_750 = vector.broadcast %add3A_749 : i32 to vector<16xi32>
        %add3A_751 = arith.addi %get3A_683, %add3A_750 : vector<16xi32>
        %gather3A_752 = tpu.vector_load_idx %arg6[%add3A_751] : memref<80000xf32, #tpu.memory_space<vmem>>[vector<16xi32>], vector<16xf32>,
        %mul3A_753 = arith.mulf %get3A_688, %gather3A_752 : vector<16xf32>
        %add3A_754 = arith.addf %add3A_648, %mul3A_753 : vector<16xf32>
        %add3A_755 = arith.constant 55000 : i32
        %add3A_756 = vector.broadcast %add3A_755 : i32 to vector<16xi32>
        %add3A_757 = arith.addi %get3A_683, %add3A_756 : vector<16xi32>
        %gather3A_758 = tpu.vector_load_idx %arg6[%add3A_757] : memref<80000xf32, #tpu.memory_space<vmem>>[vector<16xi32>], vector<16xf32>,
        %mul3A_759 = arith.mulf %get3A_688, %gather3A_758 : vector<16xf32>
        %add3A_760 = arith.addf %add3A_654, %mul3A_759 : vector<16xf32>
        %add3A_761 = arith.constant 60000 : i32
        %add3A_762 = vector.broadcast %add3A_761 : i32 to vector<16xi32>
        %add3A_763 = arith.addi %get3A_683, %add3A_762 : vector<16xi32>
        %gather3A_764 = tpu.vector_load_idx %arg6[%add3A_763] : memref<80000xf32, #tpu.memory_space<vmem>>[vector<16xi32>], vector<16xf32>,
        %mul3A_765 = arith.mulf %get3A_688, %gather3A_764 : vector<16xf32>
        %add3A_766 = arith.addf %add3A_660, %mul3A_765 : vector<16xf32>
        %add3A_767 = arith.constant 65000 : i32
        %add3A_768 = vector.broadcast %add3A_767 : i32 to vector<16xi32>
        %add3A_769 = arith.addi %get3A_683, %add3A_768 : vector<16xi32>
        %gather3A_770 = tpu.vector_load_idx %arg6[%add3A_769] : memref<80000xf32, #tpu.memory_space<vmem>>[vector<16xi32>], vector<16xf32>,
        %mul3A_771 = arith.mulf %get3A_688, %gather3A_770 : vector<16xf32>
        %add3A_772 = arith.addf %add3A_666, %mul3A_771 : vector<16xf32>
        %add3A_773 = arith.constant 70000 : i32
        %add3A_774 = vector.broadcast %add3A_773 : i32 to vector<16xi32>
        %add3A_775 = arith.addi %get3A_683, %add3A_774 : vector<16xi32>
        %gather3A_776 = tpu.vector_load_idx %arg6[%add3A_775] : memref<80000xf32, #tpu.memory_space<vmem>>[vector<16xi32>], vector<16xf32>,
        %mul3A_777 = arith.mulf %get3A_688, %gather3A_776 : vector<16xf32>
        %add3A_778 = arith.addf %add3A_672, %mul3A_777 : vector<16xf32>
        %add3A_779 = arith.constant 75000 : i32
        %add3A_780 = vector.broadcast %add3A_779 : i32 to vector<16xi32>
        %add3A_781 = arith.addi %get3A_683, %add3A_780 : vector<16xi32>
        %gather3A_782 = tpu.vector_load_idx %arg6[%add3A_781] : memref<80000xf32, #tpu.memory_space<vmem>>[vector<16xi32>], vector<16xf32>,
        %mul3A_783 = arith.mulf %get3A_688, %gather3A_782 : vector<16xf32>
        %add3A_784 = arith.addf %add3A_678, %mul3A_783 : vector<16xf32>
        %get3A_785 = arith.constant 7 : i32
        %get3A_786 = arith.index_cast %scan3A_13 : i32 to index
        %get3A_787 = arith.index_cast %get3A_785 : i32 to index
        %get3A_788 = arith.constant 0 : index
        %get3A_789 = tpu.vector_load %arg7[%get3A_786, %get3A_787, %get3A_788] {strides = array<i32>} : memref<49x16x16xi32, #tpu.memory_space<vmem>>, vector<16xi32>,
        %get3A_790 = arith.constant 7 : i32
        %get3A_791 = arith.index_cast %scan3A_13 : i32 to index
        %get3A_792 = arith.index_cast %get3A_790 : i32 to index
        %get3A_793 = arith.constant 0 : index
        %get3A_794 = tpu.vector_load %arg8[%get3A_791, %get3A_792, %get3A_793] {strides = array<i32>} : memref<49x16x16xf32, #tpu.memory_space<vmem>>, vector<16xf32>,
        %add3A_795 = arith.constant 0 : i32
        %add3A_796 = vector.broadcast %add3A_795 : i32 to vector<16xi32>
        %add3A_797 = arith.addi %get3A_789, %add3A_796 : vector<16xi32>
        %gather3A_798 = tpu.vector_load_idx %arg6[%add3A_797] : memref<80000xf32, #tpu.memory_space<vmem>>[vector<16xi32>], vector<16xf32>,
        %mul3A_799 = arith.mulf %get3A_794, %gather3A_798 : vector<16xf32>
        %add3A_800 = arith.addf %add3A_694, %mul3A_799 : vector<16xf32>
        %add3A_801 = arith.constant 5000 : i32
        %add3A_802 = vector.broadcast %add3A_801 : i32 to vector<16xi32>
        %add3A_803 = arith.addi %get3A_789, %add3A_802 : vector<16xi32>
        %gather3A_804 = tpu.vector_load_idx %arg6[%add3A_803] : memref<80000xf32, #tpu.memory_space<vmem>>[vector<16xi32>], vector<16xf32>,
        %mul3A_805 = arith.mulf %get3A_794, %gather3A_804 : vector<16xf32>
        %add3A_806 = arith.addf %add3A_700, %mul3A_805 : vector<16xf32>
        %add3A_807 = arith.constant 10000 : i32
        %add3A_808 = vector.broadcast %add3A_807 : i32 to vector<16xi32>
        %add3A_809 = arith.addi %get3A_789, %add3A_808 : vector<16xi32>
        %gather3A_810 = tpu.vector_load_idx %arg6[%add3A_809] : memref<80000xf32, #tpu.memory_space<vmem>>[vector<16xi32>], vector<16xf32>,
        %mul3A_811 = arith.mulf %get3A_794, %gather3A_810 : vector<16xf32>
        %add3A_812 = arith.addf %add3A_706, %mul3A_811 : vector<16xf32>
        %add3A_813 = arith.constant 15000 : i32
        %add3A_814 = vector.broadcast %add3A_813 : i32 to vector<16xi32>
        %add3A_815 = arith.addi %get3A_789, %add3A_814 : vector<16xi32>
        %gather3A_816 = tpu.vector_load_idx %arg6[%add3A_815] : memref<80000xf32, #tpu.memory_space<vmem>>[vector<16xi32>], vector<16xf32>,
        %mul3A_817 = arith.mulf %get3A_794, %gather3A_816 : vector<16xf32>
        %add3A_818 = arith.addf %add3A_712, %mul3A_817 : vector<16xf32>
        %add3A_819 = arith.constant 20000 : i32
        %add3A_820 = vector.broadcast %add3A_819 : i32 to vector<16xi32>
        %add3A_821 = arith.addi %get3A_789, %add3A_820 : vector<16xi32>
        %gather3A_822 = tpu.vector_load_idx %arg6[%add3A_821] : memref<80000xf32, #tpu.memory_space<vmem>>[vector<16xi32>], vector<16xf32>,
        %mul3A_823 = arith.mulf %get3A_794, %gather3A_822 : vector<16xf32>
        %add3A_824 = arith.addf %add3A_718, %mul3A_823 : vector<16xf32>
        %add3A_825 = arith.constant 25000 : i32
        %add3A_826 = vector.broadcast %add3A_825 : i32 to vector<16xi32>
        %add3A_827 = arith.addi %get3A_789, %add3A_826 : vector<16xi32>
        %gather3A_828 = tpu.vector_load_idx %arg6[%add3A_827] : memref<80000xf32, #tpu.memory_space<vmem>>[vector<16xi32>], vector<16xf32>,
        %mul3A_829 = arith.mulf %get3A_794, %gather3A_828 : vector<16xf32>
        %add3A_830 = arith.addf %add3A_724, %mul3A_829 : vector<16xf32>
        %add3A_831 = arith.constant 30000 : i32
        %add3A_832 = vector.broadcast %add3A_831 : i32 to vector<16xi32>
        %add3A_833 = arith.addi %get3A_789, %add3A_832 : vector<16xi32>
        %gather3A_834 = tpu.vector_load_idx %arg6[%add3A_833] : memref<80000xf32, #tpu.memory_space<vmem>>[vector<16xi32>], vector<16xf32>,
        %mul3A_835 = arith.mulf %get3A_794, %gather3A_834 : vector<16xf32>
        %add3A_836 = arith.addf %add3A_730, %mul3A_835 : vector<16xf32>
        %add3A_837 = arith.constant 35000 : i32
        %add3A_838 = vector.broadcast %add3A_837 : i32 to vector<16xi32>
        %add3A_839 = arith.addi %get3A_789, %add3A_838 : vector<16xi32>
        %gather3A_840 = tpu.vector_load_idx %arg6[%add3A_839] : memref<80000xf32, #tpu.memory_space<vmem>>[vector<16xi32>], vector<16xf32>,
        %mul3A_841 = arith.mulf %get3A_794, %gather3A_840 : vector<16xf32>
        %add3A_842 = arith.addf %add3A_736, %mul3A_841 : vector<16xf32>
        %add3A_843 = arith.constant 40000 : i32
        %add3A_844 = vector.broadcast %add3A_843 : i32 to vector<16xi32>
        %add3A_845 = arith.addi %get3A_789, %add3A_844 : vector<16xi32>
        %gather3A_846 = tpu.vector_load_idx %arg6[%add3A_845] : memref<80000xf32, #tpu.memory_space<vmem>>[vector<16xi32>], vector<16xf32>,
        %mul3A_847 = arith.mulf %get3A_794, %gather3A_846 : vector<16xf32>
        %add3A_848 = arith.addf %add3A_742, %mul3A_847 : vector<16xf32>
        %add3A_849 = arith.constant 45000 : i32
        %add3A_850 = vector.broadcast %add3A_849 : i32 to vector<16xi32>
        %add3A_851 = arith.addi %get3A_789, %add3A_850 : vector<16xi32>
        %gather3A_852 = tpu.vector_load_idx %arg6[%add3A_851] : memref<80000xf32, #tpu.memory_space<vmem>>[vector<16xi32>], vector<16xf32>,
        %mul3A_853 = arith.mulf %get3A_794, %gather3A_852 : vector<16xf32>
        %add3A_854 = arith.addf %add3A_748, %mul3A_853 : vector<16xf32>
        %add3A_855 = arith.constant 50000 : i32
        %add3A_856 = vector.broadcast %add3A_855 : i32 to vector<16xi32>
        %add3A_857 = arith.addi %get3A_789, %add3A_856 : vector<16xi32>
        %gather3A_858 = tpu.vector_load_idx %arg6[%add3A_857] : memref<80000xf32, #tpu.memory_space<vmem>>[vector<16xi32>], vector<16xf32>,
        %mul3A_859 = arith.mulf %get3A_794, %gather3A_858 : vector<16xf32>
        %add3A_860 = arith.addf %add3A_754, %mul3A_859 : vector<16xf32>
        %add3A_861 = arith.constant 55000 : i32
        %add3A_862 = vector.broadcast %add3A_861 : i32 to vector<16xi32>
        %add3A_863 = arith.addi %get3A_789, %add3A_862 : vector<16xi32>
        %gather3A_864 = tpu.vector_load_idx %arg6[%add3A_863] : memref<80000xf32, #tpu.memory_space<vmem>>[vector<16xi32>], vector<16xf32>,
        %mul3A_865 = arith.mulf %get3A_794, %gather3A_864 : vector<16xf32>
        %add3A_866 = arith.addf %add3A_760, %mul3A_865 : vector<16xf32>
        %add3A_867 = arith.constant 60000 : i32
        %add3A_868 = vector.broadcast %add3A_867 : i32 to vector<16xi32>
        %add3A_869 = arith.addi %get3A_789, %add3A_868 : vector<16xi32>
        %gather3A_870 = tpu.vector_load_idx %arg6[%add3A_869] : memref<80000xf32, #tpu.memory_space<vmem>>[vector<16xi32>], vector<16xf32>,
        %mul3A_871 = arith.mulf %get3A_794, %gather3A_870 : vector<16xf32>
        %add3A_872 = arith.addf %add3A_766, %mul3A_871 : vector<16xf32>
        %add3A_873 = arith.constant 65000 : i32
        %add3A_874 = vector.broadcast %add3A_873 : i32 to vector<16xi32>
        %add3A_875 = arith.addi %get3A_789, %add3A_874 : vector<16xi32>
        %gather3A_876 = tpu.vector_load_idx %arg6[%add3A_875] : memref<80000xf32, #tpu.memory_space<vmem>>[vector<16xi32>], vector<16xf32>,
        %mul3A_877 = arith.mulf %get3A_794, %gather3A_876 : vector<16xf32>
        %add3A_878 = arith.addf %add3A_772, %mul3A_877 : vector<16xf32>
        %add3A_879 = arith.constant 70000 : i32
        %add3A_880 = vector.broadcast %add3A_879 : i32 to vector<16xi32>
        %add3A_881 = arith.addi %get3A_789, %add3A_880 : vector<16xi32>
        %gather3A_882 = tpu.vector_load_idx %arg6[%add3A_881] : memref<80000xf32, #tpu.memory_space<vmem>>[vector<16xi32>], vector<16xf32>,
        %mul3A_883 = arith.mulf %get3A_794, %gather3A_882 : vector<16xf32>
        %add3A_884 = arith.addf %add3A_778, %mul3A_883 : vector<16xf32>
        %add3A_885 = arith.constant 75000 : i32
        %add3A_886 = vector.broadcast %add3A_885 : i32 to vector<16xi32>
        %add3A_887 = arith.addi %get3A_789, %add3A_886 : vector<16xi32>
        %gather3A_888 = tpu.vector_load_idx %arg6[%add3A_887] : memref<80000xf32, #tpu.memory_space<vmem>>[vector<16xi32>], vector<16xf32>,
        %mul3A_889 = arith.mulf %get3A_794, %gather3A_888 : vector<16xf32>
        %add3A_890 = arith.addf %add3A_784, %mul3A_889 : vector<16xf32>
        %get3A_891 = arith.constant 8 : i32
        %get3A_892 = arith.index_cast %scan3A_13 : i32 to index
        %get3A_893 = arith.index_cast %get3A_891 : i32 to index
        %get3A_894 = arith.constant 0 : index
        %get3A_895 = tpu.vector_load %arg7[%get3A_892, %get3A_893, %get3A_894] {strides = array<i32>} : memref<49x16x16xi32, #tpu.memory_space<vmem>>, vector<16xi32>,
        %get3A_896 = arith.constant 8 : i32
        %get3A_897 = arith.index_cast %scan3A_13 : i32 to index
        %get3A_898 = arith.index_cast %get3A_896 : i32 to index
        %get3A_899 = arith.constant 0 : index
        %get3A_900 = tpu.vector_load %arg8[%get3A_897, %get3A_898, %get3A_899] {strides = array<i32>} : memref<49x16x16xf32, #tpu.memory_space<vmem>>, vector<16xf32>,
        %add3A_901 = arith.constant 0 : i32
        %add3A_902 = vector.broadcast %add3A_901 : i32 to vector<16xi32>
        %add3A_903 = arith.addi %get3A_895, %add3A_902 : vector<16xi32>
        %gather3A_904 = tpu.vector_load_idx %arg6[%add3A_903] : memref<80000xf32, #tpu.memory_space<vmem>>[vector<16xi32>], vector<16xf32>,
        %mul3A_905 = arith.mulf %get3A_900, %gather3A_904 : vector<16xf32>
        %add3A_906 = arith.addf %add3A_800, %mul3A_905 : vector<16xf32>
        %add3A_907 = arith.constant 5000 : i32
        %add3A_908 = vector.broadcast %add3A_907 : i32 to vector<16xi32>
        %add3A_909 = arith.addi %get3A_895, %add3A_908 : vector<16xi32>
        %gather3A_910 = tpu.vector_load_idx %arg6[%add3A_909] : memref<80000xf32, #tpu.memory_space<vmem>>[vector<16xi32>], vector<16xf32>,
        %mul3A_911 = arith.mulf %get3A_900, %gather3A_910 : vector<16xf32>
        %add3A_912 = arith.addf %add3A_806, %mul3A_911 : vector<16xf32>
        %add3A_913 = arith.constant 10000 : i32
        %add3A_914 = vector.broadcast %add3A_913 : i32 to vector<16xi32>
        %add3A_915 = arith.addi %get3A_895, %add3A_914 : vector<16xi32>
        %gather3A_916 = tpu.vector_load_idx %arg6[%add3A_915] : memref<80000xf32, #tpu.memory_space<vmem>>[vector<16xi32>], vector<16xf32>,
        %mul3A_917 = arith.mulf %get3A_900, %gather3A_916 : vector<16xf32>
        %add3A_918 = arith.addf %add3A_812, %mul3A_917 : vector<16xf32>
        %add3A_919 = arith.constant 15000 : i32
        %add3A_920 = vector.broadcast %add3A_919 : i32 to vector<16xi32>
        %add3A_921 = arith.addi %get3A_895, %add3A_920 : vector<16xi32>
        %gather3A_922 = tpu.vector_load_idx %arg6[%add3A_921] : memref<80000xf32, #tpu.memory_space<vmem>>[vector<16xi32>], vector<16xf32>,
        %mul3A_923 = arith.mulf %get3A_900, %gather3A_922 : vector<16xf32>
        %add3A_924 = arith.addf %add3A_818, %mul3A_923 : vector<16xf32>
        %add3A_925 = arith.constant 20000 : i32
        %add3A_926 = vector.broadcast %add3A_925 : i32 to vector<16xi32>
        %add3A_927 = arith.addi %get3A_895, %add3A_926 : vector<16xi32>
        %gather3A_928 = tpu.vector_load_idx %arg6[%add3A_927] : memref<80000xf32, #tpu.memory_space<vmem>>[vector<16xi32>], vector<16xf32>,
        %mul3A_929 = arith.mulf %get3A_900, %gather3A_928 : vector<16xf32>
        %add3A_930 = arith.addf %add3A_824, %mul3A_929 : vector<16xf32>
        %add3A_931 = arith.constant 25000 : i32
        %add3A_932 = vector.broadcast %add3A_931 : i32 to vector<16xi32>
        %add3A_933 = arith.addi %get3A_895, %add3A_932 : vector<16xi32>
        %gather3A_934 = tpu.vector_load_idx %arg6[%add3A_933] : memref<80000xf32, #tpu.memory_space<vmem>>[vector<16xi32>], vector<16xf32>,
        %mul3A_935 = arith.mulf %get3A_900, %gather3A_934 : vector<16xf32>
        %add3A_936 = arith.addf %add3A_830, %mul3A_935 : vector<16xf32>
        %add3A_937 = arith.constant 30000 : i32
        %add3A_938 = vector.broadcast %add3A_937 : i32 to vector<16xi32>
        %add3A_939 = arith.addi %get3A_895, %add3A_938 : vector<16xi32>
        %gather3A_940 = tpu.vector_load_idx %arg6[%add3A_939] : memref<80000xf32, #tpu.memory_space<vmem>>[vector<16xi32>], vector<16xf32>,
        %mul3A_941 = arith.mulf %get3A_900, %gather3A_940 : vector<16xf32>
        %add3A_942 = arith.addf %add3A_836, %mul3A_941 : vector<16xf32>
        %add3A_943 = arith.constant 35000 : i32
        %add3A_944 = vector.broadcast %add3A_943 : i32 to vector<16xi32>
        %add3A_945 = arith.addi %get3A_895, %add3A_944 : vector<16xi32>
        %gather3A_946 = tpu.vector_load_idx %arg6[%add3A_945] : memref<80000xf32, #tpu.memory_space<vmem>>[vector<16xi32>], vector<16xf32>,
        %mul3A_947 = arith.mulf %get3A_900, %gather3A_946 : vector<16xf32>
        %add3A_948 = arith.addf %add3A_842, %mul3A_947 : vector<16xf32>
        %add3A_949 = arith.constant 40000 : i32
        %add3A_950 = vector.broadcast %add3A_949 : i32 to vector<16xi32>
        %add3A_951 = arith.addi %get3A_895, %add3A_950 : vector<16xi32>
        %gather3A_952 = tpu.vector_load_idx %arg6[%add3A_951] : memref<80000xf32, #tpu.memory_space<vmem>>[vector<16xi32>], vector<16xf32>,
        %mul3A_953 = arith.mulf %get3A_900, %gather3A_952 : vector<16xf32>
        %add3A_954 = arith.addf %add3A_848, %mul3A_953 : vector<16xf32>
        %add3A_955 = arith.constant 45000 : i32
        %add3A_956 = vector.broadcast %add3A_955 : i32 to vector<16xi32>
        %add3A_957 = arith.addi %get3A_895, %add3A_956 : vector<16xi32>
        %gather3A_958 = tpu.vector_load_idx %arg6[%add3A_957] : memref<80000xf32, #tpu.memory_space<vmem>>[vector<16xi32>], vector<16xf32>,
        %mul3A_959 = arith.mulf %get3A_900, %gather3A_958 : vector<16xf32>
        %add3A_960 = arith.addf %add3A_854, %mul3A_959 : vector<16xf32>
        %add3A_961 = arith.constant 50000 : i32
        %add3A_962 = vector.broadcast %add3A_961 : i32 to vector<16xi32>
        %add3A_963 = arith.addi %get3A_895, %add3A_962 : vector<16xi32>
        %gather3A_964 = tpu.vector_load_idx %arg6[%add3A_963] : memref<80000xf32, #tpu.memory_space<vmem>>[vector<16xi32>], vector<16xf32>,
        %mul3A_965 = arith.mulf %get3A_900, %gather3A_964 : vector<16xf32>
        %add3A_966 = arith.addf %add3A_860, %mul3A_965 : vector<16xf32>
        %add3A_967 = arith.constant 55000 : i32
        %add3A_968 = vector.broadcast %add3A_967 : i32 to vector<16xi32>
        %add3A_969 = arith.addi %get3A_895, %add3A_968 : vector<16xi32>
        %gather3A_970 = tpu.vector_load_idx %arg6[%add3A_969] : memref<80000xf32, #tpu.memory_space<vmem>>[vector<16xi32>], vector<16xf32>,
        %mul3A_971 = arith.mulf %get3A_900, %gather3A_970 : vector<16xf32>
        %add3A_972 = arith.addf %add3A_866, %mul3A_971 : vector<16xf32>
        %add3A_973 = arith.constant 60000 : i32
        %add3A_974 = vector.broadcast %add3A_973 : i32 to vector<16xi32>
        %add3A_975 = arith.addi %get3A_895, %add3A_974 : vector<16xi32>
        %gather3A_976 = tpu.vector_load_idx %arg6[%add3A_975] : memref<80000xf32, #tpu.memory_space<vmem>>[vector<16xi32>], vector<16xf32>,
        %mul3A_977 = arith.mulf %get3A_900, %gather3A_976 : vector<16xf32>
        %add3A_978 = arith.addf %add3A_872, %mul3A_977 : vector<16xf32>
        %add3A_979 = arith.constant 65000 : i32
        %add3A_980 = vector.broadcast %add3A_979 : i32 to vector<16xi32>
        %add3A_981 = arith.addi %get3A_895, %add3A_980 : vector<16xi32>
        %gather3A_982 = tpu.vector_load_idx %arg6[%add3A_981] : memref<80000xf32, #tpu.memory_space<vmem>>[vector<16xi32>], vector<16xf32>,
        %mul3A_983 = arith.mulf %get3A_900, %gather3A_982 : vector<16xf32>
        %add3A_984 = arith.addf %add3A_878, %mul3A_983 : vector<16xf32>
        %add3A_985 = arith.constant 70000 : i32
        %add3A_986 = vector.broadcast %add3A_985 : i32 to vector<16xi32>
        %add3A_987 = arith.addi %get3A_895, %add3A_986 : vector<16xi32>
        %gather3A_988 = tpu.vector_load_idx %arg6[%add3A_987] : memref<80000xf32, #tpu.memory_space<vmem>>[vector<16xi32>], vector<16xf32>,
        %mul3A_989 = arith.mulf %get3A_900, %gather3A_988 : vector<16xf32>
        %add3A_990 = arith.addf %add3A_884, %mul3A_989 : vector<16xf32>
        %add3A_991 = arith.constant 75000 : i32
        %add3A_992 = vector.broadcast %add3A_991 : i32 to vector<16xi32>
        %add3A_993 = arith.addi %get3A_895, %add3A_992 : vector<16xi32>
        %gather3A_994 = tpu.vector_load_idx %arg6[%add3A_993] : memref<80000xf32, #tpu.memory_space<vmem>>[vector<16xi32>], vector<16xf32>,
        %mul3A_995 = arith.mulf %get3A_900, %gather3A_994 : vector<16xf32>
        %add3A_996 = arith.addf %add3A_890, %mul3A_995 : vector<16xf32>
        %get3A_997 = arith.constant 9 : i32
        %get3A_998 = arith.index_cast %scan3A_13 : i32 to index
        %get3A_999 = arith.index_cast %get3A_997 : i32 to index
        %get3A_1000 = arith.constant 0 : index
        %get3A_1001 = tpu.vector_load %arg7[%get3A_998, %get3A_999, %get3A_1000] {strides = array<i32>} : memref<49x16x16xi32, #tpu.memory_space<vmem>>, vector<16xi32>,
        %get3A_1002 = arith.constant 9 : i32
        %get3A_1003 = arith.index_cast %scan3A_13 : i32 to index
        %get3A_1004 = arith.index_cast %get3A_1002 : i32 to index
        %get3A_1005 = arith.constant 0 : index
        %get3A_1006 = tpu.vector_load %arg8[%get3A_1003, %get3A_1004, %get3A_1005] {strides = array<i32>} : memref<49x16x16xf32, #tpu.memory_space<vmem>>, vector<16xf32>,
        %add3A_1007 = arith.constant 0 : i32
        %add3A_1008 = vector.broadcast %add3A_1007 : i32 to vector<16xi32>
        %add3A_1009 = arith.addi %get3A_1001, %add3A_1008 : vector<16xi32>
        %gather3A_1010 = tpu.vector_load_idx %arg6[%add3A_1009] : memref<80000xf32, #tpu.memory_space<vmem>>[vector<16xi32>], vector<16xf32>,
        %mul3A_1011 = arith.mulf %get3A_1006, %gather3A_1010 : vector<16xf32>
        %add3A_1012 = arith.addf %add3A_906, %mul3A_1011 : vector<16xf32>
        %add3A_1013 = arith.constant 5000 : i32
        %add3A_1014 = vector.broadcast %add3A_1013 : i32 to vector<16xi32>
        %add3A_1015 = arith.addi %get3A_1001, %add3A_1014 : vector<16xi32>
        %gather3A_1016 = tpu.vector_load_idx %arg6[%add3A_1015] : memref<80000xf32, #tpu.memory_space<vmem>>[vector<16xi32>], vector<16xf32>,
        %mul3A_1017 = arith.mulf %get3A_1006, %gather3A_1016 : vector<16xf32>
        %add3A_1018 = arith.addf %add3A_912, %mul3A_1017 : vector<16xf32>
        %add3A_1019 = arith.constant 10000 : i32
        %add3A_1020 = vector.broadcast %add3A_1019 : i32 to vector<16xi32>
        %add3A_1021 = arith.addi %get3A_1001, %add3A_1020 : vector<16xi32>
        %gather3A_1022 = tpu.vector_load_idx %arg6[%add3A_1021] : memref<80000xf32, #tpu.memory_space<vmem>>[vector<16xi32>], vector<16xf32>,
        %mul3A_1023 = arith.mulf %get3A_1006, %gather3A_1022 : vector<16xf32>
        %add3A_1024 = arith.addf %add3A_918, %mul3A_1023 : vector<16xf32>
        %add3A_1025 = arith.constant 15000 : i32
        %add3A_1026 = vector.broadcast %add3A_1025 : i32 to vector<16xi32>
        %add3A_1027 = arith.addi %get3A_1001, %add3A_1026 : vector<16xi32>
        %gather3A_1028 = tpu.vector_load_idx %arg6[%add3A_1027] : memref<80000xf32, #tpu.memory_space<vmem>>[vector<16xi32>], vector<16xf32>,
        %mul3A_1029 = arith.mulf %get3A_1006, %gather3A_1028 : vector<16xf32>
        %add3A_1030 = arith.addf %add3A_924, %mul3A_1029 : vector<16xf32>
        %add3A_1031 = arith.constant 20000 : i32
        %add3A_1032 = vector.broadcast %add3A_1031 : i32 to vector<16xi32>
        %add3A_1033 = arith.addi %get3A_1001, %add3A_1032 : vector<16xi32>
        %gather3A_1034 = tpu.vector_load_idx %arg6[%add3A_1033] : memref<80000xf32, #tpu.memory_space<vmem>>[vector<16xi32>], vector<16xf32>,
        %mul3A_1035 = arith.mulf %get3A_1006, %gather3A_1034 : vector<16xf32>
        %add3A_1036 = arith.addf %add3A_930, %mul3A_1035 : vector<16xf32>
        %add3A_1037 = arith.constant 25000 : i32
        %add3A_1038 = vector.broadcast %add3A_1037 : i32 to vector<16xi32>
        %add3A_1039 = arith.addi %get3A_1001, %add3A_1038 : vector<16xi32>
        %gather3A_1040 = tpu.vector_load_idx %arg6[%add3A_1039] : memref<80000xf32, #tpu.memory_space<vmem>>[vector<16xi32>], vector<16xf32>,
        %mul3A_1041 = arith.mulf %get3A_1006, %gather3A_1040 : vector<16xf32>
        %add3A_1042 = arith.addf %add3A_936, %mul3A_1041 : vector<16xf32>
        %add3A_1043 = arith.constant 30000 : i32
        %add3A_1044 = vector.broadcast %add3A_1043 : i32 to vector<16xi32>
        %add3A_1045 = arith.addi %get3A_1001, %add3A_1044 : vector<16xi32>
        %gather3A_1046 = tpu.vector_load_idx %arg6[%add3A_1045] : memref<80000xf32, #tpu.memory_space<vmem>>[vector<16xi32>], vector<16xf32>,
        %mul3A_1047 = arith.mulf %get3A_1006, %gather3A_1046 : vector<16xf32>
        %add3A_1048 = arith.addf %add3A_942, %mul3A_1047 : vector<16xf32>
        %add3A_1049 = arith.constant 35000 : i32
        %add3A_1050 = vector.broadcast %add3A_1049 : i32 to vector<16xi32>
        %add3A_1051 = arith.addi %get3A_1001, %add3A_1050 : vector<16xi32>
        %gather3A_1052 = tpu.vector_load_idx %arg6[%add3A_1051] : memref<80000xf32, #tpu.memory_space<vmem>>[vector<16xi32>], vector<16xf32>,
        %mul3A_1053 = arith.mulf %get3A_1006, %gather3A_1052 : vector<16xf32>
        %add3A_1054 = arith.addf %add3A_948, %mul3A_1053 : vector<16xf32>
        %add3A_1055 = arith.constant 40000 : i32
        %add3A_1056 = vector.broadcast %add3A_1055 : i32 to vector<16xi32>
        %add3A_1057 = arith.addi %get3A_1001, %add3A_1056 : vector<16xi32>
        %gather3A_1058 = tpu.vector_load_idx %arg6[%add3A_1057] : memref<80000xf32, #tpu.memory_space<vmem>>[vector<16xi32>], vector<16xf32>,
        %mul3A_1059 = arith.mulf %get3A_1006, %gather3A_1058 : vector<16xf32>
        %add3A_1060 = arith.addf %add3A_954, %mul3A_1059 : vector<16xf32>
        %add3A_1061 = arith.constant 45000 : i32
        %add3A_1062 = vector.broadcast %add3A_1061 : i32 to vector<16xi32>
        %add3A_1063 = arith.addi %get3A_1001, %add3A_1062 : vector<16xi32>
        %gather3A_1064 = tpu.vector_load_idx %arg6[%add3A_1063] : memref<80000xf32, #tpu.memory_space<vmem>>[vector<16xi32>], vector<16xf32>,
        %mul3A_1065 = arith.mulf %get3A_1006, %gather3A_1064 : vector<16xf32>
        %add3A_1066 = arith.addf %add3A_960, %mul3A_1065 : vector<16xf32>
        %add3A_1067 = arith.constant 50000 : i32
        %add3A_1068 = vector.broadcast %add3A_1067 : i32 to vector<16xi32>
        %add3A_1069 = arith.addi %get3A_1001, %add3A_1068 : vector<16xi32>
        %gather3A_1070 = tpu.vector_load_idx %arg6[%add3A_1069] : memref<80000xf32, #tpu.memory_space<vmem>>[vector<16xi32>], vector<16xf32>,
        %mul3A_1071 = arith.mulf %get3A_1006, %gather3A_1070 : vector<16xf32>
        %add3A_1072 = arith.addf %add3A_966, %mul3A_1071 : vector<16xf32>
        %add3A_1073 = arith.constant 55000 : i32
        %add3A_1074 = vector.broadcast %add3A_1073 : i32 to vector<16xi32>
        %add3A_1075 = arith.addi %get3A_1001, %add3A_1074 : vector<16xi32>
        %gather3A_1076 = tpu.vector_load_idx %arg6[%add3A_1075] : memref<80000xf32, #tpu.memory_space<vmem>>[vector<16xi32>], vector<16xf32>,
        %mul3A_1077 = arith.mulf %get3A_1006, %gather3A_1076 : vector<16xf32>
        %add3A_1078 = arith.addf %add3A_972, %mul3A_1077 : vector<16xf32>
        %add3A_1079 = arith.constant 60000 : i32
        %add3A_1080 = vector.broadcast %add3A_1079 : i32 to vector<16xi32>
        %add3A_1081 = arith.addi %get3A_1001, %add3A_1080 : vector<16xi32>
        %gather3A_1082 = tpu.vector_load_idx %arg6[%add3A_1081] : memref<80000xf32, #tpu.memory_space<vmem>>[vector<16xi32>], vector<16xf32>,
        %mul3A_1083 = arith.mulf %get3A_1006, %gather3A_1082 : vector<16xf32>
        %add3A_1084 = arith.addf %add3A_978, %mul3A_1083 : vector<16xf32>
        %add3A_1085 = arith.constant 65000 : i32
        %add3A_1086 = vector.broadcast %add3A_1085 : i32 to vector<16xi32>
        %add3A_1087 = arith.addi %get3A_1001, %add3A_1086 : vector<16xi32>
        %gather3A_1088 = tpu.vector_load_idx %arg6[%add3A_1087] : memref<80000xf32, #tpu.memory_space<vmem>>[vector<16xi32>], vector<16xf32>,
        %mul3A_1089 = arith.mulf %get3A_1006, %gather3A_1088 : vector<16xf32>
        %add3A_1090 = arith.addf %add3A_984, %mul3A_1089 : vector<16xf32>
        %add3A_1091 = arith.constant 70000 : i32
        %add3A_1092 = vector.broadcast %add3A_1091 : i32 to vector<16xi32>
        %add3A_1093 = arith.addi %get3A_1001, %add3A_1092 : vector<16xi32>
        %gather3A_1094 = tpu.vector_load_idx %arg6[%add3A_1093] : memref<80000xf32, #tpu.memory_space<vmem>>[vector<16xi32>], vector<16xf32>,
        %mul3A_1095 = arith.mulf %get3A_1006, %gather3A_1094 : vector<16xf32>
        %add3A_1096 = arith.addf %add3A_990, %mul3A_1095 : vector<16xf32>
        %add3A_1097 = arith.constant 75000 : i32
        %add3A_1098 = vector.broadcast %add3A_1097 : i32 to vector<16xi32>
        %add3A_1099 = arith.addi %get3A_1001, %add3A_1098 : vector<16xi32>
        %gather3A_1100 = tpu.vector_load_idx %arg6[%add3A_1099] : memref<80000xf32, #tpu.memory_space<vmem>>[vector<16xi32>], vector<16xf32>,
        %mul3A_1101 = arith.mulf %get3A_1006, %gather3A_1100 : vector<16xf32>
        %add3A_1102 = arith.addf %add3A_996, %mul3A_1101 : vector<16xf32>
        %get3A_1103 = arith.constant 10 : i32
        %get3A_1104 = arith.index_cast %scan3A_13 : i32 to index
        %get3A_1105 = arith.index_cast %get3A_1103 : i32 to index
        %get3A_1106 = arith.constant 0 : index
        %get3A_1107 = tpu.vector_load %arg7[%get3A_1104, %get3A_1105, %get3A_1106] {strides = array<i32>} : memref<49x16x16xi32, #tpu.memory_space<vmem>>, vector<16xi32>,
        %get3A_1108 = arith.constant 10 : i32
        %get3A_1109 = arith.index_cast %scan3A_13 : i32 to index
        %get3A_1110 = arith.index_cast %get3A_1108 : i32 to index
        %get3A_1111 = arith.constant 0 : index
        %get3A_1112 = tpu.vector_load %arg8[%get3A_1109, %get3A_1110, %get3A_1111] {strides = array<i32>} : memref<49x16x16xf32, #tpu.memory_space<vmem>>, vector<16xf32>,
        %add3A_1113 = arith.constant 0 : i32
        %add3A_1114 = vector.broadcast %add3A_1113 : i32 to vector<16xi32>
        %add3A_1115 = arith.addi %get3A_1107, %add3A_1114 : vector<16xi32>
        %gather3A_1116 = tpu.vector_load_idx %arg6[%add3A_1115] : memref<80000xf32, #tpu.memory_space<vmem>>[vector<16xi32>], vector<16xf32>,
        %mul3A_1117 = arith.mulf %get3A_1112, %gather3A_1116 : vector<16xf32>
        %add3A_1118 = arith.addf %add3A_1012, %mul3A_1117 : vector<16xf32>
        %add3A_1119 = arith.constant 5000 : i32
        %add3A_1120 = vector.broadcast %add3A_1119 : i32 to vector<16xi32>
        %add3A_1121 = arith.addi %get3A_1107, %add3A_1120 : vector<16xi32>
        %gather3A_1122 = tpu.vector_load_idx %arg6[%add3A_1121] : memref<80000xf32, #tpu.memory_space<vmem>>[vector<16xi32>], vector<16xf32>,
        %mul3A_1123 = arith.mulf %get3A_1112, %gather3A_1122 : vector<16xf32>
        %add3A_1124 = arith.addf %add3A_1018, %mul3A_1123 : vector<16xf32>
        %add3A_1125 = arith.constant 10000 : i32
        %add3A_1126 = vector.broadcast %add3A_1125 : i32 to vector<16xi32>
        %add3A_1127 = arith.addi %get3A_1107, %add3A_1126 : vector<16xi32>
        %gather3A_1128 = tpu.vector_load_idx %arg6[%add3A_1127] : memref<80000xf32, #tpu.memory_space<vmem>>[vector<16xi32>], vector<16xf32>,
        %mul3A_1129 = arith.mulf %get3A_1112, %gather3A_1128 : vector<16xf32>
        %add3A_1130 = arith.addf %add3A_1024, %mul3A_1129 : vector<16xf32>
        %add3A_1131 = arith.constant 15000 : i32
        %add3A_1132 = vector.broadcast %add3A_1131 : i32 to vector<16xi32>
        %add3A_1133 = arith.addi %get3A_1107, %add3A_1132 : vector<16xi32>
        %gather3A_1134 = tpu.vector_load_idx %arg6[%add3A_1133] : memref<80000xf32, #tpu.memory_space<vmem>>[vector<16xi32>], vector<16xf32>,
        %mul3A_1135 = arith.mulf %get3A_1112, %gather3A_1134 : vector<16xf32>
        %add3A_1136 = arith.addf %add3A_1030, %mul3A_1135 : vector<16xf32>
        %add3A_1137 = arith.constant 20000 : i32
        %add3A_1138 = vector.broadcast %add3A_1137 : i32 to vector<16xi32>
        %add3A_1139 = arith.addi %get3A_1107, %add3A_1138 : vector<16xi32>
        %gather3A_1140 = tpu.vector_load_idx %arg6[%add3A_1139] : memref<80000xf32, #tpu.memory_space<vmem>>[vector<16xi32>], vector<16xf32>,
        %mul3A_1141 = arith.mulf %get3A_1112, %gather3A_1140 : vector<16xf32>
        %add3A_1142 = arith.addf %add3A_1036, %mul3A_1141 : vector<16xf32>
        %add3A_1143 = arith.constant 25000 : i32
        %add3A_1144 = vector.broadcast %add3A_1143 : i32 to vector<16xi32>
        %add3A_1145 = arith.addi %get3A_1107, %add3A_1144 : vector<16xi32>
        %gather3A_1146 = tpu.vector_load_idx %arg6[%add3A_1145] : memref<80000xf32, #tpu.memory_space<vmem>>[vector<16xi32>], vector<16xf32>,
        %mul3A_1147 = arith.mulf %get3A_1112, %gather3A_1146 : vector<16xf32>
        %add3A_1148 = arith.addf %add3A_1042, %mul3A_1147 : vector<16xf32>
        %add3A_1149 = arith.constant 30000 : i32
        %add3A_1150 = vector.broadcast %add3A_1149 : i32 to vector<16xi32>
        %add3A_1151 = arith.addi %get3A_1107, %add3A_1150 : vector<16xi32>
        %gather3A_1152 = tpu.vector_load_idx %arg6[%add3A_1151] : memref<80000xf32, #tpu.memory_space<vmem>>[vector<16xi32>], vector<16xf32>,
        %mul3A_1153 = arith.mulf %get3A_1112, %gather3A_1152 : vector<16xf32>
        %add3A_1154 = arith.addf %add3A_1048, %mul3A_1153 : vector<16xf32>
        %add3A_1155 = arith.constant 35000 : i32
        %add3A_1156 = vector.broadcast %add3A_1155 : i32 to vector<16xi32>
        %add3A_1157 = arith.addi %get3A_1107, %add3A_1156 : vector<16xi32>
        %gather3A_1158 = tpu.vector_load_idx %arg6[%add3A_1157] : memref<80000xf32, #tpu.memory_space<vmem>>[vector<16xi32>], vector<16xf32>,
        %mul3A_1159 = arith.mulf %get3A_1112, %gather3A_1158 : vector<16xf32>
        %add3A_1160 = arith.addf %add3A_1054, %mul3A_1159 : vector<16xf32>
        %add3A_1161 = arith.constant 40000 : i32
        %add3A_1162 = vector.broadcast %add3A_1161 : i32 to vector<16xi32>
        %add3A_1163 = arith.addi %get3A_1107, %add3A_1162 : vector<16xi32>
        %gather3A_1164 = tpu.vector_load_idx %arg6[%add3A_1163] : memref<80000xf32, #tpu.memory_space<vmem>>[vector<16xi32>], vector<16xf32>,
        %mul3A_1165 = arith.mulf %get3A_1112, %gather3A_1164 : vector<16xf32>
        %add3A_1166 = arith.addf %add3A_1060, %mul3A_1165 : vector<16xf32>
        %add3A_1167 = arith.constant 45000 : i32
        %add3A_1168 = vector.broadcast %add3A_1167 : i32 to vector<16xi32>
        %add3A_1169 = arith.addi %get3A_1107, %add3A_1168 : vector<16xi32>
        %gather3A_1170 = tpu.vector_load_idx %arg6[%add3A_1169] : memref<80000xf32, #tpu.memory_space<vmem>>[vector<16xi32>], vector<16xf32>,
        %mul3A_1171 = arith.mulf %get3A_1112, %gather3A_1170 : vector<16xf32>
        %add3A_1172 = arith.addf %add3A_1066, %mul3A_1171 : vector<16xf32>
        %add3A_1173 = arith.constant 50000 : i32
        %add3A_1174 = vector.broadcast %add3A_1173 : i32 to vector<16xi32>
        %add3A_1175 = arith.addi %get3A_1107, %add3A_1174 : vector<16xi32>
        %gather3A_1176 = tpu.vector_load_idx %arg6[%add3A_1175] : memref<80000xf32, #tpu.memory_space<vmem>>[vector<16xi32>], vector<16xf32>,
        %mul3A_1177 = arith.mulf %get3A_1112, %gather3A_1176 : vector<16xf32>
        %add3A_1178 = arith.addf %add3A_1072, %mul3A_1177 : vector<16xf32>
        %add3A_1179 = arith.constant 55000 : i32
        %add3A_1180 = vector.broadcast %add3A_1179 : i32 to vector<16xi32>
        %add3A_1181 = arith.addi %get3A_1107, %add3A_1180 : vector<16xi32>
        %gather3A_1182 = tpu.vector_load_idx %arg6[%add3A_1181] : memref<80000xf32, #tpu.memory_space<vmem>>[vector<16xi32>], vector<16xf32>,
        %mul3A_1183 = arith.mulf %get3A_1112, %gather3A_1182 : vector<16xf32>
        %add3A_1184 = arith.addf %add3A_1078, %mul3A_1183 : vector<16xf32>
        %add3A_1185 = arith.constant 60000 : i32
        %add3A_1186 = vector.broadcast %add3A_1185 : i32 to vector<16xi32>
        %add3A_1187 = arith.addi %get3A_1107, %add3A_1186 : vector<16xi32>
        %gather3A_1188 = tpu.vector_load_idx %arg6[%add3A_1187] : memref<80000xf32, #tpu.memory_space<vmem>>[vector<16xi32>], vector<16xf32>,
        %mul3A_1189 = arith.mulf %get3A_1112, %gather3A_1188 : vector<16xf32>
        %add3A_1190 = arith.addf %add3A_1084, %mul3A_1189 : vector<16xf32>
        %add3A_1191 = arith.constant 65000 : i32
        %add3A_1192 = vector.broadcast %add3A_1191 : i32 to vector<16xi32>
        %add3A_1193 = arith.addi %get3A_1107, %add3A_1192 : vector<16xi32>
        %gather3A_1194 = tpu.vector_load_idx %arg6[%add3A_1193] : memref<80000xf32, #tpu.memory_space<vmem>>[vector<16xi32>], vector<16xf32>,
        %mul3A_1195 = arith.mulf %get3A_1112, %gather3A_1194 : vector<16xf32>
        %add3A_1196 = arith.addf %add3A_1090, %mul3A_1195 : vector<16xf32>
        %add3A_1197 = arith.constant 70000 : i32
        %add3A_1198 = vector.broadcast %add3A_1197 : i32 to vector<16xi32>
        %add3A_1199 = arith.addi %get3A_1107, %add3A_1198 : vector<16xi32>
        %gather3A_1200 = tpu.vector_load_idx %arg6[%add3A_1199] : memref<80000xf32, #tpu.memory_space<vmem>>[vector<16xi32>], vector<16xf32>,
        %mul3A_1201 = arith.mulf %get3A_1112, %gather3A_1200 : vector<16xf32>
        %add3A_1202 = arith.addf %add3A_1096, %mul3A_1201 : vector<16xf32>
        %add3A_1203 = arith.constant 75000 : i32
        %add3A_1204 = vector.broadcast %add3A_1203 : i32 to vector<16xi32>
        %add3A_1205 = arith.addi %get3A_1107, %add3A_1204 : vector<16xi32>
        %gather3A_1206 = tpu.vector_load_idx %arg6[%add3A_1205] : memref<80000xf32, #tpu.memory_space<vmem>>[vector<16xi32>], vector<16xf32>,
        %mul3A_1207 = arith.mulf %get3A_1112, %gather3A_1206 : vector<16xf32>
        %add3A_1208 = arith.addf %add3A_1102, %mul3A_1207 : vector<16xf32>
        %get3A_1209 = arith.constant 11 : i32
        %get3A_1210 = arith.index_cast %scan3A_13 : i32 to index
        %get3A_1211 = arith.index_cast %get3A_1209 : i32 to index
        %get3A_1212 = arith.constant 0 : index
        %get3A_1213 = tpu.vector_load %arg7[%get3A_1210, %get3A_1211, %get3A_1212] {strides = array<i32>} : memref<49x16x16xi32, #tpu.memory_space<vmem>>, vector<16xi32>,
        %get3A_1214 = arith.constant 11 : i32
        %get3A_1215 = arith.index_cast %scan3A_13 : i32 to index
        %get3A_1216 = arith.index_cast %get3A_1214 : i32 to index
        %get3A_1217 = arith.constant 0 : index
        %get3A_1218 = tpu.vector_load %arg8[%get3A_1215, %get3A_1216, %get3A_1217] {strides = array<i32>} : memref<49x16x16xf32, #tpu.memory_space<vmem>>, vector<16xf32>,
        %add3A_1219 = arith.constant 0 : i32
        %add3A_1220 = vector.broadcast %add3A_1219 : i32 to vector<16xi32>
        %add3A_1221 = arith.addi %get3A_1213, %add3A_1220 : vector<16xi32>
        %gather3A_1222 = tpu.vector_load_idx %arg6[%add3A_1221] : memref<80000xf32, #tpu.memory_space<vmem>>[vector<16xi32>], vector<16xf32>,
        %mul3A_1223 = arith.mulf %get3A_1218, %gather3A_1222 : vector<16xf32>
        %add3A_1224 = arith.addf %add3A_1118, %mul3A_1223 : vector<16xf32>
        %add3A_1225 = arith.constant 5000 : i32
        %add3A_1226 = vector.broadcast %add3A_1225 : i32 to vector<16xi32>
        %add3A_1227 = arith.addi %get3A_1213, %add3A_1226 : vector<16xi32>
        %gather3A_1228 = tpu.vector_load_idx %arg6[%add3A_1227] : memref<80000xf32, #tpu.memory_space<vmem>>[vector<16xi32>], vector<16xf32>,
        %mul3A_1229 = arith.mulf %get3A_1218, %gather3A_1228 : vector<16xf32>
        %add3A_1230 = arith.addf %add3A_1124, %mul3A_1229 : vector<16xf32>
        %add3A_1231 = arith.constant 10000 : i32
        %add3A_1232 = vector.broadcast %add3A_1231 : i32 to vector<16xi32>
        %add3A_1233 = arith.addi %get3A_1213, %add3A_1232 : vector<16xi32>
        %gather3A_1234 = tpu.vector_load_idx %arg6[%add3A_1233] : memref<80000xf32, #tpu.memory_space<vmem>>[vector<16xi32>], vector<16xf32>,
        %mul3A_1235 = arith.mulf %get3A_1218, %gather3A_1234 : vector<16xf32>
        %add3A_1236 = arith.addf %add3A_1130, %mul3A_1235 : vector<16xf32>
        %add3A_1237 = arith.constant 15000 : i32
        %add3A_1238 = vector.broadcast %add3A_1237 : i32 to vector<16xi32>
        %add3A_1239 = arith.addi %get3A_1213, %add3A_1238 : vector<16xi32>
        %gather3A_1240 = tpu.vector_load_idx %arg6[%add3A_1239] : memref<80000xf32, #tpu.memory_space<vmem>>[vector<16xi32>], vector<16xf32>,
        %mul3A_1241 = arith.mulf %get3A_1218, %gather3A_1240 : vector<16xf32>
        %add3A_1242 = arith.addf %add3A_1136, %mul3A_1241 : vector<16xf32>
        %add3A_1243 = arith.constant 20000 : i32
        %add3A_1244 = vector.broadcast %add3A_1243 : i32 to vector<16xi32>
        %add3A_1245 = arith.addi %get3A_1213, %add3A_1244 : vector<16xi32>
        %gather3A_1246 = tpu.vector_load_idx %arg6[%add3A_1245] : memref<80000xf32, #tpu.memory_space<vmem>>[vector<16xi32>], vector<16xf32>,
        %mul3A_1247 = arith.mulf %get3A_1218, %gather3A_1246 : vector<16xf32>
        %add3A_1248 = arith.addf %add3A_1142, %mul3A_1247 : vector<16xf32>
        %add3A_1249 = arith.constant 25000 : i32
        %add3A_1250 = vector.broadcast %add3A_1249 : i32 to vector<16xi32>
        %add3A_1251 = arith.addi %get3A_1213, %add3A_1250 : vector<16xi32>
        %gather3A_1252 = tpu.vector_load_idx %arg6[%add3A_1251] : memref<80000xf32, #tpu.memory_space<vmem>>[vector<16xi32>], vector<16xf32>,
        %mul3A_1253 = arith.mulf %get3A_1218, %gather3A_1252 : vector<16xf32>
        %add3A_1254 = arith.addf %add3A_1148, %mul3A_1253 : vector<16xf32>
        %add3A_1255 = arith.constant 30000 : i32
        %add3A_1256 = vector.broadcast %add3A_1255 : i32 to vector<16xi32>
        %add3A_1257 = arith.addi %get3A_1213, %add3A_1256 : vector<16xi32>
        %gather3A_1258 = tpu.vector_load_idx %arg6[%add3A_1257] : memref<80000xf32, #tpu.memory_space<vmem>>[vector<16xi32>], vector<16xf32>,
        %mul3A_1259 = arith.mulf %get3A_1218, %gather3A_1258 : vector<16xf32>
        %add3A_1260 = arith.addf %add3A_1154, %mul3A_1259 : vector<16xf32>
        %add3A_1261 = arith.constant 35000 : i32
        %add3A_1262 = vector.broadcast %add3A_1261 : i32 to vector<16xi32>
        %add3A_1263 = arith.addi %get3A_1213, %add3A_1262 : vector<16xi32>
        %gather3A_1264 = tpu.vector_load_idx %arg6[%add3A_1263] : memref<80000xf32, #tpu.memory_space<vmem>>[vector<16xi32>], vector<16xf32>,
        %mul3A_1265 = arith.mulf %get3A_1218, %gather3A_1264 : vector<16xf32>
        %add3A_1266 = arith.addf %add3A_1160, %mul3A_1265 : vector<16xf32>
        %add3A_1267 = arith.constant 40000 : i32
        %add3A_1268 = vector.broadcast %add3A_1267 : i32 to vector<16xi32>
        %add3A_1269 = arith.addi %get3A_1213, %add3A_1268 : vector<16xi32>
        %gather3A_1270 = tpu.vector_load_idx %arg6[%add3A_1269] : memref<80000xf32, #tpu.memory_space<vmem>>[vector<16xi32>], vector<16xf32>,
        %mul3A_1271 = arith.mulf %get3A_1218, %gather3A_1270 : vector<16xf32>
        %add3A_1272 = arith.addf %add3A_1166, %mul3A_1271 : vector<16xf32>
        %add3A_1273 = arith.constant 45000 : i32
        %add3A_1274 = vector.broadcast %add3A_1273 : i32 to vector<16xi32>
        %add3A_1275 = arith.addi %get3A_1213, %add3A_1274 : vector<16xi32>
        %gather3A_1276 = tpu.vector_load_idx %arg6[%add3A_1275] : memref<80000xf32, #tpu.memory_space<vmem>>[vector<16xi32>], vector<16xf32>,
        %mul3A_1277 = arith.mulf %get3A_1218, %gather3A_1276 : vector<16xf32>
        %add3A_1278 = arith.addf %add3A_1172, %mul3A_1277 : vector<16xf32>
        %add3A_1279 = arith.constant 50000 : i32
        %add3A_1280 = vector.broadcast %add3A_1279 : i32 to vector<16xi32>
        %add3A_1281 = arith.addi %get3A_1213, %add3A_1280 : vector<16xi32>
        %gather3A_1282 = tpu.vector_load_idx %arg6[%add3A_1281] : memref<80000xf32, #tpu.memory_space<vmem>>[vector<16xi32>], vector<16xf32>,
        %mul3A_1283 = arith.mulf %get3A_1218, %gather3A_1282 : vector<16xf32>
        %add3A_1284 = arith.addf %add3A_1178, %mul3A_1283 : vector<16xf32>
        %add3A_1285 = arith.constant 55000 : i32
        %add3A_1286 = vector.broadcast %add3A_1285 : i32 to vector<16xi32>
        %add3A_1287 = arith.addi %get3A_1213, %add3A_1286 : vector<16xi32>
        %gather3A_1288 = tpu.vector_load_idx %arg6[%add3A_1287] : memref<80000xf32, #tpu.memory_space<vmem>>[vector<16xi32>], vector<16xf32>,
        %mul3A_1289 = arith.mulf %get3A_1218, %gather3A_1288 : vector<16xf32>
        %add3A_1290 = arith.addf %add3A_1184, %mul3A_1289 : vector<16xf32>
        %add3A_1291 = arith.constant 60000 : i32
        %add3A_1292 = vector.broadcast %add3A_1291 : i32 to vector<16xi32>
        %add3A_1293 = arith.addi %get3A_1213, %add3A_1292 : vector<16xi32>
        %gather3A_1294 = tpu.vector_load_idx %arg6[%add3A_1293] : memref<80000xf32, #tpu.memory_space<vmem>>[vector<16xi32>], vector<16xf32>,
        %mul3A_1295 = arith.mulf %get3A_1218, %gather3A_1294 : vector<16xf32>
        %add3A_1296 = arith.addf %add3A_1190, %mul3A_1295 : vector<16xf32>
        %add3A_1297 = arith.constant 65000 : i32
        %add3A_1298 = vector.broadcast %add3A_1297 : i32 to vector<16xi32>
        %add3A_1299 = arith.addi %get3A_1213, %add3A_1298 : vector<16xi32>
        %gather3A_1300 = tpu.vector_load_idx %arg6[%add3A_1299] : memref<80000xf32, #tpu.memory_space<vmem>>[vector<16xi32>], vector<16xf32>,
        %mul3A_1301 = arith.mulf %get3A_1218, %gather3A_1300 : vector<16xf32>
        %add3A_1302 = arith.addf %add3A_1196, %mul3A_1301 : vector<16xf32>
        %add3A_1303 = arith.constant 70000 : i32
        %add3A_1304 = vector.broadcast %add3A_1303 : i32 to vector<16xi32>
        %add3A_1305 = arith.addi %get3A_1213, %add3A_1304 : vector<16xi32>
        %gather3A_1306 = tpu.vector_load_idx %arg6[%add3A_1305] : memref<80000xf32, #tpu.memory_space<vmem>>[vector<16xi32>], vector<16xf32>,
        %mul3A_1307 = arith.mulf %get3A_1218, %gather3A_1306 : vector<16xf32>
        %add3A_1308 = arith.addf %add3A_1202, %mul3A_1307 : vector<16xf32>
        %add3A_1309 = arith.constant 75000 : i32
        %add3A_1310 = vector.broadcast %add3A_1309 : i32 to vector<16xi32>
        %add3A_1311 = arith.addi %get3A_1213, %add3A_1310 : vector<16xi32>
        %gather3A_1312 = tpu.vector_load_idx %arg6[%add3A_1311] : memref<80000xf32, #tpu.memory_space<vmem>>[vector<16xi32>], vector<16xf32>,
        %mul3A_1313 = arith.mulf %get3A_1218, %gather3A_1312 : vector<16xf32>
        %add3A_1314 = arith.addf %add3A_1208, %mul3A_1313 : vector<16xf32>
        %get3A_1315 = arith.constant 12 : i32
        %get3A_1316 = arith.index_cast %scan3A_13 : i32 to index
        %get3A_1317 = arith.index_cast %get3A_1315 : i32 to index
        %get3A_1318 = arith.constant 0 : index
        %get3A_1319 = tpu.vector_load %arg7[%get3A_1316, %get3A_1317, %get3A_1318] {strides = array<i32>} : memref<49x16x16xi32, #tpu.memory_space<vmem>>, vector<16xi32>,
        %get3A_1320 = arith.constant 12 : i32
        %get3A_1321 = arith.index_cast %scan3A_13 : i32 to index
        %get3A_1322 = arith.index_cast %get3A_1320 : i32 to index
        %get3A_1323 = arith.constant 0 : index
        %get3A_1324 = tpu.vector_load %arg8[%get3A_1321, %get3A_1322, %get3A_1323] {strides = array<i32>} : memref<49x16x16xf32, #tpu.memory_space<vmem>>, vector<16xf32>,
        %add3A_1325 = arith.constant 0 : i32
        %add3A_1326 = vector.broadcast %add3A_1325 : i32 to vector<16xi32>
        %add3A_1327 = arith.addi %get3A_1319, %add3A_1326 : vector<16xi32>
        %gather3A_1328 = tpu.vector_load_idx %arg6[%add3A_1327] : memref<80000xf32, #tpu.memory_space<vmem>>[vector<16xi32>], vector<16xf32>,
        %mul3A_1329 = arith.mulf %get3A_1324, %gather3A_1328 : vector<16xf32>
        %add3A_1330 = arith.addf %add3A_1224, %mul3A_1329 : vector<16xf32>
        %add3A_1331 = arith.constant 5000 : i32
        %add3A_1332 = vector.broadcast %add3A_1331 : i32 to vector<16xi32>
        %add3A_1333 = arith.addi %get3A_1319, %add3A_1332 : vector<16xi32>
        %gather3A_1334 = tpu.vector_load_idx %arg6[%add3A_1333] : memref<80000xf32, #tpu.memory_space<vmem>>[vector<16xi32>], vector<16xf32>,
        %mul3A_1335 = arith.mulf %get3A_1324, %gather3A_1334 : vector<16xf32>
        %add3A_1336 = arith.addf %add3A_1230, %mul3A_1335 : vector<16xf32>
        %add3A_1337 = arith.constant 10000 : i32
        %add3A_1338 = vector.broadcast %add3A_1337 : i32 to vector<16xi32>
        %add3A_1339 = arith.addi %get3A_1319, %add3A_1338 : vector<16xi32>
        %gather3A_1340 = tpu.vector_load_idx %arg6[%add3A_1339] : memref<80000xf32, #tpu.memory_space<vmem>>[vector<16xi32>], vector<16xf32>,
        %mul3A_1341 = arith.mulf %get3A_1324, %gather3A_1340 : vector<16xf32>
        %add3A_1342 = arith.addf %add3A_1236, %mul3A_1341 : vector<16xf32>
        %add3A_1343 = arith.constant 15000 : i32
        %add3A_1344 = vector.broadcast %add3A_1343 : i32 to vector<16xi32>
        %add3A_1345 = arith.addi %get3A_1319, %add3A_1344 : vector<16xi32>
        %gather3A_1346 = tpu.vector_load_idx %arg6[%add3A_1345] : memref<80000xf32, #tpu.memory_space<vmem>>[vector<16xi32>], vector<16xf32>,
        %mul3A_1347 = arith.mulf %get3A_1324, %gather3A_1346 : vector<16xf32>
        %add3A_1348 = arith.addf %add3A_1242, %mul3A_1347 : vector<16xf32>
        %add3A_1349 = arith.constant 20000 : i32
        %add3A_1350 = vector.broadcast %add3A_1349 : i32 to vector<16xi32>
        %add3A_1351 = arith.addi %get3A_1319, %add3A_1350 : vector<16xi32>
        %gather3A_1352 = tpu.vector_load_idx %arg6[%add3A_1351] : memref<80000xf32, #tpu.memory_space<vmem>>[vector<16xi32>], vector<16xf32>,
        %mul3A_1353 = arith.mulf %get3A_1324, %gather3A_1352 : vector<16xf32>
        %add3A_1354 = arith.addf %add3A_1248, %mul3A_1353 : vector<16xf32>
        %add3A_1355 = arith.constant 25000 : i32
        %add3A_1356 = vector.broadcast %add3A_1355 : i32 to vector<16xi32>
        %add3A_1357 = arith.addi %get3A_1319, %add3A_1356 : vector<16xi32>
        %gather3A_1358 = tpu.vector_load_idx %arg6[%add3A_1357] : memref<80000xf32, #tpu.memory_space<vmem>>[vector<16xi32>], vector<16xf32>,
        %mul3A_1359 = arith.mulf %get3A_1324, %gather3A_1358 : vector<16xf32>
        %add3A_1360 = arith.addf %add3A_1254, %mul3A_1359 : vector<16xf32>
        %add3A_1361 = arith.constant 30000 : i32
        %add3A_1362 = vector.broadcast %add3A_1361 : i32 to vector<16xi32>
        %add3A_1363 = arith.addi %get3A_1319, %add3A_1362 : vector<16xi32>
        %gather3A_1364 = tpu.vector_load_idx %arg6[%add3A_1363] : memref<80000xf32, #tpu.memory_space<vmem>>[vector<16xi32>], vector<16xf32>,
        %mul3A_1365 = arith.mulf %get3A_1324, %gather3A_1364 : vector<16xf32>
        %add3A_1366 = arith.addf %add3A_1260, %mul3A_1365 : vector<16xf32>
        %add3A_1367 = arith.constant 35000 : i32
        %add3A_1368 = vector.broadcast %add3A_1367 : i32 to vector<16xi32>
        %add3A_1369 = arith.addi %get3A_1319, %add3A_1368 : vector<16xi32>
        %gather3A_1370 = tpu.vector_load_idx %arg6[%add3A_1369] : memref<80000xf32, #tpu.memory_space<vmem>>[vector<16xi32>], vector<16xf32>,
        %mul3A_1371 = arith.mulf %get3A_1324, %gather3A_1370 : vector<16xf32>
        %add3A_1372 = arith.addf %add3A_1266, %mul3A_1371 : vector<16xf32>
        %add3A_1373 = arith.constant 40000 : i32
        %add3A_1374 = vector.broadcast %add3A_1373 : i32 to vector<16xi32>
        %add3A_1375 = arith.addi %get3A_1319, %add3A_1374 : vector<16xi32>
        %gather3A_1376 = tpu.vector_load_idx %arg6[%add3A_1375] : memref<80000xf32, #tpu.memory_space<vmem>>[vector<16xi32>], vector<16xf32>,
        %mul3A_1377 = arith.mulf %get3A_1324, %gather3A_1376 : vector<16xf32>
        %add3A_1378 = arith.addf %add3A_1272, %mul3A_1377 : vector<16xf32>
        %add3A_1379 = arith.constant 45000 : i32
        %add3A_1380 = vector.broadcast %add3A_1379 : i32 to vector<16xi32>
        %add3A_1381 = arith.addi %get3A_1319, %add3A_1380 : vector<16xi32>
        %gather3A_1382 = tpu.vector_load_idx %arg6[%add3A_1381] : memref<80000xf32, #tpu.memory_space<vmem>>[vector<16xi32>], vector<16xf32>,
        %mul3A_1383 = arith.mulf %get3A_1324, %gather3A_1382 : vector<16xf32>
        %add3A_1384 = arith.addf %add3A_1278, %mul3A_1383 : vector<16xf32>
        %add3A_1385 = arith.constant 50000 : i32
        %add3A_1386 = vector.broadcast %add3A_1385 : i32 to vector<16xi32>
        %add3A_1387 = arith.addi %get3A_1319, %add3A_1386 : vector<16xi32>
        %gather3A_1388 = tpu.vector_load_idx %arg6[%add3A_1387] : memref<80000xf32, #tpu.memory_space<vmem>>[vector<16xi32>], vector<16xf32>,
        %mul3A_1389 = arith.mulf %get3A_1324, %gather3A_1388 : vector<16xf32>
        %add3A_1390 = arith.addf %add3A_1284, %mul3A_1389 : vector<16xf32>
        %add3A_1391 = arith.constant 55000 : i32
        %add3A_1392 = vector.broadcast %add3A_1391 : i32 to vector<16xi32>
        %add3A_1393 = arith.addi %get3A_1319, %add3A_1392 : vector<16xi32>
        %gather3A_1394 = tpu.vector_load_idx %arg6[%add3A_1393] : memref<80000xf32, #tpu.memory_space<vmem>>[vector<16xi32>], vector<16xf32>,
        %mul3A_1395 = arith.mulf %get3A_1324, %gather3A_1394 : vector<16xf32>
        %add3A_1396 = arith.addf %add3A_1290, %mul3A_1395 : vector<16xf32>
        %add3A_1397 = arith.constant 60000 : i32
        %add3A_1398 = vector.broadcast %add3A_1397 : i32 to vector<16xi32>
        %add3A_1399 = arith.addi %get3A_1319, %add3A_1398 : vector<16xi32>
        %gather3A_1400 = tpu.vector_load_idx %arg6[%add3A_1399] : memref<80000xf32, #tpu.memory_space<vmem>>[vector<16xi32>], vector<16xf32>,
        %mul3A_1401 = arith.mulf %get3A_1324, %gather3A_1400 : vector<16xf32>
        %add3A_1402 = arith.addf %add3A_1296, %mul3A_1401 : vector<16xf32>
        %add3A_1403 = arith.constant 65000 : i32
        %add3A_1404 = vector.broadcast %add3A_1403 : i32 to vector<16xi32>
        %add3A_1405 = arith.addi %get3A_1319, %add3A_1404 : vector<16xi32>
        %gather3A_1406 = tpu.vector_load_idx %arg6[%add3A_1405] : memref<80000xf32, #tpu.memory_space<vmem>>[vector<16xi32>], vector<16xf32>,
        %mul3A_1407 = arith.mulf %get3A_1324, %gather3A_1406 : vector<16xf32>
        %add3A_1408 = arith.addf %add3A_1302, %mul3A_1407 : vector<16xf32>
        %add3A_1409 = arith.constant 70000 : i32
        %add3A_1410 = vector.broadcast %add3A_1409 : i32 to vector<16xi32>
        %add3A_1411 = arith.addi %get3A_1319, %add3A_1410 : vector<16xi32>
        %gather3A_1412 = tpu.vector_load_idx %arg6[%add3A_1411] : memref<80000xf32, #tpu.memory_space<vmem>>[vector<16xi32>], vector<16xf32>,
        %mul3A_1413 = arith.mulf %get3A_1324, %gather3A_1412 : vector<16xf32>
        %add3A_1414 = arith.addf %add3A_1308, %mul3A_1413 : vector<16xf32>
        %add3A_1415 = arith.constant 75000 : i32
        %add3A_1416 = vector.broadcast %add3A_1415 : i32 to vector<16xi32>
        %add3A_1417 = arith.addi %get3A_1319, %add3A_1416 : vector<16xi32>
        %gather3A_1418 = tpu.vector_load_idx %arg6[%add3A_1417] : memref<80000xf32, #tpu.memory_space<vmem>>[vector<16xi32>], vector<16xf32>,
        %mul3A_1419 = arith.mulf %get3A_1324, %gather3A_1418 : vector<16xf32>
        %add3A_1420 = arith.addf %add3A_1314, %mul3A_1419 : vector<16xf32>
        %get3A_1421 = arith.constant 13 : i32
        %get3A_1422 = arith.index_cast %scan3A_13 : i32 to index
        %get3A_1423 = arith.index_cast %get3A_1421 : i32 to index
        %get3A_1424 = arith.constant 0 : index
        %get3A_1425 = tpu.vector_load %arg7[%get3A_1422, %get3A_1423, %get3A_1424] {strides = array<i32>} : memref<49x16x16xi32, #tpu.memory_space<vmem>>, vector<16xi32>,
        %get3A_1426 = arith.constant 13 : i32
        %get3A_1427 = arith.index_cast %scan3A_13 : i32 to index
        %get3A_1428 = arith.index_cast %get3A_1426 : i32 to index
        %get3A_1429 = arith.constant 0 : index
        %get3A_1430 = tpu.vector_load %arg8[%get3A_1427, %get3A_1428, %get3A_1429] {strides = array<i32>} : memref<49x16x16xf32, #tpu.memory_space<vmem>>, vector<16xf32>,
        %add3A_1431 = arith.constant 0 : i32
        %add3A_1432 = vector.broadcast %add3A_1431 : i32 to vector<16xi32>
        %add3A_1433 = arith.addi %get3A_1425, %add3A_1432 : vector<16xi32>
        %gather3A_1434 = tpu.vector_load_idx %arg6[%add3A_1433] : memref<80000xf32, #tpu.memory_space<vmem>>[vector<16xi32>], vector<16xf32>,
        %mul3A_1435 = arith.mulf %get3A_1430, %gather3A_1434 : vector<16xf32>
        %add3A_1436 = arith.addf %add3A_1330, %mul3A_1435 : vector<16xf32>
        %add3A_1437 = arith.constant 5000 : i32
        %add3A_1438 = vector.broadcast %add3A_1437 : i32 to vector<16xi32>
        %add3A_1439 = arith.addi %get3A_1425, %add3A_1438 : vector<16xi32>
        %gather3A_1440 = tpu.vector_load_idx %arg6[%add3A_1439] : memref<80000xf32, #tpu.memory_space<vmem>>[vector<16xi32>], vector<16xf32>,
        %mul3A_1441 = arith.mulf %get3A_1430, %gather3A_1440 : vector<16xf32>
        %add3A_1442 = arith.addf %add3A_1336, %mul3A_1441 : vector<16xf32>
        %add3A_1443 = arith.constant 10000 : i32
        %add3A_1444 = vector.broadcast %add3A_1443 : i32 to vector<16xi32>
        %add3A_1445 = arith.addi %get3A_1425, %add3A_1444 : vector<16xi32>
        %gather3A_1446 = tpu.vector_load_idx %arg6[%add3A_1445] : memref<80000xf32, #tpu.memory_space<vmem>>[vector<16xi32>], vector<16xf32>,
        %mul3A_1447 = arith.mulf %get3A_1430, %gather3A_1446 : vector<16xf32>
        %add3A_1448 = arith.addf %add3A_1342, %mul3A_1447 : vector<16xf32>
        %add3A_1449 = arith.constant 15000 : i32
        %add3A_1450 = vector.broadcast %add3A_1449 : i32 to vector<16xi32>
        %add3A_1451 = arith.addi %get3A_1425, %add3A_1450 : vector<16xi32>
        %gather3A_1452 = tpu.vector_load_idx %arg6[%add3A_1451] : memref<80000xf32, #tpu.memory_space<vmem>>[vector<16xi32>], vector<16xf32>,
        %mul3A_1453 = arith.mulf %get3A_1430, %gather3A_1452 : vector<16xf32>
        %add3A_1454 = arith.addf %add3A_1348, %mul3A_1453 : vector<16xf32>
        %add3A_1455 = arith.constant 20000 : i32
        %add3A_1456 = vector.broadcast %add3A_1455 : i32 to vector<16xi32>
        %add3A_1457 = arith.addi %get3A_1425, %add3A_1456 : vector<16xi32>
        %gather3A_1458 = tpu.vector_load_idx %arg6[%add3A_1457] : memref<80000xf32, #tpu.memory_space<vmem>>[vector<16xi32>], vector<16xf32>,
        %mul3A_1459 = arith.mulf %get3A_1430, %gather3A_1458 : vector<16xf32>
        %add3A_1460 = arith.addf %add3A_1354, %mul3A_1459 : vector<16xf32>
        %add3A_1461 = arith.constant 25000 : i32
        %add3A_1462 = vector.broadcast %add3A_1461 : i32 to vector<16xi32>
        %add3A_1463 = arith.addi %get3A_1425, %add3A_1462 : vector<16xi32>
        %gather3A_1464 = tpu.vector_load_idx %arg6[%add3A_1463] : memref<80000xf32, #tpu.memory_space<vmem>>[vector<16xi32>], vector<16xf32>,
        %mul3A_1465 = arith.mulf %get3A_1430, %gather3A_1464 : vector<16xf32>
        %add3A_1466 = arith.addf %add3A_1360, %mul3A_1465 : vector<16xf32>
        %add3A_1467 = arith.constant 30000 : i32
        %add3A_1468 = vector.broadcast %add3A_1467 : i32 to vector<16xi32>
        %add3A_1469 = arith.addi %get3A_1425, %add3A_1468 : vector<16xi32>
        %gather3A_1470 = tpu.vector_load_idx %arg6[%add3A_1469] : memref<80000xf32, #tpu.memory_space<vmem>>[vector<16xi32>], vector<16xf32>,
        %mul3A_1471 = arith.mulf %get3A_1430, %gather3A_1470 : vector<16xf32>
        %add3A_1472 = arith.addf %add3A_1366, %mul3A_1471 : vector<16xf32>
        %add3A_1473 = arith.constant 35000 : i32
        %add3A_1474 = vector.broadcast %add3A_1473 : i32 to vector<16xi32>
        %add3A_1475 = arith.addi %get3A_1425, %add3A_1474 : vector<16xi32>
        %gather3A_1476 = tpu.vector_load_idx %arg6[%add3A_1475] : memref<80000xf32, #tpu.memory_space<vmem>>[vector<16xi32>], vector<16xf32>,
        %mul3A_1477 = arith.mulf %get3A_1430, %gather3A_1476 : vector<16xf32>
        %add3A_1478 = arith.addf %add3A_1372, %mul3A_1477 : vector<16xf32>
        %add3A_1479 = arith.constant 40000 : i32
        %add3A_1480 = vector.broadcast %add3A_1479 : i32 to vector<16xi32>
        %add3A_1481 = arith.addi %get3A_1425, %add3A_1480 : vector<16xi32>
        %gather3A_1482 = tpu.vector_load_idx %arg6[%add3A_1481] : memref<80000xf32, #tpu.memory_space<vmem>>[vector<16xi32>], vector<16xf32>,
        %mul3A_1483 = arith.mulf %get3A_1430, %gather3A_1482 : vector<16xf32>
        %add3A_1484 = arith.addf %add3A_1378, %mul3A_1483 : vector<16xf32>
        %add3A_1485 = arith.constant 45000 : i32
        %add3A_1486 = vector.broadcast %add3A_1485 : i32 to vector<16xi32>
        %add3A_1487 = arith.addi %get3A_1425, %add3A_1486 : vector<16xi32>
        %gather3A_1488 = tpu.vector_load_idx %arg6[%add3A_1487] : memref<80000xf32, #tpu.memory_space<vmem>>[vector<16xi32>], vector<16xf32>,
        %mul3A_1489 = arith.mulf %get3A_1430, %gather3A_1488 : vector<16xf32>
        %add3A_1490 = arith.addf %add3A_1384, %mul3A_1489 : vector<16xf32>
        %add3A_1491 = arith.constant 50000 : i32
        %add3A_1492 = vector.broadcast %add3A_1491 : i32 to vector<16xi32>
        %add3A_1493 = arith.addi %get3A_1425, %add3A_1492 : vector<16xi32>
        %gather3A_1494 = tpu.vector_load_idx %arg6[%add3A_1493] : memref<80000xf32, #tpu.memory_space<vmem>>[vector<16xi32>], vector<16xf32>,
        %mul3A_1495 = arith.mulf %get3A_1430, %gather3A_1494 : vector<16xf32>
        %add3A_1496 = arith.addf %add3A_1390, %mul3A_1495 : vector<16xf32>
        %add3A_1497 = arith.constant 55000 : i32
        %add3A_1498 = vector.broadcast %add3A_1497 : i32 to vector<16xi32>
        %add3A_1499 = arith.addi %get3A_1425, %add3A_1498 : vector<16xi32>
        %gather3A_1500 = tpu.vector_load_idx %arg6[%add3A_1499] : memref<80000xf32, #tpu.memory_space<vmem>>[vector<16xi32>], vector<16xf32>,
        %mul3A_1501 = arith.mulf %get3A_1430, %gather3A_1500 : vector<16xf32>
        %add3A_1502 = arith.addf %add3A_1396, %mul3A_1501 : vector<16xf32>
        %add3A_1503 = arith.constant 60000 : i32
        %add3A_1504 = vector.broadcast %add3A_1503 : i32 to vector<16xi32>
        %add3A_1505 = arith.addi %get3A_1425, %add3A_1504 : vector<16xi32>
        %gather3A_1506 = tpu.vector_load_idx %arg6[%add3A_1505] : memref<80000xf32, #tpu.memory_space<vmem>>[vector<16xi32>], vector<16xf32>,
        %mul3A_1507 = arith.mulf %get3A_1430, %gather3A_1506 : vector<16xf32>
        %add3A_1508 = arith.addf %add3A_1402, %mul3A_1507 : vector<16xf32>
        %add3A_1509 = arith.constant 65000 : i32
        %add3A_1510 = vector.broadcast %add3A_1509 : i32 to vector<16xi32>
        %add3A_1511 = arith.addi %get3A_1425, %add3A_1510 : vector<16xi32>
        %gather3A_1512 = tpu.vector_load_idx %arg6[%add3A_1511] : memref<80000xf32, #tpu.memory_space<vmem>>[vector<16xi32>], vector<16xf32>,
        %mul3A_1513 = arith.mulf %get3A_1430, %gather3A_1512 : vector<16xf32>
        %add3A_1514 = arith.addf %add3A_1408, %mul3A_1513 : vector<16xf32>
        %add3A_1515 = arith.constant 70000 : i32
        %add3A_1516 = vector.broadcast %add3A_1515 : i32 to vector<16xi32>
        %add3A_1517 = arith.addi %get3A_1425, %add3A_1516 : vector<16xi32>
        %gather3A_1518 = tpu.vector_load_idx %arg6[%add3A_1517] : memref<80000xf32, #tpu.memory_space<vmem>>[vector<16xi32>], vector<16xf32>,
        %mul3A_1519 = arith.mulf %get3A_1430, %gather3A_1518 : vector<16xf32>
        %add3A_1520 = arith.addf %add3A_1414, %mul3A_1519 : vector<16xf32>
        %add3A_1521 = arith.constant 75000 : i32
        %add3A_1522 = vector.broadcast %add3A_1521 : i32 to vector<16xi32>
        %add3A_1523 = arith.addi %get3A_1425, %add3A_1522 : vector<16xi32>
        %gather3A_1524 = tpu.vector_load_idx %arg6[%add3A_1523] : memref<80000xf32, #tpu.memory_space<vmem>>[vector<16xi32>], vector<16xf32>,
        %mul3A_1525 = arith.mulf %get3A_1430, %gather3A_1524 : vector<16xf32>
        %add3A_1526 = arith.addf %add3A_1420, %mul3A_1525 : vector<16xf32>
        %get3A_1527 = arith.constant 14 : i32
        %get3A_1528 = arith.index_cast %scan3A_13 : i32 to index
        %get3A_1529 = arith.index_cast %get3A_1527 : i32 to index
        %get3A_1530 = arith.constant 0 : index
        %get3A_1531 = tpu.vector_load %arg7[%get3A_1528, %get3A_1529, %get3A_1530] {strides = array<i32>} : memref<49x16x16xi32, #tpu.memory_space<vmem>>, vector<16xi32>,
        %get3A_1532 = arith.constant 14 : i32
        %get3A_1533 = arith.index_cast %scan3A_13 : i32 to index
        %get3A_1534 = arith.index_cast %get3A_1532 : i32 to index
        %get3A_1535 = arith.constant 0 : index
        %get3A_1536 = tpu.vector_load %arg8[%get3A_1533, %get3A_1534, %get3A_1535] {strides = array<i32>} : memref<49x16x16xf32, #tpu.memory_space<vmem>>, vector<16xf32>,
        %add3A_1537 = arith.constant 0 : i32
        %add3A_1538 = vector.broadcast %add3A_1537 : i32 to vector<16xi32>
        %add3A_1539 = arith.addi %get3A_1531, %add3A_1538 : vector<16xi32>
        %gather3A_1540 = tpu.vector_load_idx %arg6[%add3A_1539] : memref<80000xf32, #tpu.memory_space<vmem>>[vector<16xi32>], vector<16xf32>,
        %mul3A_1541 = arith.mulf %get3A_1536, %gather3A_1540 : vector<16xf32>
        %add3A_1542 = arith.addf %add3A_1436, %mul3A_1541 : vector<16xf32>
        %add3A_1543 = arith.constant 5000 : i32
        %add3A_1544 = vector.broadcast %add3A_1543 : i32 to vector<16xi32>
        %add3A_1545 = arith.addi %get3A_1531, %add3A_1544 : vector<16xi32>
        %gather3A_1546 = tpu.vector_load_idx %arg6[%add3A_1545] : memref<80000xf32, #tpu.memory_space<vmem>>[vector<16xi32>], vector<16xf32>,
        %mul3A_1547 = arith.mulf %get3A_1536, %gather3A_1546 : vector<16xf32>
        %add3A_1548 = arith.addf %add3A_1442, %mul3A_1547 : vector<16xf32>
        %add3A_1549 = arith.constant 10000 : i32
        %add3A_1550 = vector.broadcast %add3A_1549 : i32 to vector<16xi32>
        %add3A_1551 = arith.addi %get3A_1531, %add3A_1550 : vector<16xi32>
        %gather3A_1552 = tpu.vector_load_idx %arg6[%add3A_1551] : memref<80000xf32, #tpu.memory_space<vmem>>[vector<16xi32>], vector<16xf32>,
        %mul3A_1553 = arith.mulf %get3A_1536, %gather3A_1552 : vector<16xf32>
        %add3A_1554 = arith.addf %add3A_1448, %mul3A_1553 : vector<16xf32>
        %add3A_1555 = arith.constant 15000 : i32
        %add3A_1556 = vector.broadcast %add3A_1555 : i32 to vector<16xi32>
        %add3A_1557 = arith.addi %get3A_1531, %add3A_1556 : vector<16xi32>
        %gather3A_1558 = tpu.vector_load_idx %arg6[%add3A_1557] : memref<80000xf32, #tpu.memory_space<vmem>>[vector<16xi32>], vector<16xf32>,
        %mul3A_1559 = arith.mulf %get3A_1536, %gather3A_1558 : vector<16xf32>
        %add3A_1560 = arith.addf %add3A_1454, %mul3A_1559 : vector<16xf32>
        %add3A_1561 = arith.constant 20000 : i32
        %add3A_1562 = vector.broadcast %add3A_1561 : i32 to vector<16xi32>
        %add3A_1563 = arith.addi %get3A_1531, %add3A_1562 : vector<16xi32>
        %gather3A_1564 = tpu.vector_load_idx %arg6[%add3A_1563] : memref<80000xf32, #tpu.memory_space<vmem>>[vector<16xi32>], vector<16xf32>,
        %mul3A_1565 = arith.mulf %get3A_1536, %gather3A_1564 : vector<16xf32>
        %add3A_1566 = arith.addf %add3A_1460, %mul3A_1565 : vector<16xf32>
        %add3A_1567 = arith.constant 25000 : i32
        %add3A_1568 = vector.broadcast %add3A_1567 : i32 to vector<16xi32>
        %add3A_1569 = arith.addi %get3A_1531, %add3A_1568 : vector<16xi32>
        %gather3A_1570 = tpu.vector_load_idx %arg6[%add3A_1569] : memref<80000xf32, #tpu.memory_space<vmem>>[vector<16xi32>], vector<16xf32>,
        %mul3A_1571 = arith.mulf %get3A_1536, %gather3A_1570 : vector<16xf32>
        %add3A_1572 = arith.addf %add3A_1466, %mul3A_1571 : vector<16xf32>
        %add3A_1573 = arith.constant 30000 : i32
        %add3A_1574 = vector.broadcast %add3A_1573 : i32 to vector<16xi32>
        %add3A_1575 = arith.addi %get3A_1531, %add3A_1574 : vector<16xi32>
        %gather3A_1576 = tpu.vector_load_idx %arg6[%add3A_1575] : memref<80000xf32, #tpu.memory_space<vmem>>[vector<16xi32>], vector<16xf32>,
        %mul3A_1577 = arith.mulf %get3A_1536, %gather3A_1576 : vector<16xf32>
        %add3A_1578 = arith.addf %add3A_1472, %mul3A_1577 : vector<16xf32>
        %add3A_1579 = arith.constant 35000 : i32
        %add3A_1580 = vector.broadcast %add3A_1579 : i32 to vector<16xi32>
        %add3A_1581 = arith.addi %get3A_1531, %add3A_1580 : vector<16xi32>
        %gather3A_1582 = tpu.vector_load_idx %arg6[%add3A_1581] : memref<80000xf32, #tpu.memory_space<vmem>>[vector<16xi32>], vector<16xf32>,
        %mul3A_1583 = arith.mulf %get3A_1536, %gather3A_1582 : vector<16xf32>
        %add3A_1584 = arith.addf %add3A_1478, %mul3A_1583 : vector<16xf32>
        %add3A_1585 = arith.constant 40000 : i32
        %add3A_1586 = vector.broadcast %add3A_1585 : i32 to vector<16xi32>
        %add3A_1587 = arith.addi %get3A_1531, %add3A_1586 : vector<16xi32>
        %gather3A_1588 = tpu.vector_load_idx %arg6[%add3A_1587] : memref<80000xf32, #tpu.memory_space<vmem>>[vector<16xi32>], vector<16xf32>,
        %mul3A_1589 = arith.mulf %get3A_1536, %gather3A_1588 : vector<16xf32>
        %add3A_1590 = arith.addf %add3A_1484, %mul3A_1589 : vector<16xf32>
        %add3A_1591 = arith.constant 45000 : i32
        %add3A_1592 = vector.broadcast %add3A_1591 : i32 to vector<16xi32>
        %add3A_1593 = arith.addi %get3A_1531, %add3A_1592 : vector<16xi32>
        %gather3A_1594 = tpu.vector_load_idx %arg6[%add3A_1593] : memref<80000xf32, #tpu.memory_space<vmem>>[vector<16xi32>], vector<16xf32>,
        %mul3A_1595 = arith.mulf %get3A_1536, %gather3A_1594 : vector<16xf32>
        %add3A_1596 = arith.addf %add3A_1490, %mul3A_1595 : vector<16xf32>
        %add3A_1597 = arith.constant 50000 : i32
        %add3A_1598 = vector.broadcast %add3A_1597 : i32 to vector<16xi32>
        %add3A_1599 = arith.addi %get3A_1531, %add3A_1598 : vector<16xi32>
        %gather3A_1600 = tpu.vector_load_idx %arg6[%add3A_1599] : memref<80000xf32, #tpu.memory_space<vmem>>[vector<16xi32>], vector<16xf32>,
        %mul3A_1601 = arith.mulf %get3A_1536, %gather3A_1600 : vector<16xf32>
        %add3A_1602 = arith.addf %add3A_1496, %mul3A_1601 : vector<16xf32>
        %add3A_1603 = arith.constant 55000 : i32
        %add3A_1604 = vector.broadcast %add3A_1603 : i32 to vector<16xi32>
        %add3A_1605 = arith.addi %get3A_1531, %add3A_1604 : vector<16xi32>
        %gather3A_1606 = tpu.vector_load_idx %arg6[%add3A_1605] : memref<80000xf32, #tpu.memory_space<vmem>>[vector<16xi32>], vector<16xf32>,
        %mul3A_1607 = arith.mulf %get3A_1536, %gather3A_1606 : vector<16xf32>
        %add3A_1608 = arith.addf %add3A_1502, %mul3A_1607 : vector<16xf32>
        %add3A_1609 = arith.constant 60000 : i32
        %add3A_1610 = vector.broadcast %add3A_1609 : i32 to vector<16xi32>
        %add3A_1611 = arith.addi %get3A_1531, %add3A_1610 : vector<16xi32>
        %gather3A_1612 = tpu.vector_load_idx %arg6[%add3A_1611] : memref<80000xf32, #tpu.memory_space<vmem>>[vector<16xi32>], vector<16xf32>,
        %mul3A_1613 = arith.mulf %get3A_1536, %gather3A_1612 : vector<16xf32>
        %add3A_1614 = arith.addf %add3A_1508, %mul3A_1613 : vector<16xf32>
        %add3A_1615 = arith.constant 65000 : i32
        %add3A_1616 = vector.broadcast %add3A_1615 : i32 to vector<16xi32>
        %add3A_1617 = arith.addi %get3A_1531, %add3A_1616 : vector<16xi32>
        %gather3A_1618 = tpu.vector_load_idx %arg6[%add3A_1617] : memref<80000xf32, #tpu.memory_space<vmem>>[vector<16xi32>], vector<16xf32>,
        %mul3A_1619 = arith.mulf %get3A_1536, %gather3A_1618 : vector<16xf32>
        %add3A_1620 = arith.addf %add3A_1514, %mul3A_1619 : vector<16xf32>
        %add3A_1621 = arith.constant 70000 : i32
        %add3A_1622 = vector.broadcast %add3A_1621 : i32 to vector<16xi32>
        %add3A_1623 = arith.addi %get3A_1531, %add3A_1622 : vector<16xi32>
        %gather3A_1624 = tpu.vector_load_idx %arg6[%add3A_1623] : memref<80000xf32, #tpu.memory_space<vmem>>[vector<16xi32>], vector<16xf32>,
        %mul3A_1625 = arith.mulf %get3A_1536, %gather3A_1624 : vector<16xf32>
        %add3A_1626 = arith.addf %add3A_1520, %mul3A_1625 : vector<16xf32>
        %add3A_1627 = arith.constant 75000 : i32
        %add3A_1628 = vector.broadcast %add3A_1627 : i32 to vector<16xi32>
        %add3A_1629 = arith.addi %get3A_1531, %add3A_1628 : vector<16xi32>
        %gather3A_1630 = tpu.vector_load_idx %arg6[%add3A_1629] : memref<80000xf32, #tpu.memory_space<vmem>>[vector<16xi32>], vector<16xf32>,
        %mul3A_1631 = arith.mulf %get3A_1536, %gather3A_1630 : vector<16xf32>
        %add3A_1632 = arith.addf %add3A_1526, %mul3A_1631 : vector<16xf32>
        %get3A_1633 = arith.constant 15 : i32
        %get3A_1634 = arith.index_cast %scan3A_13 : i32 to index
        %get3A_1635 = arith.index_cast %get3A_1633 : i32 to index
        %get3A_1636 = arith.constant 0 : index
        %get3A_1637 = tpu.vector_load %arg7[%get3A_1634, %get3A_1635, %get3A_1636] {strides = array<i32>} : memref<49x16x16xi32, #tpu.memory_space<vmem>>, vector<16xi32>,
        %get3A_1638 = arith.constant 15 : i32
        %get3A_1639 = arith.index_cast %scan3A_13 : i32 to index
        %get3A_1640 = arith.index_cast %get3A_1638 : i32 to index
        %get3A_1641 = arith.constant 0 : index
        %get3A_1642 = tpu.vector_load %arg8[%get3A_1639, %get3A_1640, %get3A_1641] {strides = array<i32>} : memref<49x16x16xf32, #tpu.memory_space<vmem>>, vector<16xf32>,
        %add3A_1643 = arith.constant 0 : i32
        %add3A_1644 = vector.broadcast %add3A_1643 : i32 to vector<16xi32>
        %add3A_1645 = arith.addi %get3A_1637, %add3A_1644 : vector<16xi32>
        %gather3A_1646 = tpu.vector_load_idx %arg6[%add3A_1645] : memref<80000xf32, #tpu.memory_space<vmem>>[vector<16xi32>], vector<16xf32>,
        %mul3A_1647 = arith.mulf %get3A_1642, %gather3A_1646 : vector<16xf32>
        %add3A_1648 = arith.addf %add3A_1542, %mul3A_1647 : vector<16xf32>
        %add3A_1649 = arith.constant 5000 : i32
        %add3A_1650 = vector.broadcast %add3A_1649 : i32 to vector<16xi32>
        %add3A_1651 = arith.addi %get3A_1637, %add3A_1650 : vector<16xi32>
        %gather3A_1652 = tpu.vector_load_idx %arg6[%add3A_1651] : memref<80000xf32, #tpu.memory_space<vmem>>[vector<16xi32>], vector<16xf32>,
        %mul3A_1653 = arith.mulf %get3A_1642, %gather3A_1652 : vector<16xf32>
        %add3A_1654 = arith.addf %add3A_1548, %mul3A_1653 : vector<16xf32>
        %add3A_1655 = arith.constant 10000 : i32
        %add3A_1656 = vector.broadcast %add3A_1655 : i32 to vector<16xi32>
        %add3A_1657 = arith.addi %get3A_1637, %add3A_1656 : vector<16xi32>
        %gather3A_1658 = tpu.vector_load_idx %arg6[%add3A_1657] : memref<80000xf32, #tpu.memory_space<vmem>>[vector<16xi32>], vector<16xf32>,
        %mul3A_1659 = arith.mulf %get3A_1642, %gather3A_1658 : vector<16xf32>
        %add3A_1660 = arith.addf %add3A_1554, %mul3A_1659 : vector<16xf32>
        %add3A_1661 = arith.constant 15000 : i32
        %add3A_1662 = vector.broadcast %add3A_1661 : i32 to vector<16xi32>
        %add3A_1663 = arith.addi %get3A_1637, %add3A_1662 : vector<16xi32>
        %gather3A_1664 = tpu.vector_load_idx %arg6[%add3A_1663] : memref<80000xf32, #tpu.memory_space<vmem>>[vector<16xi32>], vector<16xf32>,
        %mul3A_1665 = arith.mulf %get3A_1642, %gather3A_1664 : vector<16xf32>
        %add3A_1666 = arith.addf %add3A_1560, %mul3A_1665 : vector<16xf32>
        %add3A_1667 = arith.constant 20000 : i32
        %add3A_1668 = vector.broadcast %add3A_1667 : i32 to vector<16xi32>
        %add3A_1669 = arith.addi %get3A_1637, %add3A_1668 : vector<16xi32>
        %gather3A_1670 = tpu.vector_load_idx %arg6[%add3A_1669] : memref<80000xf32, #tpu.memory_space<vmem>>[vector<16xi32>], vector<16xf32>,
        %mul3A_1671 = arith.mulf %get3A_1642, %gather3A_1670 : vector<16xf32>
        %add3A_1672 = arith.addf %add3A_1566, %mul3A_1671 : vector<16xf32>
        %add3A_1673 = arith.constant 25000 : i32
        %add3A_1674 = vector.broadcast %add3A_1673 : i32 to vector<16xi32>
        %add3A_1675 = arith.addi %get3A_1637, %add3A_1674 : vector<16xi32>
        %gather3A_1676 = tpu.vector_load_idx %arg6[%add3A_1675] : memref<80000xf32, #tpu.memory_space<vmem>>[vector<16xi32>], vector<16xf32>,
        %mul3A_1677 = arith.mulf %get3A_1642, %gather3A_1676 : vector<16xf32>
        %add3A_1678 = arith.addf %add3A_1572, %mul3A_1677 : vector<16xf32>
        %add3A_1679 = arith.constant 30000 : i32
        %add3A_1680 = vector.broadcast %add3A_1679 : i32 to vector<16xi32>
        %add3A_1681 = arith.addi %get3A_1637, %add3A_1680 : vector<16xi32>
        %gather3A_1682 = tpu.vector_load_idx %arg6[%add3A_1681] : memref<80000xf32, #tpu.memory_space<vmem>>[vector<16xi32>], vector<16xf32>,
        %mul3A_1683 = arith.mulf %get3A_1642, %gather3A_1682 : vector<16xf32>
        %add3A_1684 = arith.addf %add3A_1578, %mul3A_1683 : vector<16xf32>
        %add3A_1685 = arith.constant 35000 : i32
        %add3A_1686 = vector.broadcast %add3A_1685 : i32 to vector<16xi32>
        %add3A_1687 = arith.addi %get3A_1637, %add3A_1686 : vector<16xi32>
        %gather3A_1688 = tpu.vector_load_idx %arg6[%add3A_1687] : memref<80000xf32, #tpu.memory_space<vmem>>[vector<16xi32>], vector<16xf32>,
        %mul3A_1689 = arith.mulf %get3A_1642, %gather3A_1688 : vector<16xf32>
        %add3A_1690 = arith.addf %add3A_1584, %mul3A_1689 : vector<16xf32>
        %add3A_1691 = arith.constant 40000 : i32
        %add3A_1692 = vector.broadcast %add3A_1691 : i32 to vector<16xi32>
        %add3A_1693 = arith.addi %get3A_1637, %add3A_1692 : vector<16xi32>
        %gather3A_1694 = tpu.vector_load_idx %arg6[%add3A_1693] : memref<80000xf32, #tpu.memory_space<vmem>>[vector<16xi32>], vector<16xf32>,
        %mul3A_1695 = arith.mulf %get3A_1642, %gather3A_1694 : vector<16xf32>
        %add3A_1696 = arith.addf %add3A_1590, %mul3A_1695 : vector<16xf32>
        %add3A_1697 = arith.constant 45000 : i32
        %add3A_1698 = vector.broadcast %add3A_1697 : i32 to vector<16xi32>
        %add3A_1699 = arith.addi %get3A_1637, %add3A_1698 : vector<16xi32>
        %gather3A_1700 = tpu.vector_load_idx %arg6[%add3A_1699] : memref<80000xf32, #tpu.memory_space<vmem>>[vector<16xi32>], vector<16xf32>,
        %mul3A_1701 = arith.mulf %get3A_1642, %gather3A_1700 : vector<16xf32>
        %add3A_1702 = arith.addf %add3A_1596, %mul3A_1701 : vector<16xf32>
        %add3A_1703 = arith.constant 50000 : i32
        %add3A_1704 = vector.broadcast %add3A_1703 : i32 to vector<16xi32>
        %add3A_1705 = arith.addi %get3A_1637, %add3A_1704 : vector<16xi32>
        %gather3A_1706 = tpu.vector_load_idx %arg6[%add3A_1705] : memref<80000xf32, #tpu.memory_space<vmem>>[vector<16xi32>], vector<16xf32>,
        %mul3A_1707 = arith.mulf %get3A_1642, %gather3A_1706 : vector<16xf32>
        %add3A_1708 = arith.addf %add3A_1602, %mul3A_1707 : vector<16xf32>
        %add3A_1709 = arith.constant 55000 : i32
        %add3A_1710 = vector.broadcast %add3A_1709 : i32 to vector<16xi32>
        %add3A_1711 = arith.addi %get3A_1637, %add3A_1710 : vector<16xi32>
        %gather3A_1712 = tpu.vector_load_idx %arg6[%add3A_1711] : memref<80000xf32, #tpu.memory_space<vmem>>[vector<16xi32>], vector<16xf32>,
        %mul3A_1713 = arith.mulf %get3A_1642, %gather3A_1712 : vector<16xf32>
        %add3A_1714 = arith.addf %add3A_1608, %mul3A_1713 : vector<16xf32>
        %add3A_1715 = arith.constant 60000 : i32
        %add3A_1716 = vector.broadcast %add3A_1715 : i32 to vector<16xi32>
        %add3A_1717 = arith.addi %get3A_1637, %add3A_1716 : vector<16xi32>
        %gather3A_1718 = tpu.vector_load_idx %arg6[%add3A_1717] : memref<80000xf32, #tpu.memory_space<vmem>>[vector<16xi32>], vector<16xf32>,
        %mul3A_1719 = arith.mulf %get3A_1642, %gather3A_1718 : vector<16xf32>
        %add3A_1720 = arith.addf %add3A_1614, %mul3A_1719 : vector<16xf32>
        %add3A_1721 = arith.constant 65000 : i32
        %add3A_1722 = vector.broadcast %add3A_1721 : i32 to vector<16xi32>
        %add3A_1723 = arith.addi %get3A_1637, %add3A_1722 : vector<16xi32>
        %gather3A_1724 = tpu.vector_load_idx %arg6[%add3A_1723] : memref<80000xf32, #tpu.memory_space<vmem>>[vector<16xi32>], vector<16xf32>,
        %mul3A_1725 = arith.mulf %get3A_1642, %gather3A_1724 : vector<16xf32>
        %add3A_1726 = arith.addf %add3A_1620, %mul3A_1725 : vector<16xf32>
        %add3A_1727 = arith.constant 70000 : i32
        %add3A_1728 = vector.broadcast %add3A_1727 : i32 to vector<16xi32>
        %add3A_1729 = arith.addi %get3A_1637, %add3A_1728 : vector<16xi32>
        %gather3A_1730 = tpu.vector_load_idx %arg6[%add3A_1729] : memref<80000xf32, #tpu.memory_space<vmem>>[vector<16xi32>], vector<16xf32>,
        %mul3A_1731 = arith.mulf %get3A_1642, %gather3A_1730 : vector<16xf32>
        %add3A_1732 = arith.addf %add3A_1626, %mul3A_1731 : vector<16xf32>
        %add3A_1733 = arith.constant 75000 : i32
        %add3A_1734 = vector.broadcast %add3A_1733 : i32 to vector<16xi32>
        %add3A_1735 = arith.addi %get3A_1637, %add3A_1734 : vector<16xi32>
        %gather3A_1736 = tpu.vector_load_idx %arg6[%add3A_1735] : memref<80000xf32, #tpu.memory_space<vmem>>[vector<16xi32>], vector<16xf32>,
        %mul3A_1737 = arith.mulf %get3A_1642, %gather3A_1736 : vector<16xf32>
        %add3A_1738 = arith.addf %add3A_1632, %mul3A_1737 : vector<16xf32>
        %mul3A_1739 = arith.constant 16 : i32
        %mul3A_1740 = arith.muli %scan3A_13, %mul3A_1739 : i32
        %swap3A = arith.constant 0 : i32
        %swap3A_1741 = arith.index_cast %swap3A : i32 to index
        %swap3A_1742 = arith.index_cast %mul3A_1740 : i32 to index
        %swap3A_1743 = tpu.vector_load %arg9[%swap3A_1741, %swap3A_1742] {strides = array<i32>} : memref<16x784xf32, #tpu.memory_space<vmem>>, vector<16xf32>,
        tpu.vector_store %arg9[%swap3A_1741, %swap3A_1742], %add3A_1648 {strides = array<i32>} : memref<16x784xf32, #tpu.memory_space<vmem>>, vector<16xf32>,
        %mul3A_1744 = arith.constant 16 : i32
        %mul3A_1745 = arith.muli %scan3A_13, %mul3A_1744 : i32
        %swap3A_1746 = arith.constant 1 : i32
        %swap3A_1747 = arith.index_cast %swap3A_1746 : i32 to index
        %swap3A_1748 = arith.index_cast %mul3A_1745 : i32 to index
        %swap3A_1749 = tpu.vector_load %arg9[%swap3A_1747, %swap3A_1748] {strides = array<i32>} : memref<16x784xf32, #tpu.memory_space<vmem>>, vector<16xf32>,
        tpu.vector_store %arg9[%swap3A_1747, %swap3A_1748], %add3A_1654 {strides = array<i32>} : memref<16x784xf32, #tpu.memory_space<vmem>>, vector<16xf32>,
        %mul3A_1750 = arith.constant 16 : i32
        %mul3A_1751 = arith.muli %scan3A_13, %mul3A_1750 : i32
        %swap3A_1752 = arith.constant 2 : i32
        %swap3A_1753 = arith.index_cast %swap3A_1752 : i32 to index
        %swap3A_1754 = arith.index_cast %mul3A_1751 : i32 to index
        %swap3A_1755 = tpu.vector_load %arg9[%swap3A_1753, %swap3A_1754] {strides = array<i32>} : memref<16x784xf32, #tpu.memory_space<vmem>>, vector<16xf32>,
        tpu.vector_store %arg9[%swap3A_1753, %swap3A_1754], %add3A_1660 {strides = array<i32>} : memref<16x784xf32, #tpu.memory_space<vmem>>, vector<16xf32>,
        %mul3A_1756 = arith.constant 16 : i32
        %mul3A_1757 = arith.muli %scan3A_13, %mul3A_1756 : i32
        %swap3A_1758 = arith.constant 3 : i32
        %swap3A_1759 = arith.index_cast %swap3A_1758 : i32 to index
        %swap3A_1760 = arith.index_cast %mul3A_1757 : i32 to index
        %swap3A_1761 = tpu.vector_load %arg9[%swap3A_1759, %swap3A_1760] {strides = array<i32>} : memref<16x784xf32, #tpu.memory_space<vmem>>, vector<16xf32>,
        tpu.vector_store %arg9[%swap3A_1759, %swap3A_1760], %add3A_1666 {strides = array<i32>} : memref<16x784xf32, #tpu.memory_space<vmem>>, vector<16xf32>,
        %mul3A_1762 = arith.constant 16 : i32
        %mul3A_1763 = arith.muli %scan3A_13, %mul3A_1762 : i32
        %swap3A_1764 = arith.constant 4 : i32
        %swap3A_1765 = arith.index_cast %swap3A_1764 : i32 to index
        %swap3A_1766 = arith.index_cast %mul3A_1763 : i32 to index
        %swap3A_1767 = tpu.vector_load %arg9[%swap3A_1765, %swap3A_1766] {strides = array<i32>} : memref<16x784xf32, #tpu.memory_space<vmem>>, vector<16xf32>,
        tpu.vector_store %arg9[%swap3A_1765, %swap3A_1766], %add3A_1672 {strides = array<i32>} : memref<16x784xf32, #tpu.memory_space<vmem>>, vector<16xf32>,
        %mul3A_1768 = arith.constant 16 : i32
        %mul3A_1769 = arith.muli %scan3A_13, %mul3A_1768 : i32
        %swap3A_1770 = arith.constant 5 : i32
        %swap3A_1771 = arith.index_cast %swap3A_1770 : i32 to index
        %swap3A_1772 = arith.index_cast %mul3A_1769 : i32 to index
        %swap3A_1773 = tpu.vector_load %arg9[%swap3A_1771, %swap3A_1772] {strides = array<i32>} : memref<16x784xf32, #tpu.memory_space<vmem>>, vector<16xf32>,
        tpu.vector_store %arg9[%swap3A_1771, %swap3A_1772], %add3A_1678 {strides = array<i32>} : memref<16x784xf32, #tpu.memory_space<vmem>>, vector<16xf32>,
        %mul3A_1774 = arith.constant 16 : i32
        %mul3A_1775 = arith.muli %scan3A_13, %mul3A_1774 : i32
        %swap3A_1776 = arith.constant 6 : i32
        %swap3A_1777 = arith.index_cast %swap3A_1776 : i32 to index
        %swap3A_1778 = arith.index_cast %mul3A_1775 : i32 to index
        %swap3A_1779 = tpu.vector_load %arg9[%swap3A_1777, %swap3A_1778] {strides = array<i32>} : memref<16x784xf32, #tpu.memory_space<vmem>>, vector<16xf32>,
        tpu.vector_store %arg9[%swap3A_1777, %swap3A_1778], %add3A_1684 {strides = array<i32>} : memref<16x784xf32, #tpu.memory_space<vmem>>, vector<16xf32>,
        %mul3A_1780 = arith.constant 16 : i32
        %mul3A_1781 = arith.muli %scan3A_13, %mul3A_1780 : i32
        %swap3A_1782 = arith.constant 7 : i32
        %swap3A_1783 = arith.index_cast %swap3A_1782 : i32 to index
        %swap3A_1784 = arith.index_cast %mul3A_1781 : i32 to index
        %swap3A_1785 = tpu.vector_load %arg9[%swap3A_1783, %swap3A_1784] {strides = array<i32>} : memref<16x784xf32, #tpu.memory_space<vmem>>, vector<16xf32>,
        tpu.vector_store %arg9[%swap3A_1783, %swap3A_1784], %add3A_1690 {strides = array<i32>} : memref<16x784xf32, #tpu.memory_space<vmem>>, vector<16xf32>,
        %mul3A_1786 = arith.constant 16 : i32
        %mul3A_1787 = arith.muli %scan3A_13, %mul3A_1786 : i32
        %swap3A_1788 = arith.constant 8 : i32
        %swap3A_1789 = arith.index_cast %swap3A_1788 : i32 to index
        %swap3A_1790 = arith.index_cast %mul3A_1787 : i32 to index
        %swap3A_1791 = tpu.vector_load %arg9[%swap3A_1789, %swap3A_1790] {strides = array<i32>} : memref<16x784xf32, #tpu.memory_space<vmem>>, vector<16xf32>,
        tpu.vector_store %arg9[%swap3A_1789, %swap3A_1790], %add3A_1696 {strides = array<i32>} : memref<16x784xf32, #tpu.memory_space<vmem>>, vector<16xf32>,
        %mul3A_1792 = arith.constant 16 : i32
        %mul3A_1793 = arith.muli %scan3A_13, %mul3A_1792 : i32
        %swap3A_1794 = arith.constant 9 : i32
        %swap3A_1795 = arith.index_cast %swap3A_1794 : i32 to index
        %swap3A_1796 = arith.index_cast %mul3A_1793 : i32 to index
        %swap3A_1797 = tpu.vector_load %arg9[%swap3A_1795, %swap3A_1796] {strides = array<i32>} : memref<16x784xf32, #tpu.memory_space<vmem>>, vector<16xf32>,
        tpu.vector_store %arg9[%swap3A_1795, %swap3A_1796], %add3A_1702 {strides = array<i32>} : memref<16x784xf32, #tpu.memory_space<vmem>>, vector<16xf32>,
        %mul3A_1798 = arith.constant 16 : i32
        %mul3A_1799 = arith.muli %scan3A_13, %mul3A_1798 : i32
        %swap3A_1800 = arith.constant 10 : i32
        %swap3A_1801 = arith.index_cast %swap3A_1800 : i32 to index
        %swap3A_1802 = arith.index_cast %mul3A_1799 : i32 to index
        %swap3A_1803 = tpu.vector_load %arg9[%swap3A_1801, %swap3A_1802] {strides = array<i32>} : memref<16x784xf32, #tpu.memory_space<vmem>>, vector<16xf32>,
        tpu.vector_store %arg9[%swap3A_1801, %swap3A_1802], %add3A_1708 {strides = array<i32>} : memref<16x784xf32, #tpu.memory_space<vmem>>, vector<16xf32>,
        %mul3A_1804 = arith.constant 16 : i32
        %mul3A_1805 = arith.muli %scan3A_13, %mul3A_1804 : i32
        %swap3A_1806 = arith.constant 11 : i32
        %swap3A_1807 = arith.index_cast %swap3A_1806 : i32 to index
        %swap3A_1808 = arith.index_cast %mul3A_1805 : i32 to index
        %swap3A_1809 = tpu.vector_load %arg9[%swap3A_1807, %swap3A_1808] {strides = array<i32>} : memref<16x784xf32, #tpu.memory_space<vmem>>, vector<16xf32>,
        tpu.vector_store %arg9[%swap3A_1807, %swap3A_1808], %add3A_1714 {strides = array<i32>} : memref<16x784xf32, #tpu.memory_space<vmem>>, vector<16xf32>,
        %mul3A_1810 = arith.constant 16 : i32
        %mul3A_1811 = arith.muli %scan3A_13, %mul3A_1810 : i32
        %swap3A_1812 = arith.constant 12 : i32
        %swap3A_1813 = arith.index_cast %swap3A_1812 : i32 to index
        %swap3A_1814 = arith.index_cast %mul3A_1811 : i32 to index
        %swap3A_1815 = tpu.vector_load %arg9[%swap3A_1813, %swap3A_1814] {strides = array<i32>} : memref<16x784xf32, #tpu.memory_space<vmem>>, vector<16xf32>,
        tpu.vector_store %arg9[%swap3A_1813, %swap3A_1814], %add3A_1720 {strides = array<i32>} : memref<16x784xf32, #tpu.memory_space<vmem>>, vector<16xf32>,
        %mul3A_1816 = arith.constant 16 : i32
        %mul3A_1817 = arith.muli %scan3A_13, %mul3A_1816 : i32
        %swap3A_1818 = arith.constant 13 : i32
        %swap3A_1819 = arith.index_cast %swap3A_1818 : i32 to index
        %swap3A_1820 = arith.index_cast %mul3A_1817 : i32 to index
        %swap3A_1821 = tpu.vector_load %arg9[%swap3A_1819, %swap3A_1820] {strides = array<i32>} : memref<16x784xf32, #tpu.memory_space<vmem>>, vector<16xf32>,
        tpu.vector_store %arg9[%swap3A_1819, %swap3A_1820], %add3A_1726 {strides = array<i32>} : memref<16x784xf32, #tpu.memory_space<vmem>>, vector<16xf32>,
        %mul3A_1822 = arith.constant 16 : i32
        %mul3A_1823 = arith.muli %scan3A_13, %mul3A_1822 : i32
        %swap3A_1824 = arith.constant 14 : i32
        %swap3A_1825 = arith.index_cast %swap3A_1824 : i32 to index
        %swap3A_1826 = arith.index_cast %mul3A_1823 : i32 to index
        %swap3A_1827 = tpu.vector_load %arg9[%swap3A_1825, %swap3A_1826] {strides = array<i32>} : memref<16x784xf32, #tpu.memory_space<vmem>>, vector<16xf32>,
        tpu.vector_store %arg9[%swap3A_1825, %swap3A_1826], %add3A_1732 {strides = array<i32>} : memref<16x784xf32, #tpu.memory_space<vmem>>, vector<16xf32>,
        %mul3A_1828 = arith.constant 16 : i32
        %mul3A_1829 = arith.muli %scan3A_13, %mul3A_1828 : i32
        %swap3A_1830 = arith.constant 15 : i32
        %swap3A_1831 = arith.index_cast %swap3A_1830 : i32 to index
        %swap3A_1832 = arith.index_cast %mul3A_1829 : i32 to index
        %swap3A_1833 = tpu.vector_load %arg9[%swap3A_1831, %swap3A_1832] {strides = array<i32>} : memref<16x784xf32, #tpu.memory_space<vmem>>, vector<16xf32>,
        tpu.vector_store %arg9[%swap3A_1831, %swap3A_1832], %add3A_1738 {strides = array<i32>} : memref<16x784xf32, #tpu.memory_space<vmem>>, vector<16xf32>,
      }
      %scan3A_12 = arith.constant 49 : i32
      "tpu.region"() ({
        %run_scoped3A = tpu.sem_alloc : memref<!tpu.dma_semaphore, #tpu.memory_space<semaphore_mem>>
        %dma_start3A = arith.constant 0 : i32
        %dma_start3A_13 = arith.constant 0 : i32
        %dma_start3A_14 = tpu.memref_slice %arg5[%add3A, %arg1, %dma_start3A, %dma_start3A_13] : memref<64x16x16x784xf32, #tpu.memory_space<hbm>> -> memref<1x1x16x784xf32, #tpu.memory_space<hbm>>
        %dma_start3A_15 = tpu.memref_squeeze %dma_start3A_14 : memref<1x1x16x784xf32, #tpu.memory_space<hbm>> -> memref<16x784xf32, #tpu.memory_space<hbm>>
        %dma_start3A_16 = arith.constant 0 : i32
        %dma_start3A_17 = arith.constant 0 : i32
        %dma_start3A_18 = tpu.memref_slice %arg5[%add3A, %arg1, %dma_start3A_16, %dma_start3A_17] : memref<64x16x16x784xf32, #tpu.memory_space<hbm>> -> memref<1x1x16x784xf32, #tpu.memory_space<hbm>>
        %dma_start3A_19 = tpu.memref_squeeze %dma_start3A_18 : memref<1x1x16x784xf32, #tpu.memory_space<hbm>> -> memref<16x784xf32, #tpu.memory_space<hbm>>
        tpu.enqueue_dma source(%arg9 : memref<16x784xf32, #tpu.memory_space<vmem>>) target(%dma_start3A_19 : memref<16x784xf32, #tpu.memory_space<hbm>>) target_semaphore(%run_scoped3A : memref<!tpu.dma_semaphore, #tpu.memory_space<semaphore_mem>>)
        %dma_wait3A = arith.constant 0 : i32
        %dma_wait3A_20 = arith.constant 0 : i32
        %dma_wait3A_21 = tpu.memref_slice %arg5[%add3A, %arg1, %dma_wait3A, %dma_wait3A_20] : memref<64x16x16x784xf32, #tpu.memory_space<hbm>> -> memref<1x1x16x784xf32, #tpu.memory_space<hbm>>
        %dma_wait3A_22 = tpu.memref_squeeze %dma_wait3A_21 : memref<1x1x16x784xf32, #tpu.memory_space<hbm>> -> memref<16x784xf32, #tpu.memory_space<hbm>>
        %dma_wait3A_23 = arith.constant 0 : i32
        %dma_wait3A_24 = arith.constant 0 : i32
        %dma_wait3A_25 = tpu.memref_slice %arg5[%add3A, %arg1, %dma_wait3A_23, %dma_wait3A_24] : memref<64x16x16x784xf32, #tpu.memory_space<hbm>> -> memref<1x1x16x784xf32, #tpu.memory_space<hbm>>
        %dma_wait3A_26 = tpu.memref_squeeze %dma_wait3A_25 : memref<1x1x16x784xf32, #tpu.memory_space<hbm>> -> memref<16x784xf32, #tpu.memory_space<hbm>>
        tpu.wait_dma2 semaphore(%run_scoped3A : memref<!tpu.dma_semaphore, #tpu.memory_space<semaphore_mem>>) src(%arg9 : memref<16x784xf32, #tpu.memory_space<vmem>>) dst(%dma_wait3A_26 : memref<16x784xf32, #tpu.memory_space<hbm>>)
        tpu.yield
      }) : () -> ()
    }
    %scan3A_4 = arith.constant 32 : i32
    return
  }
}

module attributes {stable_mosaic.version = 14 : i64} {
  func.func @_prep_body(%arg0: memref<1024x5xf32, #tpu.memory_space<vmem>>, %arg1: memref<1024x784xi32, #tpu.memory_space<vmem>>, %arg2: memref<1024x784xf32, #tpu.memory_space<vmem>>) attributes {dimension_semantics = [], scalar_prefetch = 0 : i64, scratch_operands = 0 : i64, tpu.core_type = #tpu.core_type<tc>} {
    %iota3A = tpu.iota {dimensions = array<i32: 1>} : vector<1024x784xi32>
    %jit3A = arith.constant 16 : i32
    %div3A = vector.broadcast %jit3A : i32 to vector<1024x784xi32>
    %div3A_0 = arith.divsi %iota3A, %div3A : vector<1024x784xi32>
    %sign3A = arith.constant 0 : i32
    %sign3A_1 = vector.broadcast %sign3A : i32 to vector<1024x784xi32>
    %sign3A_2 = arith.cmpi sgt, %iota3A, %sign3A_1 : vector<1024x784xi32>
    %sign3A_3 = arith.extui %sign3A_2 : vector<1024x784xi1> to vector<1024x784xi32>
    %sign3A_4 = arith.constant 0 : i32
    %sign3A_5 = vector.broadcast %sign3A_4 : i32 to vector<1024x784xi32>
    %sign3A_6 = arith.cmpi slt, %iota3A, %sign3A_5 : vector<1024x784xi32>
    %sign3A_7 = arith.extui %sign3A_6 : vector<1024x784xi1> to vector<1024x784xi32>
    %sign3A_8 = arith.subi %sign3A_3, %sign3A_7 : vector<1024x784xi32>
    %sign3A_9 = arith.constant 0 : i32
    %sign3A_10 = arith.cmpi sgt, %jit3A, %sign3A_9 : i32
    %sign3A_11 = arith.extui %sign3A_10 : i1 to i32
    %sign3A_12 = arith.constant 0 : i32
    %sign3A_13 = arith.cmpi slt, %jit3A, %sign3A_12 : i32
    %sign3A_14 = arith.extui %sign3A_13 : i1 to i32
    %sign3A_15 = arith.subi %sign3A_11, %sign3A_14 : i32
    %ne3A = vector.broadcast %sign3A_15 : i32 to vector<1024x784xi32>
    %ne3A_16 = arith.cmpi ne, %sign3A_8, %ne3A : vector<1024x784xi32>
    %rem3A = vector.broadcast %jit3A : i32 to vector<1024x784xi32>
    %rem3A_17 = arith.remsi %iota3A, %rem3A : vector<1024x784xi32>
    %ne3A_18 = arith.constant 0 : i32
    %ne3A_19 = vector.broadcast %ne3A_18 : i32 to vector<1024x784xi32>
    %ne3A_20 = arith.cmpi ne, %rem3A_17, %ne3A_19 : vector<1024x784xi32>
    %and3A = arith.andi %ne3A_16, %ne3A_20 : vector<1024x784xi1>
    %sub3A = arith.constant 1 : i32
    %sub3A_21 = vector.broadcast %sub3A : i32 to vector<1024x784xi32>
    %sub3A_22 = arith.subi %div3A_0, %sub3A_21 : vector<1024x784xi32>
    %select_n3A = arith.select %and3A, %sub3A_22, %div3A_0 : vector<1024x784xi1>, vector<1024x784xi32>
    %jit3A_23 = arith.constant 16 : i32
    %eq3A = arith.constant 0 : i32
    %eq3A_24 = arith.cmpi eq, %jit3A_23, %eq3A : i32
    %jit3A_25 = arith.constant 1 : i32
    %select_n3A_26 = arith.select %eq3A_24, %jit3A_25, %jit3A_23 : i32
    %rem3A_27 = vector.broadcast %select_n3A_26 : i32 to vector<1024x784xi32>
    %rem3A_28 = arith.remsi %iota3A, %rem3A_27 : vector<1024x784xi32>
    %ne3A_29 = arith.constant 0 : i32
    %ne3A_30 = vector.broadcast %ne3A_29 : i32 to vector<1024x784xi32>
    %ne3A_31 = arith.cmpi ne, %rem3A_28, %ne3A_30 : vector<1024x784xi32>
    %lt3A = arith.constant 0 : i32
    %lt3A_32 = vector.broadcast %lt3A : i32 to vector<1024x784xi32>
    %lt3A_33 = arith.cmpi slt, %rem3A_28, %lt3A_32 : vector<1024x784xi32>
    %lt3A_34 = arith.constant 0 : i32
    %lt3A_35 = arith.cmpi slt, %select_n3A_26, %lt3A_34 : i32
    %ne3A_36 = vector.broadcast %lt3A_35 : i1 to vector<1024x784xi1>
    %ne3A_37 = vector.broadcast %ne3A_36 : vector<1024x784xi1> to vector<1024x784xi1>
    %ne3A_38 = arith.xori %lt3A_33, %ne3A_37 : vector<1024x784xi1>
    %and3A_39 = arith.andi %ne3A_38, %ne3A_31 : vector<1024x784xi1>
    %add3A = vector.broadcast %select_n3A_26 : i32 to vector<1024x784xi32>
    %add3A_40 = arith.addi %rem3A_28, %add3A : vector<1024x784xi32>
    %select_n3A_41 = arith.select %and3A_39, %add3A_40, %rem3A_28 : vector<1024x784xi1>, vector<1024x784xi32>
    %jit3A_42 = arith.constant 7 : i32
    %div3A_43 = vector.broadcast %jit3A_42 : i32 to vector<1024x784xi32>
    %div3A_44 = arith.divsi %select_n3A, %div3A_43 : vector<1024x784xi32>
    %sign3A_45 = arith.constant 0 : i32
    %sign3A_46 = vector.broadcast %sign3A_45 : i32 to vector<1024x784xi32>
    %sign3A_47 = arith.cmpi sgt, %select_n3A, %sign3A_46 : vector<1024x784xi32>
    %sign3A_48 = arith.extui %sign3A_47 : vector<1024x784xi1> to vector<1024x784xi32>
    %sign3A_49 = arith.constant 0 : i32
    %sign3A_50 = vector.broadcast %sign3A_49 : i32 to vector<1024x784xi32>
    %sign3A_51 = arith.cmpi slt, %select_n3A, %sign3A_50 : vector<1024x784xi32>
    %sign3A_52 = arith.extui %sign3A_51 : vector<1024x784xi1> to vector<1024x784xi32>
    %sign3A_53 = arith.subi %sign3A_48, %sign3A_52 : vector<1024x784xi32>
    %sign3A_54 = arith.constant 0 : i32
    %sign3A_55 = arith.cmpi sgt, %jit3A_42, %sign3A_54 : i32
    %sign3A_56 = arith.extui %sign3A_55 : i1 to i32
    %sign3A_57 = arith.constant 0 : i32
    %sign3A_58 = arith.cmpi slt, %jit3A_42, %sign3A_57 : i32
    %sign3A_59 = arith.extui %sign3A_58 : i1 to i32
    %sign3A_60 = arith.subi %sign3A_56, %sign3A_59 : i32
    %ne3A_61 = vector.broadcast %sign3A_60 : i32 to vector<1024x784xi32>
    %ne3A_62 = arith.cmpi ne, %sign3A_53, %ne3A_61 : vector<1024x784xi32>
    %rem3A_63 = vector.broadcast %jit3A_42 : i32 to vector<1024x784xi32>
    %rem3A_64 = arith.remsi %select_n3A, %rem3A_63 : vector<1024x784xi32>
    %ne3A_65 = arith.constant 0 : i32
    %ne3A_66 = vector.broadcast %ne3A_65 : i32 to vector<1024x784xi32>
    %ne3A_67 = arith.cmpi ne, %rem3A_64, %ne3A_66 : vector<1024x784xi32>
    %and3A_68 = arith.andi %ne3A_62, %ne3A_67 : vector<1024x784xi1>
    %sub3A_69 = arith.constant 1 : i32
    %sub3A_70 = vector.broadcast %sub3A_69 : i32 to vector<1024x784xi32>
    %sub3A_71 = arith.subi %div3A_44, %sub3A_70 : vector<1024x784xi32>
    %select_n3A_72 = arith.select %and3A_68, %sub3A_71, %div3A_44 : vector<1024x784xi1>, vector<1024x784xi32>
    %convert_element_type3A = arith.sitofp %select_n3A_72 : vector<1024x784xi32> to vector<1024x784xf32>
    %jit3A_73 = arith.constant 7 : i32
    %eq3A_74 = arith.constant 0 : i32
    %eq3A_75 = arith.cmpi eq, %jit3A_73, %eq3A_74 : i32
    %jit3A_76 = arith.constant 1 : i32
    %select_n3A_77 = arith.select %eq3A_75, %jit3A_76, %jit3A_73 : i32
    %rem3A_78 = vector.broadcast %select_n3A_77 : i32 to vector<1024x784xi32>
    %rem3A_79 = arith.remsi %select_n3A, %rem3A_78 : vector<1024x784xi32>
    %ne3A_80 = arith.constant 0 : i32
    %ne3A_81 = vector.broadcast %ne3A_80 : i32 to vector<1024x784xi32>
    %ne3A_82 = arith.cmpi ne, %rem3A_79, %ne3A_81 : vector<1024x784xi32>
    %lt3A_83 = arith.constant 0 : i32
    %lt3A_84 = vector.broadcast %lt3A_83 : i32 to vector<1024x784xi32>
    %lt3A_85 = arith.cmpi slt, %rem3A_79, %lt3A_84 : vector<1024x784xi32>
    %lt3A_86 = arith.constant 0 : i32
    %lt3A_87 = arith.cmpi slt, %select_n3A_77, %lt3A_86 : i32
    %ne3A_88 = vector.broadcast %lt3A_87 : i1 to vector<1024x784xi1>
    %ne3A_89 = vector.broadcast %ne3A_88 : vector<1024x784xi1> to vector<1024x784xi1>
    %ne3A_90 = arith.xori %lt3A_85, %ne3A_89 : vector<1024x784xi1>
    %and3A_91 = arith.andi %ne3A_90, %ne3A_82 : vector<1024x784xi1>
    %add3A_92 = vector.broadcast %select_n3A_77 : i32 to vector<1024x784xi32>
    %add3A_93 = arith.addi %rem3A_79, %add3A_92 : vector<1024x784xi32>
    %select_n3A_94 = arith.select %and3A_91, %add3A_93, %rem3A_79 : vector<1024x784xi1>, vector<1024x784xi32>
    %convert_element_type3A_95 = arith.sitofp %select_n3A_94 : vector<1024x784xi32> to vector<1024x784xf32>
    %jit3A_96 = arith.constant 8 : i32
    %div3A_97 = vector.broadcast %jit3A_96 : i32 to vector<1024x784xi32>
    %div3A_98 = arith.divsi %select_n3A_41, %div3A_97 : vector<1024x784xi32>
    %sign3A_99 = arith.constant 0 : i32
    %sign3A_100 = vector.broadcast %sign3A_99 : i32 to vector<1024x784xi32>
    %sign3A_101 = arith.cmpi sgt, %select_n3A_41, %sign3A_100 : vector<1024x784xi32>
    %sign3A_102 = arith.extui %sign3A_101 : vector<1024x784xi1> to vector<1024x784xi32>
    %sign3A_103 = arith.constant 0 : i32
    %sign3A_104 = vector.broadcast %sign3A_103 : i32 to vector<1024x784xi32>
    %sign3A_105 = arith.cmpi slt, %select_n3A_41, %sign3A_104 : vector<1024x784xi32>
    %sign3A_106 = arith.extui %sign3A_105 : vector<1024x784xi1> to vector<1024x784xi32>
    %sign3A_107 = arith.subi %sign3A_102, %sign3A_106 : vector<1024x784xi32>
    %sign3A_108 = arith.constant 0 : i32
    %sign3A_109 = arith.cmpi sgt, %jit3A_96, %sign3A_108 : i32
    %sign3A_110 = arith.extui %sign3A_109 : i1 to i32
    %sign3A_111 = arith.constant 0 : i32
    %sign3A_112 = arith.cmpi slt, %jit3A_96, %sign3A_111 : i32
    %sign3A_113 = arith.extui %sign3A_112 : i1 to i32
    %sign3A_114 = arith.subi %sign3A_110, %sign3A_113 : i32
    %ne3A_115 = vector.broadcast %sign3A_114 : i32 to vector<1024x784xi32>
    %ne3A_116 = arith.cmpi ne, %sign3A_107, %ne3A_115 : vector<1024x784xi32>
    %rem3A_117 = vector.broadcast %jit3A_96 : i32 to vector<1024x784xi32>
    %rem3A_118 = arith.remsi %select_n3A_41, %rem3A_117 : vector<1024x784xi32>
    %ne3A_119 = arith.constant 0 : i32
    %ne3A_120 = vector.broadcast %ne3A_119 : i32 to vector<1024x784xi32>
    %ne3A_121 = arith.cmpi ne, %rem3A_118, %ne3A_120 : vector<1024x784xi32>
    %and3A_122 = arith.andi %ne3A_116, %ne3A_121 : vector<1024x784xi1>
    %sub3A_123 = arith.constant 1 : i32
    %sub3A_124 = vector.broadcast %sub3A_123 : i32 to vector<1024x784xi32>
    %sub3A_125 = arith.subi %div3A_98, %sub3A_124 : vector<1024x784xi32>
    %select_n3A_126 = arith.select %and3A_122, %sub3A_125, %div3A_98 : vector<1024x784xi1>, vector<1024x784xi32>
    %jit3A_127 = arith.constant 2 : i32
    %eq3A_128 = arith.constant 0 : i32
    %eq3A_129 = arith.cmpi eq, %jit3A_127, %eq3A_128 : i32
    %jit3A_130 = arith.constant 1 : i32
    %select_n3A_131 = arith.select %eq3A_129, %jit3A_130, %jit3A_127 : i32
    %rem3A_132 = vector.broadcast %select_n3A_131 : i32 to vector<1024x784xi32>
    %rem3A_133 = arith.remsi %select_n3A_126, %rem3A_132 : vector<1024x784xi32>
    %ne3A_134 = arith.constant 0 : i32
    %ne3A_135 = vector.broadcast %ne3A_134 : i32 to vector<1024x784xi32>
    %ne3A_136 = arith.cmpi ne, %rem3A_133, %ne3A_135 : vector<1024x784xi32>
    %lt3A_137 = arith.constant 0 : i32
    %lt3A_138 = vector.broadcast %lt3A_137 : i32 to vector<1024x784xi32>
    %lt3A_139 = arith.cmpi slt, %rem3A_133, %lt3A_138 : vector<1024x784xi32>
    %lt3A_140 = arith.constant 0 : i32
    %lt3A_141 = arith.cmpi slt, %select_n3A_131, %lt3A_140 : i32
    %ne3A_142 = vector.broadcast %lt3A_141 : i1 to vector<1024x784xi1>
    %ne3A_143 = vector.broadcast %ne3A_142 : vector<1024x784xi1> to vector<1024x784xi1>
    %ne3A_144 = arith.xori %lt3A_139, %ne3A_143 : vector<1024x784xi1>
    %and3A_145 = arith.andi %ne3A_144, %ne3A_136 : vector<1024x784xi1>
    %add3A_146 = vector.broadcast %select_n3A_131 : i32 to vector<1024x784xi32>
    %add3A_147 = arith.addi %rem3A_133, %add3A_146 : vector<1024x784xi32>
    %select_n3A_148 = arith.select %and3A_145, %add3A_147, %rem3A_133 : vector<1024x784xi1>, vector<1024x784xi32>
    %convert_element_type3A_149 = arith.sitofp %select_n3A_148 : vector<1024x784xi32> to vector<1024x784xf32>
    %jit3A_150 = arith.constant 4 : i32
    %div3A_151 = vector.broadcast %jit3A_150 : i32 to vector<1024x784xi32>
    %div3A_152 = arith.divsi %select_n3A_41, %div3A_151 : vector<1024x784xi32>
    %sign3A_153 = arith.constant 0 : i32
    %sign3A_154 = vector.broadcast %sign3A_153 : i32 to vector<1024x784xi32>
    %sign3A_155 = arith.cmpi sgt, %select_n3A_41, %sign3A_154 : vector<1024x784xi32>
    %sign3A_156 = arith.extui %sign3A_155 : vector<1024x784xi1> to vector<1024x784xi32>
    %sign3A_157 = arith.constant 0 : i32
    %sign3A_158 = vector.broadcast %sign3A_157 : i32 to vector<1024x784xi32>
    %sign3A_159 = arith.cmpi slt, %select_n3A_41, %sign3A_158 : vector<1024x784xi32>
    %sign3A_160 = arith.extui %sign3A_159 : vector<1024x784xi1> to vector<1024x784xi32>
    %sign3A_161 = arith.subi %sign3A_156, %sign3A_160 : vector<1024x784xi32>
    %sign3A_162 = arith.constant 0 : i32
    %sign3A_163 = arith.cmpi sgt, %jit3A_150, %sign3A_162 : i32
    %sign3A_164 = arith.extui %sign3A_163 : i1 to i32
    %sign3A_165 = arith.constant 0 : i32
    %sign3A_166 = arith.cmpi slt, %jit3A_150, %sign3A_165 : i32
    %sign3A_167 = arith.extui %sign3A_166 : i1 to i32
    %sign3A_168 = arith.subi %sign3A_164, %sign3A_167 : i32
    %ne3A_169 = vector.broadcast %sign3A_168 : i32 to vector<1024x784xi32>
    %ne3A_170 = arith.cmpi ne, %sign3A_161, %ne3A_169 : vector<1024x784xi32>
    %rem3A_171 = vector.broadcast %jit3A_150 : i32 to vector<1024x784xi32>
    %rem3A_172 = arith.remsi %select_n3A_41, %rem3A_171 : vector<1024x784xi32>
    %ne3A_173 = arith.constant 0 : i32
    %ne3A_174 = vector.broadcast %ne3A_173 : i32 to vector<1024x784xi32>
    %ne3A_175 = arith.cmpi ne, %rem3A_172, %ne3A_174 : vector<1024x784xi32>
    %and3A_176 = arith.andi %ne3A_170, %ne3A_175 : vector<1024x784xi1>
    %sub3A_177 = arith.constant 1 : i32
    %sub3A_178 = vector.broadcast %sub3A_177 : i32 to vector<1024x784xi32>
    %sub3A_179 = arith.subi %div3A_152, %sub3A_178 : vector<1024x784xi32>
    %select_n3A_180 = arith.select %and3A_176, %sub3A_179, %div3A_152 : vector<1024x784xi1>, vector<1024x784xi32>
    %jit3A_181 = arith.constant 2 : i32
    %eq3A_182 = arith.constant 0 : i32
    %eq3A_183 = arith.cmpi eq, %jit3A_181, %eq3A_182 : i32
    %jit3A_184 = arith.constant 1 : i32
    %select_n3A_185 = arith.select %eq3A_183, %jit3A_184, %jit3A_181 : i32
    %rem3A_186 = vector.broadcast %select_n3A_185 : i32 to vector<1024x784xi32>
    %rem3A_187 = arith.remsi %select_n3A_180, %rem3A_186 : vector<1024x784xi32>
    %ne3A_188 = arith.constant 0 : i32
    %ne3A_189 = vector.broadcast %ne3A_188 : i32 to vector<1024x784xi32>
    %ne3A_190 = arith.cmpi ne, %rem3A_187, %ne3A_189 : vector<1024x784xi32>
    %lt3A_191 = arith.constant 0 : i32
    %lt3A_192 = vector.broadcast %lt3A_191 : i32 to vector<1024x784xi32>
    %lt3A_193 = arith.cmpi slt, %rem3A_187, %lt3A_192 : vector<1024x784xi32>
    %lt3A_194 = arith.constant 0 : i32
    %lt3A_195 = arith.cmpi slt, %select_n3A_185, %lt3A_194 : i32
    %ne3A_196 = vector.broadcast %lt3A_195 : i1 to vector<1024x784xi1>
    %ne3A_197 = vector.broadcast %ne3A_196 : vector<1024x784xi1> to vector<1024x784xi1>
    %ne3A_198 = arith.xori %lt3A_193, %ne3A_197 : vector<1024x784xi1>
    %and3A_199 = arith.andi %ne3A_198, %ne3A_190 : vector<1024x784xi1>
    %add3A_200 = vector.broadcast %select_n3A_185 : i32 to vector<1024x784xi32>
    %add3A_201 = arith.addi %rem3A_187, %add3A_200 : vector<1024x784xi32>
    %select_n3A_202 = arith.select %and3A_199, %add3A_201, %rem3A_187 : vector<1024x784xi1>, vector<1024x784xi32>
    %convert_element_type3A_203 = arith.sitofp %select_n3A_202 : vector<1024x784xi32> to vector<1024x784xf32>
    %jit3A_204 = arith.constant 2 : i32
    %div3A_205 = vector.broadcast %jit3A_204 : i32 to vector<1024x784xi32>
    %div3A_206 = arith.divsi %select_n3A_41, %div3A_205 : vector<1024x784xi32>
    %sign3A_207 = arith.constant 0 : i32
    %sign3A_208 = vector.broadcast %sign3A_207 : i32 to vector<1024x784xi32>
    %sign3A_209 = arith.cmpi sgt, %select_n3A_41, %sign3A_208 : vector<1024x784xi32>
    %sign3A_210 = arith.extui %sign3A_209 : vector<1024x784xi1> to vector<1024x784xi32>
    %sign3A_211 = arith.constant 0 : i32
    %sign3A_212 = vector.broadcast %sign3A_211 : i32 to vector<1024x784xi32>
    %sign3A_213 = arith.cmpi slt, %select_n3A_41, %sign3A_212 : vector<1024x784xi32>
    %sign3A_214 = arith.extui %sign3A_213 : vector<1024x784xi1> to vector<1024x784xi32>
    %sign3A_215 = arith.subi %sign3A_210, %sign3A_214 : vector<1024x784xi32>
    %sign3A_216 = arith.constant 0 : i32
    %sign3A_217 = arith.cmpi sgt, %jit3A_204, %sign3A_216 : i32
    %sign3A_218 = arith.extui %sign3A_217 : i1 to i32
    %sign3A_219 = arith.constant 0 : i32
    %sign3A_220 = arith.cmpi slt, %jit3A_204, %sign3A_219 : i32
    %sign3A_221 = arith.extui %sign3A_220 : i1 to i32
    %sign3A_222 = arith.subi %sign3A_218, %sign3A_221 : i32
    %ne3A_223 = vector.broadcast %sign3A_222 : i32 to vector<1024x784xi32>
    %ne3A_224 = arith.cmpi ne, %sign3A_215, %ne3A_223 : vector<1024x784xi32>
    %rem3A_225 = vector.broadcast %jit3A_204 : i32 to vector<1024x784xi32>
    %rem3A_226 = arith.remsi %select_n3A_41, %rem3A_225 : vector<1024x784xi32>
    %ne3A_227 = arith.constant 0 : i32
    %ne3A_228 = vector.broadcast %ne3A_227 : i32 to vector<1024x784xi32>
    %ne3A_229 = arith.cmpi ne, %rem3A_226, %ne3A_228 : vector<1024x784xi32>
    %and3A_230 = arith.andi %ne3A_224, %ne3A_229 : vector<1024x784xi1>
    %sub3A_231 = arith.constant 1 : i32
    %sub3A_232 = vector.broadcast %sub3A_231 : i32 to vector<1024x784xi32>
    %sub3A_233 = arith.subi %div3A_206, %sub3A_232 : vector<1024x784xi32>
    %select_n3A_234 = arith.select %and3A_230, %sub3A_233, %div3A_206 : vector<1024x784xi1>, vector<1024x784xi32>
    %jit3A_235 = arith.constant 2 : i32
    %eq3A_236 = arith.constant 0 : i32
    %eq3A_237 = arith.cmpi eq, %jit3A_235, %eq3A_236 : i32
    %jit3A_238 = arith.constant 1 : i32
    %select_n3A_239 = arith.select %eq3A_237, %jit3A_238, %jit3A_235 : i32
    %rem3A_240 = vector.broadcast %select_n3A_239 : i32 to vector<1024x784xi32>
    %rem3A_241 = arith.remsi %select_n3A_234, %rem3A_240 : vector<1024x784xi32>
    %ne3A_242 = arith.constant 0 : i32
    %ne3A_243 = vector.broadcast %ne3A_242 : i32 to vector<1024x784xi32>
    %ne3A_244 = arith.cmpi ne, %rem3A_241, %ne3A_243 : vector<1024x784xi32>
    %lt3A_245 = arith.constant 0 : i32
    %lt3A_246 = vector.broadcast %lt3A_245 : i32 to vector<1024x784xi32>
    %lt3A_247 = arith.cmpi slt, %rem3A_241, %lt3A_246 : vector<1024x784xi32>
    %lt3A_248 = arith.constant 0 : i32
    %lt3A_249 = arith.cmpi slt, %select_n3A_239, %lt3A_248 : i32
    %ne3A_250 = vector.broadcast %lt3A_249 : i1 to vector<1024x784xi1>
    %ne3A_251 = vector.broadcast %ne3A_250 : vector<1024x784xi1> to vector<1024x784xi1>
    %ne3A_252 = arith.xori %lt3A_247, %ne3A_251 : vector<1024x784xi1>
    %and3A_253 = arith.andi %ne3A_252, %ne3A_244 : vector<1024x784xi1>
    %add3A_254 = vector.broadcast %select_n3A_239 : i32 to vector<1024x784xi32>
    %add3A_255 = arith.addi %rem3A_241, %add3A_254 : vector<1024x784xi32>
    %select_n3A_256 = arith.select %and3A_253, %add3A_255, %rem3A_241 : vector<1024x784xi1>, vector<1024x784xi32>
    %jit3A_257 = arith.constant 2 : i32
    %eq3A_258 = arith.constant 0 : i32
    %eq3A_259 = arith.cmpi eq, %jit3A_257, %eq3A_258 : i32
    %jit3A_260 = arith.constant 1 : i32
    %select_n3A_261 = arith.select %eq3A_259, %jit3A_260, %jit3A_257 : i32
    %rem3A_262 = vector.broadcast %select_n3A_261 : i32 to vector<1024x784xi32>
    %rem3A_263 = arith.remsi %select_n3A_41, %rem3A_262 : vector<1024x784xi32>
    %ne3A_264 = arith.constant 0 : i32
    %ne3A_265 = vector.broadcast %ne3A_264 : i32 to vector<1024x784xi32>
    %ne3A_266 = arith.cmpi ne, %rem3A_263, %ne3A_265 : vector<1024x784xi32>
    %lt3A_267 = arith.constant 0 : i32
    %lt3A_268 = vector.broadcast %lt3A_267 : i32 to vector<1024x784xi32>
    %lt3A_269 = arith.cmpi slt, %rem3A_263, %lt3A_268 : vector<1024x784xi32>
    %lt3A_270 = arith.constant 0 : i32
    %lt3A_271 = arith.cmpi slt, %select_n3A_261, %lt3A_270 : i32
    %ne3A_272 = vector.broadcast %lt3A_271 : i1 to vector<1024x784xi1>
    %ne3A_273 = vector.broadcast %ne3A_272 : vector<1024x784xi1> to vector<1024x784xi1>
    %ne3A_274 = arith.xori %lt3A_269, %ne3A_273 : vector<1024x784xi1>
    %and3A_275 = arith.andi %ne3A_274, %ne3A_266 : vector<1024x784xi1>
    %add3A_276 = vector.broadcast %select_n3A_261 : i32 to vector<1024x784xi32>
    %add3A_277 = arith.addi %rem3A_263, %add3A_276 : vector<1024x784xi32>
    %select_n3A_278 = arith.select %and3A_275, %add3A_277, %rem3A_263 : vector<1024x784xi1>, vector<1024x784xi32>
    %get3A = arith.constant 0 : index
    %get3A_279 = arith.constant 0 : index
    %get3A_280 = vector.load %arg0[%get3A, %get3A_279] : memref<1024x5xf32, #tpu.memory_space<vmem>>, vector<1024x5xf32>
    %slice3A = vector.extract_strided_slice %get3A_280 {offsets = [0, 0], sizes = [1024, 1], strides = [1, 1]} : vector<1024x5xf32> to vector<1024x1xf32>
    %squeeze3A = vector.shape_cast %slice3A : vector<1024x1xf32> to vector<1024xf32>
    %convert_element_type3A_281 = arith.fptosi %squeeze3A : vector<1024xf32> to vector<1024xi32>
    %jit3A_282 = arith.constant 0 : i32
    %jit3A_283 = arith.constant 1 : i32
    %max3A = vector.broadcast %jit3A_282 : i32 to vector<1024xi32>
    %max3A_284 = arith.maxsi %max3A, %convert_element_type3A_281 : vector<1024xi32>
    %min3A = vector.broadcast %jit3A_283 : i32 to vector<1024xi32>
    %min3A_285 = arith.minsi %min3A, %max3A_284 : vector<1024xi32>
    %broadcast_in_dim3A = vector.shape_cast %min3A_285 : vector<1024xi32> to vector<1024x1xi32>
    %slice3A_286 = vector.extract_strided_slice %get3A_280 {offsets = [0, 1], sizes = [1024, 1], strides = [1, 1]} : vector<1024x5xf32> to vector<1024x1xf32>
    %squeeze3A_287 = vector.shape_cast %slice3A_286 : vector<1024x1xf32> to vector<1024xf32>
    %mul3A = arith.constant 6.250000e-02 : f32
    %mul3A_288 = vector.broadcast %mul3A : f32 to vector<1024xf32>
    %mul3A_289 = arith.mulf %squeeze3A_287, %mul3A_288 : vector<1024xf32>
    %broadcast_in_dim3A_290 = vector.shape_cast %mul3A_289 : vector<1024xf32> to vector<1024x1xf32>
    %slice3A_291 = vector.extract_strided_slice %get3A_280 {offsets = [0, 2], sizes = [1024, 1], strides = [1, 1]} : vector<1024x5xf32> to vector<1024x1xf32>
    %squeeze3A_292 = vector.shape_cast %slice3A_291 : vector<1024x1xf32> to vector<1024xf32>
    %mul3A_293 = arith.constant 6.250000e-02 : f32
    %mul3A_294 = vector.broadcast %mul3A_293 : f32 to vector<1024xf32>
    %mul3A_295 = arith.mulf %squeeze3A_292, %mul3A_294 : vector<1024xf32>
    %broadcast_in_dim3A_296 = vector.shape_cast %mul3A_295 : vector<1024xf32> to vector<1024x1xf32>
    %slice3A_297 = vector.extract_strided_slice %get3A_280 {offsets = [0, 3], sizes = [1024, 1], strides = [1, 1]} : vector<1024x5xf32> to vector<1024x1xf32>
    %squeeze3A_298 = vector.shape_cast %slice3A_297 : vector<1024x1xf32> to vector<1024xf32>
    %mul3A_299 = arith.constant 6.250000e-02 : f32
    %mul3A_300 = vector.broadcast %mul3A_299 : f32 to vector<1024xf32>
    %mul3A_301 = arith.mulf %squeeze3A_298, %mul3A_300 : vector<1024xf32>
    %broadcast_in_dim3A_302 = vector.shape_cast %mul3A_301 : vector<1024xf32> to vector<1024x1xf32>
    %slice3A_303 = vector.extract_strided_slice %get3A_280 {offsets = [0, 4], sizes = [1024, 1], strides = [1, 1]} : vector<1024x5xf32> to vector<1024x1xf32>
    %squeeze3A_304 = vector.shape_cast %slice3A_303 : vector<1024x1xf32> to vector<1024xf32>
    %mul3A_305 = arith.constant 6.250000e-02 : f32
    %mul3A_306 = vector.broadcast %mul3A_305 : f32 to vector<1024xf32>
    %mul3A_307 = arith.mulf %squeeze3A_304, %mul3A_306 : vector<1024xf32>
    %broadcast_in_dim3A_308 = vector.shape_cast %mul3A_307 : vector<1024xf32> to vector<1024x1xf32>
    %sub3A_309 = arith.subf %broadcast_in_dim3A_302, %broadcast_in_dim3A_290 : vector<1024x1xf32>
    %max3A_310 = arith.constant 1.000000e+00 : f32
    %max3A_311 = vector.broadcast %max3A_310 : f32 to vector<1024x1xf32>
    %max3A_312 = arith.maximumf %sub3A_309, %max3A_311 : vector<1024x1xf32>
    %sub3A_313 = arith.subf %broadcast_in_dim3A_308, %broadcast_in_dim3A_296 : vector<1024x1xf32>
    %max3A_314 = arith.constant 1.000000e+00 : f32
    %max3A_315 = vector.broadcast %max3A_314 : f32 to vector<1024x1xf32>
    %max3A_316 = arith.maximumf %sub3A_313, %max3A_315 : vector<1024x1xf32>
    %mul3A_317 = arith.constant 0.142857149 : f32
    %mul3A_318 = vector.broadcast %mul3A_317 : f32 to vector<1024x1xf32>
    %mul3A_319 = arith.mulf %max3A_312, %mul3A_318 : vector<1024x1xf32>
    %mul3A_320 = arith.constant 0.142857149 : f32
    %mul3A_321 = vector.broadcast %mul3A_320 : f32 to vector<1024x1xf32>
    %mul3A_322 = arith.mulf %max3A_316, %mul3A_321 : vector<1024x1xf32>
    %mul3A_323 = vector.broadcast %mul3A_322 : vector<1024x1xf32> to vector<1024x784xf32>
    %mul3A_324 = arith.mulf %convert_element_type3A, %mul3A_323 : vector<1024x784xf32>
    %add3A_325 = vector.broadcast %broadcast_in_dim3A_296 : vector<1024x1xf32> to vector<1024x784xf32>
    %add3A_326 = arith.addf %add3A_325, %mul3A_324 : vector<1024x784xf32>
    %add3A_327 = arith.constant 5.000000e-01 : f32
    %add3A_328 = vector.broadcast %add3A_327 : f32 to vector<1024x784xf32>
    %add3A_329 = arith.addf %convert_element_type3A_149, %add3A_328 : vector<1024x784xf32>
    %mul3A_330 = vector.broadcast %mul3A_322 : vector<1024x1xf32> to vector<1024x784xf32>
    %mul3A_331 = arith.mulf %add3A_329, %mul3A_330 : vector<1024x784xf32>
    %mul3A_332 = arith.constant 5.000000e-01 : f32
    %mul3A_333 = vector.broadcast %mul3A_332 : f32 to vector<1024x784xf32>
    %mul3A_334 = arith.mulf %mul3A_331, %mul3A_333 : vector<1024x784xf32>
    %add3A_335 = arith.addf %add3A_326, %mul3A_334 : vector<1024x784xf32>
    %mul3A_336 = vector.broadcast %mul3A_319 : vector<1024x1xf32> to vector<1024x784xf32>
    %mul3A_337 = arith.mulf %convert_element_type3A_95, %mul3A_336 : vector<1024x784xf32>
    %add3A_338 = vector.broadcast %broadcast_in_dim3A_290 : vector<1024x1xf32> to vector<1024x784xf32>
    %add3A_339 = arith.addf %add3A_338, %mul3A_337 : vector<1024x784xf32>
    %add3A_340 = arith.constant 5.000000e-01 : f32
    %add3A_341 = vector.broadcast %add3A_340 : f32 to vector<1024x784xf32>
    %add3A_342 = arith.addf %convert_element_type3A_203, %add3A_341 : vector<1024x784xf32>
    %mul3A_343 = vector.broadcast %mul3A_319 : vector<1024x1xf32> to vector<1024x784xf32>
    %mul3A_344 = arith.mulf %add3A_342, %mul3A_343 : vector<1024x784xf32>
    %mul3A_345 = arith.constant 5.000000e-01 : f32
    %mul3A_346 = vector.broadcast %mul3A_345 : f32 to vector<1024x784xf32>
    %mul3A_347 = arith.mulf %mul3A_344, %mul3A_346 : vector<1024x784xf32>
    %add3A_348 = arith.addf %add3A_339, %mul3A_347 : vector<1024x784xf32>
    %gt3A = arith.constant -1.000000e+00 : f32
    %gt3A_349 = vector.broadcast %gt3A : f32 to vector<1024x784xf32>
    %gt3A_350 = arith.cmpf ogt, %add3A_335, %gt3A_349 : vector<1024x784xf32>
    %lt3A_351 = arith.constant 5.000000e+01 : f32
    %lt3A_352 = vector.broadcast %lt3A_351 : f32 to vector<1024x784xf32>
    %lt3A_353 = arith.cmpf olt, %add3A_335, %lt3A_352 : vector<1024x784xf32>
    %and3A_354 = arith.andi %gt3A_350, %lt3A_353 : vector<1024x784xi1>
    %gt3A_355 = arith.constant -1.000000e+00 : f32
    %gt3A_356 = vector.broadcast %gt3A_355 : f32 to vector<1024x784xf32>
    %gt3A_357 = arith.cmpf ogt, %add3A_348, %gt3A_356 : vector<1024x784xf32>
    %and3A_358 = arith.andi %and3A_354, %gt3A_357 : vector<1024x784xi1>
    %lt3A_359 = arith.constant 5.000000e+01 : f32
    %lt3A_360 = vector.broadcast %lt3A_359 : f32 to vector<1024x784xf32>
    %lt3A_361 = arith.cmpf olt, %add3A_348, %lt3A_360 : vector<1024x784xf32>
    %and3A_362 = arith.andi %and3A_358, %lt3A_361 : vector<1024x784xi1>
    %jit3A_363 = arith.constant 0.000000e+00 : f32
    %jit3A_364 = arith.constant 4.900000e+01 : f32
    %max3A_365 = vector.broadcast %jit3A_363 : f32 to vector<1024x784xf32>
    %max3A_366 = arith.maximumf %max3A_365, %add3A_335 : vector<1024x784xf32>
    %min3A_367 = vector.broadcast %jit3A_364 : f32 to vector<1024x784xf32>
    %min3A_368 = arith.minimumf %min3A_367, %max3A_366 : vector<1024x784xf32>
    %jit3A_369 = arith.constant 0.000000e+00 : f32
    %jit3A_370 = arith.constant 4.900000e+01 : f32
    %max3A_371 = vector.broadcast %jit3A_369 : f32 to vector<1024x784xf32>
    %max3A_372 = arith.maximumf %max3A_371, %add3A_348 : vector<1024x784xf32>
    %min3A_373 = vector.broadcast %jit3A_370 : f32 to vector<1024x784xf32>
    %min3A_374 = arith.minimumf %min3A_373, %max3A_372 : vector<1024x784xf32>
    %floor3A = math.floor %min3A_368 : vector<1024x784xf32>
    %floor3A_375 = math.floor %min3A_374 : vector<1024x784xf32>
    %convert_element_type3A_376 = arith.fptosi %floor3A : vector<1024x784xf32> to vector<1024x784xi32>
    %convert_element_type3A_377 = arith.fptosi %floor3A_375 : vector<1024x784xf32> to vector<1024x784xi32>
    %sub3A_378 = arith.subf %min3A_368, %floor3A : vector<1024x784xf32>
    %sub3A_379 = arith.subf %min3A_374, %floor3A_375 : vector<1024x784xf32>
    %eq3A_380 = arith.constant 1 : i32
    %eq3A_381 = vector.broadcast %eq3A_380 : i32 to vector<1024x784xi32>
    %eq3A_382 = arith.cmpi eq, %select_n3A_256, %eq3A_381 : vector<1024x784xi32>
    %sub3A_383 = arith.constant 1.000000e+00 : f32
    %sub3A_384 = vector.broadcast %sub3A_383 : f32 to vector<1024x784xf32>
    %sub3A_385 = arith.subf %sub3A_384, %sub3A_378 : vector<1024x784xf32>
    %select_n3A_386 = arith.select %eq3A_382, %sub3A_378, %sub3A_385 : vector<1024x784xi1>, vector<1024x784xf32>
    %eq3A_387 = arith.constant 1 : i32
    %eq3A_388 = vector.broadcast %eq3A_387 : i32 to vector<1024x784xi32>
    %eq3A_389 = arith.cmpi eq, %select_n3A_278, %eq3A_388 : vector<1024x784xi32>
    %sub3A_390 = arith.constant 1.000000e+00 : f32
    %sub3A_391 = vector.broadcast %sub3A_390 : f32 to vector<1024x784xf32>
    %sub3A_392 = arith.subf %sub3A_391, %sub3A_379 : vector<1024x784xf32>
    %select_n3A_393 = arith.select %eq3A_389, %sub3A_379, %sub3A_392 : vector<1024x784xi1>, vector<1024x784xf32>
    %eq3A_394 = arith.constant 1 : i32
    %eq3A_395 = vector.broadcast %eq3A_394 : i32 to vector<1024x784xi32>
    %eq3A_396 = arith.cmpi eq, %select_n3A_256, %eq3A_395 : vector<1024x784xi32>
    %add3A_397 = arith.constant 1 : i32
    %add3A_398 = vector.broadcast %add3A_397 : i32 to vector<1024x784xi32>
    %add3A_399 = arith.addi %convert_element_type3A_376, %add3A_398 : vector<1024x784xi32>
    %min3A_400 = arith.constant 49 : i32
    %min3A_401 = vector.broadcast %min3A_400 : i32 to vector<1024x784xi32>
    %min3A_402 = arith.minsi %add3A_399, %min3A_401 : vector<1024x784xi32>
    %select_n3A_403 = arith.select %eq3A_396, %min3A_402, %convert_element_type3A_376 : vector<1024x784xi1>, vector<1024x784xi32>
    %eq3A_404 = arith.constant 1 : i32
    %eq3A_405 = vector.broadcast %eq3A_404 : i32 to vector<1024x784xi32>
    %eq3A_406 = arith.cmpi eq, %select_n3A_278, %eq3A_405 : vector<1024x784xi32>
    %add3A_407 = arith.constant 1 : i32
    %add3A_408 = vector.broadcast %add3A_407 : i32 to vector<1024x784xi32>
    %add3A_409 = arith.addi %convert_element_type3A_377, %add3A_408 : vector<1024x784xi32>
    %min3A_410 = arith.constant 49 : i32
    %min3A_411 = vector.broadcast %min3A_410 : i32 to vector<1024x784xi32>
    %min3A_412 = arith.minsi %add3A_409, %min3A_411 : vector<1024x784xi32>
    %select_n3A_413 = arith.select %eq3A_406, %min3A_412, %convert_element_type3A_377 : vector<1024x784xi1>, vector<1024x784xi32>
    %mul3A_414 = arith.mulf %select_n3A_386, %select_n3A_393 : vector<1024x784xf32>
    %mul3A_415 = arith.constant 2.500000e-01 : f32
    %mul3A_416 = vector.broadcast %mul3A_415 : f32 to vector<1024x784xf32>
    %mul3A_417 = arith.mulf %mul3A_414, %mul3A_416 : vector<1024x784xf32>
    %jit3A_418 = arith.constant 0.000000e+00 : f32
    %broadcast_in_dim3A_419 = vector.broadcast %jit3A_418 : f32 to vector<1024x784xf32>
    %select_n3A_420 = arith.select %and3A_362, %mul3A_417, %broadcast_in_dim3A_419 : vector<1024x784xi1>, vector<1024x784xf32>
    %mul3A_421 = arith.constant 2500 : i32
    %mul3A_422 = vector.broadcast %mul3A_421 : i32 to vector<1024x1xi32>
    %mul3A_423 = arith.muli %broadcast_in_dim3A, %mul3A_422 : vector<1024x1xi32>
    %mul3A_424 = arith.constant 50 : i32
    %mul3A_425 = vector.broadcast %mul3A_424 : i32 to vector<1024x784xi32>
    %mul3A_426 = arith.muli %select_n3A_403, %mul3A_425 : vector<1024x784xi32>
    %add3A_427 = vector.broadcast %mul3A_423 : vector<1024x1xi32> to vector<1024x784xi32>
    %add3A_428 = arith.addi %add3A_427, %mul3A_426 : vector<1024x784xi32>
    %add3A_429 = arith.addi %add3A_428, %select_n3A_413 : vector<1024x784xi32>
    %swap3A = arith.constant 0 : index
    %swap3A_430 = arith.constant 0 : index
    %swap3A_431 = vector.load %arg1[%swap3A, %swap3A_430] : memref<1024x784xi32, #tpu.memory_space<vmem>>, vector<1024x784xi32>
    tpu.vector_store %arg1[%swap3A, %swap3A_430], %add3A_429 {strides = array<i32>} : memref<1024x784xi32, #tpu.memory_space<vmem>>, vector<1024x784xi32>,
    %swap3A_432 = arith.constant 0 : index
    %swap3A_433 = arith.constant 0 : index
    %swap3A_434 = vector.load %arg2[%swap3A_432, %swap3A_433] : memref<1024x784xf32, #tpu.memory_space<vmem>>, vector<1024x784xf32>
    tpu.vector_store %arg2[%swap3A_432, %swap3A_433], %select_n3A_420 {strides = array<i32>} : memref<1024x784xf32, #tpu.memory_space<vmem>>, vector<1024x784xf32>,
    return
  }
}

</mosaic_0001>

<sc_bundles>
// kernel: kernel.4.cloned.1.call-start
scs
__scs_entry_jumppad:
0x0: {  	(pc) =	sbr.rel $0x88, $3  }
0x1: {  	(tag) =	ssettag $0x0;
	lr =	simm.s32 $0x1  }
0x2: {  	[smem:$0x3F9F] =	sst lr;
	_ =	strace $0xD0000000  }
0x3: {  	_ = 	snop  }
0x4: {  	_ = 	snop  }
0x5: {  	_ = 	snop  }
0x6: {  	_ = 	snop  }
0x7: {  	_ = 	snop  }
__scs_overlays_trampoline_lowered:
0x8: {  	[smem:$0x3FAE] =	sst s0  }
0x9: {  	[smem:$0x3FAF] =	sst s1  }
0xa: {  	[smem:$0x3FB0] =	sst s2  }
0xb: {  	[smem:$0x3FB1] =	sst s3  }
0xc: {  	[smem:$0x3FB2] =	sst s4  }
0xd: {  	[smem:$0x3FB3] =	sst s5  }
0xe: {  	[smem:$0x3FB4] =	sst s6  }
0xf: {  	[smem:$0x3FB5] =	sst s7  }
0x10: {  	[smem:$0x3FB6] =	sst s8  }
0x11: {  	[smem:$0x3FB7] =	sst s9;
	s0 =	simm.s32 @!p0 $0x0  }
0x12: {  	s1 =	sld [smem:$0x3F9D];
	s0 =	simm.s32 @p0 $0x1  }
0x13: {  	[smem:$0x3FB8] =	sst s0;
	s0 =	simm.s32 @!p1 $0x0  }
0x14: {  	s2 =	sld [smem:$0x3F9C];
	s0 =	simm.s32 @p1 $0x1  }
0x15: {  	[smem:$0x3FB9] =	sst s0;
	s0 =	simm.s32 @!p2 $0x0  }
0x16: {  	s3 =	sld [smem:$0x3FDB];
	s0 =	simm.s32 @p2 $0x1  }
0x17: {  	s4 =	simm.s32 $0x1BF5;
	[smem:$0x3FBB] =	sst s0  }
0x18: {  	s0 =	sld [smem:$0x3F9E];
	_ =	swait.ge [sflag:s4], $0x0  }
0x19: {  	s7 =	sld [smem:$0x3F9F]  }
0x1a: {  	s8 =	sadd.s32 $0xFFFFE003, lr  }
0x1b: {  	s9 =	sadd.s32 $0xFFFFFEF7, lr;
	s5 =	simm.s32 $0xFFFFFFFF;
	p2 =	slt.u32 s8, $0xFFFFF086  }
0x1c: {  	p1 =	slt.u32 s9, $0xF7A;
	s5 =	simm.s32 @!p2 $0x0  }
0x1d: {  	s5 =	simm.s32 @p1 $0x1;
	p0 =	seq.s32 s7, s2  }
0x1e: {  	s7 =	smul.u32 @!p0 $0xF7A, s2;
	p2 =	seq.s32 @!p0 s5, $0x0  }
0x1f: {  	s9 =	smul.u32 $0xF7A, s1;
	s8 =	simm.s32 @!p0 $0x1BF5;
	p2 =	por !p2, p0  }
0x20: {  	[sflag:s8] =	ssyncset.s32 @!p0 $0xFFFFF086;
	s6 =	sadd.s32 @!p0 s3, s7;
	s7 =	simm.s32 @!p0 $0x108  }
0x21: {  	s3 =	sadd.s32 s3, s9;
	s6 =	sadd.s32 @!p0 $0x88, s6;
	s7 =	simm.s32 @p2 $0x1082  }
0x22: {  	[simem:s7], [sflag:s8] =	dma.local @!p0 [hbm:s6], $0xF7A  }
0x23: {  	s9 =	sor.u32 $0xD0000000, s2;
	s6 =	simm.s32 $0x108;
	_ =	swait.ge @!p0 [sflag:s8], $0x0  }
0x24: {  	s3 =	sadd.s32 $0x88, s3;
	s6 =	simm.s32 @!p1 $0x1082;
	[sflag:s4] =	ssyncset.s32 $0xFFFFF086  }
0x25: {  	[simem:s6], [sflag:s4] =	dma.local [hbm:s3], $0xF7A  }
0x26: {  	[smem:$0x3F9F] =	sst s1;
	(tag) =	ssettag s2;
	_ =	strace s9  }
0x27: {  	s1 =	sld [smem:$0x3FAF]  }
0x28: {  	s2 =	sld [smem:$0x3FB0]  }
0x29: {  	s4 =	sld [smem:$0x3FB2]  }
0x2a: {  	p0 =	seq.s32 s5, $0x0;
	s5 =	sld [smem:$0x3FB3]  }
0x2b: {  	s6 =	sld [smem:$0x3FB4]  }
0x2c: {  	s7 =	sld [smem:$0x3FB5]  }
0x2d: {  	s3 =	simm.s32 $0x108;
	s8 =	sld [smem:$0x3FB6]  }
0x2e: {  	s3 =	simm.s32 @!p0 $0x1082;
	s9 =	sld [smem:$0x3FB7]  }
0x2f: {  	lr =	sadd.s32 s0, s3;
	s0 =	sld [smem:$0x3FAE]  }
0x30: {  	s3 =	sld [smem:$0x3FB1]  }
0x31: {  	[smem:$0x3FBA] =	sst s10  }
0x32: {  	s10 =	sld [smem:$0x3FB8];
	_ =	sdelay $0x3  }
0x33: {  	p0 =	seq.s32 s10, $0x1;
	s10 =	sld [smem:$0x3FBA];
	_ =	sdelay $0x3  }
0x34: {  	[smem:$0x3FBA] =	sst s10  }
0x35: {  	s10 =	sld [smem:$0x3FB9];
	_ =	sdelay $0x3  }
0x36: {  	p1 =	seq.s32 s10, $0x1;
	s10 =	sld [smem:$0x3FBA];
	_ =	sdelay $0x3  }
0x37: {  	[smem:$0x3FBA] =	sst s10  }
0x38: {  	s10 =	sld [smem:$0x3FBB]  }
0x39: {  	_ = 	snop;
	(pc) =	sbr.ind lr, $3  }
0x3a: {  	_ = 	snop  }
0x3b: {  	_ = 	snop  }
0x3c: {  	p2 =	seq.s32 s10, $0x1;
	s10 =	sld [smem:$0x3FBA]  }
0x3d: {  	_ =	shalt  }
0x3e: {  	_ =	shalt  }
0x3f: {  	_ =	shalt  }
0x40: {  	_ =	shalt  }
0x41: {  	_ =	shalt  }
0x42: {  	_ =	shalt  }
0x43: {  	_ =	shalt  }
0x44: {  	_ =	shalt  }
0x45: {  	_ =	shalt  }
0x46: {  	_ =	shalt  }
0x47: {  	_ =	shalt  }
0x48: {  	_ =	shalt  }
0x49: {  	_ =	shalt  }
0x4a: {  	_ =	shalt  }
0x4b: {  	_ =	shalt  }
0x4c: {  	_ =	shalt  }
0x4d: {  	_ =	shalt  }
0x4e: {  	_ =	shalt  }
0x4f: {  	_ =	shalt  }
0x50: {  	_ =	shalt  }
0x51: {  	_ =	shalt  }
0x52: {  	_ =	shalt  }
0x53: {  	_ =	shalt  }
0x54: {  	_ =	shalt  }
0x55: {  	_ =	shalt  }
0x56: {  	_ =	shalt  }
0x57: {  	_ =	shalt  }
0x58: {  	_ =	shalt  }
0x59: {  	_ =	shalt  }
0x5a: {  	_ =	shalt  }
0x5b: {  	_ =	shalt  }
0x5c: {  	_ =	shalt  }
0x5d: {  	_ =	shalt  }
0x5e: {  	_ =	shalt  }
0x5f: {  	_ =	shalt  }
0x60: {  	_ =	shalt  }
0x61: {  	_ =	shalt  }
0x62: {  	_ =	shalt  }
0x63: {  	_ =	shalt  }
0x64: {  	_ =	shalt  }
0x65: {  	_ =	shalt  }
0x66: {  	_ =	shalt  }
0x67: {  	_ =	shalt  }
0x68: {  	_ =	shalt  }
0x69: {  	_ =	shalt  }
0x6a: {  	_ =	shalt  }
0x6b: {  	_ =	shalt  }
0x6c: {  	_ =	shalt  }
0x6d: {  	_ =	shalt  }
0x6e: {  	_ =	shalt  }
0x6f: {  	_ =	shalt  }
0x70: {  	_ =	shalt  }
0x71: {  	_ =	shalt  }
0x72: {  	_ =	shalt  }
0x73: {  	_ =	shalt  }
0x74: {  	_ =	shalt  }
0x75: {  	_ =	shalt  }
0x76: {  	_ =	shalt  }
0x77: {  	_ =	shalt  }
0x78: {  	_ =	shalt  }
0x79: {  	_ =	shalt  }
0x7a: {  	_ =	shalt  }
0x7b: {  	_ =	shalt  }
0x7c: {  	_ =	shalt  }
0x7d: {  	_ =	shalt  }
0x7e: {  	_ =	shalt  }
0x7f: {  	_ =	shalt  }
0x80: {  	_ =	shalt  }
0x81: {  	_ =	shalt  }
0x82: {  	_ =	shalt  }
0x83: {  	_ =	shalt  }
0x84: {  	_ =	shalt  }
0x85: {  	_ =	shalt  }
0x86: {  	_ =	shalt  }
0x87: {  	_ =	shalt  }
.Lfunc_end0:
.L_simem_size_0:
called_computation.2_lowered:
.L_overlay_start_0:
0x88: {  	s2 =	sld [smem:$0x3FD9]  }
0x89: {  	s3 =	sld [smem:$0x3FFE];
	_ =	sdelay $0x1  }
0x8a: {  	s1 =	srdreg.scid  }
0x8b: {  	s0 =	sand.u32 $0x1, s1  }
0x8c: {  	s16 =	sshll.u32 s0, $0xA;
	s2 =	sadd.s32 s3, s2  }
0x8d: {  	s2 =	sadd.s32 s2, s16  }
0x8e: {  	[smem:$0x3FC6] =	sst s2  }
0x8f: {  	_ = 	snop  }
0x90: {  	(tm) =	ssettm $0x1  }
0x91: {  	s17 =	sld [smem:$0x3FFB];
	_ =	sdelay $0x3  }
0x92: {  	_ =	strace s17  }
0x93: {  	s2 =	sld [smem:$0x3FFC];
	_ =	sdelay $0x3  }
0x94: {  	_ =	strace s2  }
0x95: {  	s2 =	sld [smem:$0x3FFD];
	_ =	sdelay $0x3  }
0x96: {  	_ =	strace s2  }
0x97: {  	_ =	strace $0x8FFFFFFF  }
0x98: {  	s18 =	sld [smem:$0x3FDB];
	_ =	sdelay $0x1  }
0x99: {  	s19 =	simm.s32 $_scs_section_size  }
0x9a: {  	s4 =	simm.s32 $_size__tile_overlayer_lowered;
	s5 =	simm.s32 $_tile_overlayer_lowered  }
0x9b: {  	s22 =	simm.s32 $0x1BFF;
	s21 =	sshll.u32 s5, $0x1;
	s2 =	sadd.s32 s19, s18  }
0x9c: {  	s6 =	simm.s32 $0x0;
	s20 =	sshll.u32 s4, $0x1;
	s4 =	sadd.s32 s21, s2  }
0x9d: {  	[timem:s6], [sflag:s22] =	dma.local [hbm:s4], s20  }
0x9e: {  	_ =	swait.ge [sflag:s22], s20  }
0x9f: {  	s3 =	ssub.s32 $0x0, s20;
	[sflag:s22] =	ssyncset.done $0x0  }
0xa0: {  	[sflag:s22] =	ssyncadd.s32 s3;
	_ =	sdelay $0x1  }
0xa1: {  	s23 =	simm.s32 $0x1B8B  }
0xa2: {  	_ =	swait.ge [sflag:s23], $0x1  }
0xa3: {  	[sflag:s23] =	ssyncset.done $0x0  }
0xa4: {  	s25 =	simm.s32 $0x1B8E;
	s24 =	sld [smem:$0x3FFE];
	[sflag:s23] =	ssyncadd.s32 $0xFFFFFFFF  }
0xa5: {  	s26 =	simm.s32 $execute0_lowered;
	[smem:$0x3FD2] =	sst s25  }
0xa6: {  	s4 =	sshll.u32 s26, $0x1;
	_ =	strace $0x80000046;
	[dreg:$0x1] =	wrdreg $0xFFFFFFFF  }
0xa7: {  	s28 =	simm.s32 $_size_execute0_lowered;
	s2 =	sadd.s32 s2, s4;
	[dreg:$0x0] =	wrdreg $0x0  }
0xa8: {  	s4 =	sshll.u32 s28, $0x1;
	[dreg:$0x2] =	wrdreg s2  }
0xa9: {  	[dreg:$0x3] =	wrdreg s4  }
0xaa: {  	[dreg:$0x4] =	wrdreg $0xC0  }
0xab: {  	_ =	task [dreg:s6], $0x5FFFF  }
0xac: {  	[dreg:$0x1] =	wrdreg $0xFFFFFFFF  }
0xad: {  	[dreg:$0x0] =	wrdreg $0x60  }
0xae: {  	[dreg:$0x2] =	wrdreg s24  }
0xaf: {  	[dreg:$0x3] =	wrdreg $0x9  }
0xb0: {  	_ =	task.clear_ibuf [dreg:s6], $0x4FFFF;
	_ =	strace $0x90000046  }
0xb1: {  	s29 =	simm.s32 $0x9;
	_ =	strace $0x80000048  }
0xb2: {  	_ =	swait.ge [sflag:s29], $0x1  }
0xb3: {  	[sflag:s29] =	ssyncadd.s32 $0xFFFFFFFF  }
0xb4: {  	_ =	strace $0x90000048  }
0xb5: {  	_ =	sfence  }
0xb6: {  	s30 =	sld [smem:$0x0];
	_ =	sdelay $0x2  }
0xb7: {  	s31 =	sshll.u32 s1, $0xD;
	s1 =	sshrl.u32 s1, $0x2  }
0xb8: {  	s3 =	sand.u32 $0x4000, s31;
	s1 =	sadd.s32 s1, s30  }
0xb9: {  	s0 =	sor.u32 s3, s0;
	s1 =	sshll.u32 s1, $0x11  }
0xba: {  	s0 =	sor.u32 s1, s0  }
0xbb: {  	s0 =	sadd.s32 $0x8F2B, s0  }
0xbc: {  	[sflag:s0] =	ssyncadd.remote.s32 $0x1  }
0xbd: {  	_ =	sfence.sel $0xFFFF  }
0xbe: {  	[dreg:$0x0] =	wrdreg $0xFFFFFFFF;
	(pc) =	sbr.abs _section_cstart, $3  }
0xbf: {  	[dreg:$0x1] =	wrdreg $0xFFFFFFFF  }
0xc0: {  	_ =	task.clear_ibuf [dreg:s6], $0x2FFFF;
	_ =	strace $0x9FFFFFFF  }
0xc1: {  	(tm) =	ssettm $0x7FFFFFFF  }
tec
execute0_lowered:
.L_overlay_start_1:
0x0: {  	(tag) =	ssettag $0x1  }
0x1: {  	s5 =	rddreg [dreg:$0x0]  }
0x2: {  	s0 =	rddreg [dreg:$0x1];
	s2 =	simm.s32 $0x0;
	s1 =	stileid.u32  }
0x3: {  	s3 =	srdreg.scid;
	s10 =	simm.s32 $0x1;
	s11 =	simm.s32 $0x13880  }
0x4: {  	s12 =	simm.s32 $0x16980;
	s13 =	simm.s32 $0x19A80;
	s14 =	simm.s32 $0x0  }
0x5: {  	[smem:$0x7FF] =	sst s2;
	s4 =	smul.u32 $0x2710, s1;
	s7 =	sand.u32 $0x1, s3  }
0x6: {  	s3 =	sadd.s32 $0x28000, s5;
	_ =	strace $0x80000047;
	s6 =	ssub.s32 $0x2, s7  }
0x7: {  	s7 =	sshll.u32 s7, $0x5;
	s8 =	sadd.s32 s4, s5;
	s9 =	sshrl.u32 s6, $0x1  }
0x8: {  	s4 =	sadd.s32 $0x40800, s5;
	s5 =	sadd.s32 $0x59000, s5;
	s9 =	ssub.s32 s6, s9  }
0x9: {  	s6 =	sadd.s32 $0xE00, s8;
	s8 =	smul.u32 $0x3100, s1;
	s9 =	smax.u32 s9, $0x1  }
.LBB2_1:
0xa: {  	[tilespmem:s2], [sflag:$0x1] =	stream.linear.gather [hbm4b:s6+s2], $0x13880, $0x38;
	[tilespmem:$0x1CB80] =	vst v63  }
0xb: {  	_ =	swait.ge [sflag:s10], $0x13880  }
0xc: {  	[sflag:s10] =	ssyncset.done $0x0  }
0xd: {  	s15 =	simm.s32 $0x0;
	[sflag:s10] =	ssyncadd.s32 $0xFFFEC780  }
.LBB2_2:
0xe: {  	s16 =	sadd.s32 s7, s15  }
0xf: {  	s18 =	smul.u32 $0x620, s16;
	_ =	sdelay $0x1  }
0x10: {  	s17 =	simm.s32 $0x0;
	s19 =	sadd.s32 s3, s18  }
0x11: {  	[tilespmem:s11], [sflag:$0x1] =	stream.linear.gather [hbm4b:s19+s17], $0x3100, $0x38;
	[tilespmem:$0x1CB80] =	vst v63  }
0x12: {  	_ =	swait.ge [sflag:s10], $0x3100  }
0x13: {  	[sflag:s10] =	ssyncset.done $0x0  }
0x14: {  	s18 =	sadd.s32 s4, s18;
	[sflag:s10] =	ssyncadd.s32 $0xFFFFCF00  }
0x15: {  	[tilespmem:s12], [sflag:$0x1] =	stream.linear.gather [hbm4b:s18+s17], $0x3100, $0x38;
	[tilespmem:$0x1CB80] =	vst v63  }
0x16: {  	_ =	swait.ge [sflag:s10], $0x3100  }
0x17: {  	[sflag:s10] =	ssyncset.done $0x0  }
0x18: {  	s18 =	simm.s32 $0x1B300;
	[sflag:s10] =	ssyncadd.s32 $0xFFFFCF00  }
.LBB2_3:
0x19: {  	s19 =	sshra.s32 s17, $0x2  }
0x1a: {  	v1 =	vld [tilespmem:s19+$0x13880]  }
0x1b: {  	v15 =	vld [tilespmem:s19+$0x13890];
	_ =	sdelay $0x3  }
0x1c: {  	v0 =	vadd.s32 $0x1388, v1  }
0x1d: {  	v4 =	vld [tilespmem:s19+$0x16980];
	v2 =	vadd.s32 $0x2710, v1  }
0x1e: {  	v21 =	vld [tilespmem:s19+$0x138A0];
	v5 =	vadd.s32 $0x4E20, v1  }
0x1f: {  	v6 =	vadd.s32 $0x61A8, v1;
	v7 =	vld.idx.msk [tilespmem:v1+s2+$0x0], $0xffff  }
0x20: {  	v35 =	vadd.s32 $0x88B8, v1;
	v62 =	vld.idx.msk [tilespmem:v15+s2+$0x0], $0xffff  }
0x21: {  	v36 =	vadd.s32 $0x9C40, v1;
	v9 =	vld.idx.msk [tilespmem:v0+s2+$0x0], $0xffff  }
0x22: {  	v37 =	vadd.s32 $0xAFC8, v1;
	v14 =	vld.idx.msk [tilespmem:v2+s2+$0x0], $0xffff  }
0x23: {  	v10 =	vadd.s32 $0xC350, v1;
	v30 =	vld.idx.msk [tilespmem:v5+s2+$0x0], $0xffff  }
0x24: {  	v12 =	vadd.s32 $0xD6D8, v1;
	v17 =	vld.idx.msk [tilespmem:v6+s2+$0x0], $0xffff  }
0x25: {  	v13 =	vadd.s32 $0xEA60, v1;
	v18 =	vld.idx.msk [tilespmem:v35+s2+$0x0], $0xffff  }
0x26: {  	v38 =	vadd.s32 $0xFDE8, v1;
	v55 =	vld.idx.msk [tilespmem:v36+s2+$0x0], $0xffff  }
0x27: {  	v39 =	vadd.s32 $0x11170, v1;
	v57 =	vld.idx.msk [tilespmem:v37+s2+$0x0], $0xffff  }
0x28: {  	v40 =	vadd.s32 $0x1388, v15;
	v58 =	vld.idx.msk [tilespmem:v10+s2+$0x0], $0xffff  }
0x29: {  	v41 =	vadd.s32 $0x2710, v15;
	v59 =	vld.idx.msk [tilespmem:v12+s2+$0x0], $0xffff  }
0x2a: {  	v42 =	vadd.s32 $0x3A98, v15;
	v60 =	vld.idx.msk [tilespmem:v13+s2+$0x0], $0xffff  }
0x2b: {  	v43 =	vadd.s32 $0x4E20, v15;
	v19 =	vld.idx.msk [tilespmem:v38+s2+$0x0], $0xffff  }
0x2c: {  	v44 =	vadd.s32 $0x61A8, v15;
	v61 =	vld.idx.msk [tilespmem:v39+s2+$0x0], $0xffff  }
0x2d: {  	v45 =	vadd.s32 $0x7530, v15;
	v23 =	vld.idx.msk [tilespmem:v40+s2+$0x0], $0xffff  }
0x2e: {  	v46 =	vadd.s32 $0x88B8, v15;
	v24 =	vld.idx.msk [tilespmem:v41+s2+$0x0], $0xffff  }
0x2f: {  	v47 =	vadd.s32 $0x9C40, v15;
	v25 =	vld.idx.msk [tilespmem:v42+s2+$0x0], $0xffff  }
0x30: {  	v48 =	vadd.s32 $0xAFC8, v15;
	v22 =	vld.idx.msk [tilespmem:v43+s2+$0x0], $0xffff  }
0x31: {  	v49 =	vadd.s32 $0xC350, v15;
	v28 =	vld.idx.msk [tilespmem:v44+s2+$0x0], $0xffff  }
0x32: {  	v50 =	vadd.s32 $0xD6D8, v15;
	v29 =	vld.idx.msk [tilespmem:v45+s2+$0x0], $0xffff  }
0x33: {  	v20 =	vadd.s32 $0xEA60, v15;
	v26 =	vld.idx.msk [tilespmem:v46+s2+$0x0], $0xffff  }
0x34: {  	v54 =	vadd.s32 $0x1388, v21;
	v31 =	vld.idx.msk [tilespmem:v47+s2+$0x0], $0xffff  }
0x35: {  	v63 =	vadd.s32 $0x2710, v21;
	v32 =	vld.idx.msk [tilespmem:v48+s2+$0x0], $0xffff  }
0x36: {  	v56 =	vld.idx.msk [tilespmem:v49+s2+$0x0], $0xffff  }
0x37: {  	v51 =	vadd.s32 $0xFDE8, v15;
	v33 =	vld.idx.msk [tilespmem:v50+s2+$0x0], $0xffff  }
0x38: {  	v52 =	vadd.s32 $0x11170, v15;
	v34 =	vld.idx.msk [tilespmem:v20+s2+$0x0], $0xffff  }
0x39: {  	v53 =	vadd.s32 $0x124F8, v15;
	v40 =	vld.idx.msk [tilespmem:v54+s2+$0x0], $0xffff  }
0x3a: {  	v54 =	vld.idx.msk [tilespmem:v63+s2+$0x0], $0xffff  }
0x3b: {  	v20 =	vadd.s32 $0x3A98, v21;
	v63 =	vld [tilespmem:s19+$0x138B0]  }
0x3c: {  	v3 =	vadd.s32 $0x3A98, v1;
	v8 =	vadd.s32 $0x7530, v1;
	v1 =	vadd.s32 $0x124F8, v1;
	v35 =	vld.idx.msk [tilespmem:v51+s2+$0x0], $0xffff  }
0x3d: {  	v38 =	vld.idx.msk [tilespmem:v52+s2+$0x0], $0xffff;
	v44 =	vadd.s32 $0x4E20, v21  }
0x3e: {  	v39 =	vld.idx.msk [tilespmem:v53+s2+$0x0], $0xffff;
	v45 =	vadd.s32 $0x61A8, v21  }
0x3f: {  	v36 =	vld.idx.msk [tilespmem:v21+s2+$0x0], $0xffff;
	v46 =	vadd.s32 $0x7530, v21  }
0x40: {  	v41 =	vld.idx.msk [tilespmem:v20+s2+$0x0], $0xffff;
	v20 =	vadd.s32 $0x1388, v63  }
0x41: {  	v49 =	vadd.s32 $0xAFC8, v21;
	v27 =	vld.idx.msk [tilespmem:v1+s2+$0x0], $0xffff  }
0x42: {  	v52 =	vadd.s32 $0xD6D8, v21;
	v51 =	vld.idx.msk [tilespmem:v44+s2+$0x0], $0xffff  }
0x43: {  	v53 =	vadd.s32 $0xEA60, v21;
	v37 =	vld.idx.msk [tilespmem:v45+s2+$0x0], $0xffff  }
0x44: {  	v5 =	vadd.s32 $0x124F8, v21;
	v42 =	vld.idx.msk [tilespmem:v46+s2+$0x0], $0xffff  }
0x45: {  	v48 =	vadd.s32 $0x9C40, v21;
	v15 =	vld.idx.msk [tilespmem:v20+s2+$0x0], $0xffff  }
0x46: {  	v47 =	vadd.s32 $0x88B8, v21;
	v10 =	vadd.s32 $0x11170, v21;
	v45 =	vld.idx.msk [tilespmem:v49+s2+$0x0], $0xffff  }
0x47: {  	v50 =	vadd.s32 $0xC350, v21;
	v6 =	vadd.s32 $0xFDE8, v21;
	v46 =	vld.idx.msk [tilespmem:v52+s2+$0x0], $0xffff;
	v21 =	vadd.s32 $0x2710, v63  }
0x48: {  	v52 =	vld.idx.msk [tilespmem:v53+s2+$0x0], $0xffff;
	v53 =	vadd.s32 $0x3A98, v63  }
0x49: {  	v49 =	vld.idx.msk [tilespmem:v5+s2+$0x0], $0xffff;
	v5 =	vadd.s32 $0x61A8, v63  }
0x4a: {  	v44 =	vld.idx.msk [tilespmem:v48+s2+$0x0], $0xffff;
	[tilespmem:$0x1FCF0] =	vst v15;
	v15 =	vadd.s32 $0x7530, v63  }
0x4b: {  	v48 =	vld.idx.msk [tilespmem:v10+s2+$0x0], $0xffff;
	v1 =	vadd.s32 $0x88B8, v63  }
0x4c: {  	v20 =	vld.idx.msk [tilespmem:v21+s2+$0x0], $0xffff  }
0x4d: {  	v21 =	vld.idx.msk [tilespmem:v53+s2+$0x0], $0xffff  }
0x4e: {  	v10 =	vadd.s32 $0x4E20, v63;
	v12 =	vld.idx.msk [tilespmem:v5+s2+$0x0], $0xffff  }
0x4f: {  	v5 =	vadd.s32 $0xAFC8, v63;
	v13 =	vld.idx.msk [tilespmem:v15+s2+$0x0], $0xffff  }
0x50: {  	v15 =	vld.idx.msk [tilespmem:v1+s2+$0x0], $0xffff  }
0x51: {  	v43 =	vld.idx.msk [tilespmem:v47+s2+$0x0], $0xffff  }
0x52: {  	v47 =	vld.idx.msk [tilespmem:v6+s2+$0x0], $0xffff;
	v53 =	vadd.s32 $0x9C40, v63  }
0x53: {  	[tilespmem:$0x1FD10] =	vst v21;
	v21 =	vld.idx.msk [tilespmem:v10+s2+$0x0], $0xffff;
	v10 =	vadd.s32 $0xC350, v63  }
0x54: {  	[tilespmem:$0x1FD00] =	vst v20;
	v20 =	vadd.s32 $0xD6D8, v63;
	v6 =	vld.idx.msk [tilespmem:v5+s2+$0x0], $0xffff  }
0x55: {  	[tilespmem:$0x1FD40] =	vst v15;
	v15 =	vld [tilespmem:s19+$0x138C0]  }
0x56: {  	v16 =	vld.idx.msk [tilespmem:v8+s2+$0x0], $0xffff  }
0x57: {  	v53 =	vld.idx.msk [tilespmem:v53+s2+$0x0], $0xffff  }
0x58: {  	v8 =	vld.idx.msk [tilespmem:v10+s2+$0x0], $0xffff;
	[tilespmem:$0x1FD30] =	vst v13;
	v13 =	vadd.s32 $0x11170, v63  }
0x59: {  	[tilespmem:$0x1FD20] =	vst v12;
	v12 =	vld.idx.msk [tilespmem:v20+s2+$0x0], $0xffff;
	v20 =	vadd.s32 $0x124F8, v63  }
0x5a: {  	[tilespmem:$0x1FD60] =	vst v6;
	v1 =	vld [tilespmem:s19+$0x16990];
	v6 =	vadd.s32 $0x1388, v15  }
0x5b: {  	v11 =	vld.idx.msk [tilespmem:v3+s2+$0x0], $0xffff;
	v3 =	vadd.s32 $0xEA60, v63  }
0x5c: {  	[tilespmem:$0x1FD50] =	vst v53;
	v10 =	vadd.s32 $0xFDE8, v63;
	v53 =	vld.idx.msk [tilespmem:v63+s2+$0x0], $0xffff  }
0x5d: {  	v7 =	vmul.f32 v7, v4;
	v0 =	vld.idx.msk [tilespmem:v13+s2+$0x0], $0xffff;
	v5 =	vadd.s32 $0x61A8, v15  }
0x5e: {  	[tilespmem:$0x1FD70] =	vst v8;
	v8 =	vadd.s32 $0x3A98, v15;
	v13 =	vld.idx.msk [tilespmem:v20+s2+$0x0], $0xffff  }
0x5f: {  	v7 =	vadd.f32 $0.0e+00, v7;
	v20 =	vmul.f32 v62, v1;
	v6 =	vld.idx.msk [tilespmem:v6+s2+$0x0], $0xffff  }
0x60: {  	v63 =	vld.idx.msk [tilespmem:v3+s2+$0x0], $0xffff;
	v3 =	vadd.s32 $0x2710, v15  }
0x61: {  	v2 =	vld.idx.msk [tilespmem:v10+s2+$0x0], $0xffff;
	v20 =	vadd.f32 v20, v7;
	v7 =	vadd.s32 $0x9C40, v15  }
0x62: {  	v10 =	vmul.f32 v9, v4;
	v9 =	vmul.f32 v11, v4;
	v5 =	vld.idx.msk [tilespmem:v5+s2+$0x0], $0xffff  }
0x63: {  	v11 =	vmul.f32 v18, v4;
	v18 =	vmul.f32 v55, v4;
	v55 =	vld.idx.msk [tilespmem:v8+s2+$0x0], $0xffff  }
0x64: {  	[tilespmem:$0x1FDC0] =	vst v6;
	v6 =	vadd.s32 $0x7530, v15  }
0x65: {  	v62 =	vld.idx.msk [tilespmem:v3+s2+$0x0], $0xffff  }
0x66: {  	[tilespmem:$0x1FDA0] =	vst v0;
	v3 =	vadd.s32 $0x88B8, v15;
	v7 =	vld.idx.msk [tilespmem:v7+s2+$0x0], $0xffff  }
0x67: {  	v14 =	vmul.f32 v14, v4;
	v30 =	vmul.f32 v30, v4;
	[tilespmem:$0x1FDE0] =	vst v5;
	v5 =	vadd.s32 $0xAFC8, v15  }
0x68: {  	v17 =	vmul.f32 v17, v4;
	v0 =	vld [tilespmem:s19+$0x138D0];
	[tilespmem:$0x1FDD0] =	vst v55;
	v55 =	vmul.f32 v61, v4;
	v61 =	vadd.s32 $0xD6D8, v15  }
0x69: {  	v59 =	vmul.f32 v59, v4;
	[tilespmem:$0x1FD80] =	vst v12;
	v12 =	vmul.f32 v16, v4;
	v6 =	vld.idx.msk [tilespmem:v6+s2+$0x0], $0xffff  }
0x6a: {  	v16 =	vmul.f32 v60, v4;
	v25 =	vmul.f32 v25, v1;
	[tilespmem:$0x1FDB0] =	vst v13  }
0x6b: {  	v60 =	vadd.f32 $0.0e+00, v9;
	v13 =	vmul.f32 v19, v4;
	v19 =	vld.idx.msk [tilespmem:v3+s2+$0x0], $0xffff;
	[tilespmem:$0x1FE10] =	vst v7;
	v7 =	vadd.s32 $0xEA60, v15  }
0x6c: {  	v27 =	vmul.f32 v27, v4;
	[tilespmem:$0x1FD90] =	vst v2;
	v2 =	vadd.s32 $0x4E20, v15;
	v8 =	vmul.f32 v57, v4;
	v5 =	vld.idx.msk [tilespmem:v5+s2+$0x0], $0xffff  }
0x6d: {  	v57 =	vmul.f32 v58, v4;
	v3 =	vadd.f32 v25, v60;
	v4 =	vadd.s32 $0x61A8, v0;
	v60 =	vld.idx.msk [tilespmem:v61+s2+$0x0], $0xffff  }
0x6e: {  	[tilespmem:$0x1FDF0] =	vst v6;
	v6 =	vadd.s32 $0xC350, v15  }
0x6f: {  	v50 =	vld.idx.msk [tilespmem:v50+s2+$0x0], $0xffff  }
0x70: {  	[tilespmem:$0x1FE00] =	vst v19;
	v19 =	vadd.f32 $0.0e+00, v17;
	v17 =	vld.idx.msk [tilespmem:v7+s2+$0x0], $0xffff;
	v7 =	vadd.s32 $0x2710, v0  }
0x71: {  	v28 =	vmul.f32 v28, v1;
	v26 =	vmul.f32 v26, v1;
	v58 =	vld.idx.msk [tilespmem:v2+s2+$0x0], $0xffff;
	[tilespmem:$0x1FE20] =	vst v5;
	v5 =	vadd.s32 $0xFDE8, v15  }
0x72: {  	v11 =	vadd.f32 $0.0e+00, v11;
	[tilespmem:$0x1FE40] =	vst v60;
	v60 =	vadd.f32 $0.0e+00, v57;
	v57 =	vld.idx.msk [tilespmem:v4+s2+$0x0], $0xffff;
	v4 =	vadd.s32 $0xAFC8, v0  }
0x73: {  	v2 =	vadd.f32 $0.0e+00, v14;
	v14 =	vmul.f32 v24, v1;
	v24 =	vld.idx.msk [tilespmem:v6+s2+$0x0], $0xffff;
	v6 =	vadd.s32 $0x11170, v15  }
0x74: {  	v30 =	vadd.f32 $0.0e+00, v30;
	v25 =	vld.idx.msk [tilespmem:v15+s2+$0x0], $0xffff;
	v15 =	vadd.s32 $0x124F8, v15  }
0x75: {  	v11 =	vadd.f32 v26, v11;
	v26 =	vadd.s32 $0x88B8, v0;
	v28 =	vadd.f32 v28, v19;
	v19 =	vld.idx.msk [tilespmem:v7+s2+$0x0], $0xffff  }
0x76: {  	v22 =	vmul.f32 v22, v1;
	v9 =	vmul.f32 v23, v1;
	v61 =	vadd.s32 $0x1388, v0;
	v23 =	vld.idx.msk [tilespmem:v5+s2+$0x0], $0xffff  }
0x77: {  	v29 =	vmul.f32 v29, v1;
	v12 =	vadd.f32 $0.0e+00, v12;
	v5 =	vadd.s32 $0x3A98, v0;
	v4 =	vld.idx.msk [tilespmem:v4+s2+$0x0], $0xffff  }
0x78: {  	v31 =	vmul.f32 v31, v1;
	v32 =	vmul.f32 v32, v1;
	v22 =	vadd.f32 v22, v30;
	v30 =	vld.idx.msk [tilespmem:v6+s2+$0x0], $0xffff  }
0x79: {  	v7 =	vadd.s32 $0x7530, v0;
	[tilespmem:$0x1FE30] =	vst v24;
	v24 =	vadd.f32 $0.0e+00, v18;
	v6 =	vadd.f32 v29, v12;
	v29 =	vld.idx.msk [tilespmem:v15+s2+$0x0], $0xffff  }
0x7a: {  	v33 =	vmul.f32 v33, v1;
	v10 =	vadd.f32 $0.0e+00, v10;
	v8 =	vadd.f32 $0.0e+00, v8;
	v18 =	vld.idx.msk [tilespmem:v26+s2+$0x0], $0xffff  }
0x7b: {  	[tilespmem:$0x1FE60] =	vst v23;
	v12 =	vadd.s32 $0x4E20, v0;
	v23 =	vmul.f32 v56, v1;
	v15 =	vadd.f32 v31, v24;
	v31 =	vld.idx.msk [tilespmem:v61+s2+$0x0], $0xffff  }
0x7c: {  	v34 =	vmul.f32 v34, v1;
	v13 =	vadd.f32 $0.0e+00, v13;
	v61 =	vadd.f32 $0.0e+00, v59;
	v24 =	vld.idx.msk [tilespmem:v5+s2+$0x0], $0xffff  }
0x7d: {  	v8 =	vadd.f32 v32, v8;
	[tilespmem:$0x1FEC0] =	vst v57;
	v57 =	vadd.s32 $0xEA60, v0;
	v59 =	vld [tilespmem:s19+$0x169A0];
	v32 =	vadd.f32 v23, v60  }
0x7e: {  	v60 =	vmul.f32 v35, v1;
	v33 =	vadd.f32 v33, v61;
	v61 =	vmul.f32 v38, v1;
	v38 =	vld.idx.msk [tilespmem:v7+s2+$0x0], $0xffff  }
0x7f: {  	v10 =	vadd.f32 v9, v10;
	[tilespmem:$0x1FE90] =	vst v19;
	v19 =	vadd.f32 $0.0e+00, v27;
	v1 =	vmul.f32 v39, v1;
	v39 =	vld [tilespmem:s19+$0x138E0]  }
0x80: {  	[tilespmem:$0x1FE50] =	vst v17;
	v17 =	vadd.f32 $0.0e+00, v55;
	v13 =	vadd.f32 v60, v13;
	v60 =	vadd.s32 $0xFDE8, v0;
	v56 =	vld.idx.msk [tilespmem:v12+s2+$0x0], $0xffff  }
0x81: {  	v9 =	vadd.f32 v14, v2;
	v12 =	vadd.s32 $0x9C40, v0;
	v1 =	vadd.f32 v1, v19;
	v19 =	vld [tilespmem:$0x1FD50]  }
0x82: {  	v2 =	vadd.f32 v61, v17;
	[tilespmem:$0x1FE80] =	vst v31;
	v31 =	vadd.s32 $0xD6D8, v0;
	v14 =	vmul.f32 v54, v59;
	v54 =	vld.idx.msk [tilespmem:v0+s2+$0x0], $0xffff  }
0x83: {  	v17 =	vadd.s32 $0x11170, v0;
	v23 =	vmul.f32 v36, v59;
	v26 =	vmul.f32 v41, v59;
	v41 =	vld.idx.msk [tilespmem:v57+s2+$0x0], $0xffff  }
0x84: {  	v57 =	vmul.f32 v44, v59;
	v44 =	vmul.f32 v50, v59;
	v50 =	vld [tilespmem:s19+$0x169B0]  }
0x85: {  	v55 =	vmul.f32 v42, v59;
	v5 =	vadd.f32 v23, v20;
	v20 =	vadd.s32 $0x1388, v39;
	v42 =	vld.idx.msk [tilespmem:v60+s2+$0x0], $0xffff  }
0x86: {  	[tilespmem:$0x1FF00] =	vst v4;
	v4 =	vadd.s32 $0x2710, v39;
	v12 =	vld.idx.msk [tilespmem:v12+s2+$0x0], $0xffff  }
0x87: {  	v16 =	vadd.f32 $0.0e+00, v16;
	[tilespmem:$0x1FE70] =	vst v29;
	v60 =	vadd.s32 $0x3A98, v39;
	v29 =	vld.idx.msk [tilespmem:v31+s2+$0x0], $0xffff  }
0x88: {  	v61 =	vmul.f32 v40, v59;
	v40 =	vadd.s32 $0x61A8, v39;
	v31 =	vld.idx.msk [tilespmem:v17+s2+$0x0], $0xffff  }
0x89: {  	v16 =	vadd.f32 v34, v16;
	v27 =	vadd.f32 v44, v32;
	v32 =	vld.idx.msk [tilespmem:v39+s2+$0x0], $0xffff  }
0x8a: {  	v34 =	vmul.f32 v51, v59;
	v51 =	vmul.f32 v37, v59;
	[tilespmem:$0x1FEB0] =	vst v56;
	v56 =	vadd.s32 $0xC350, v0;
	v37 =	vld.idx.msk [tilespmem:v20+s2+$0x0], $0xffff  }
0x8b: {  	v0 =	vadd.s32 $0x124F8, v0;
	v35 =	vld.idx.msk [tilespmem:v4+s2+$0x0], $0xffff  }
0x8c: {  	v3 =	vadd.f32 v26, v3;
	v26 =	vadd.s32 $0xAFC8, v39;
	v7 =	vld.idx.msk [tilespmem:v60+s2+$0x0], $0xffff  }
0x8d: {  	[tilespmem:$0x1FEA0] =	vst v24;
	v46 =	vmul.f32 v46, v59;
	v24 =	vld.idx.msk [tilespmem:v40+s2+$0x0], $0xffff  }
0x8e: {  	v52 =	vmul.f32 v52, v59;
	v10 =	vadd.f32 v61, v10;
	v22 =	vadd.f32 v34, v22;
	v4 =	vld [tilespmem:$0x1FD30]  }
0x8f: {  	[tilespmem:$0x1FED0] =	vst v38;
	v61 =	vadd.s32 $0x4E20, v39;
	v17 =	vmul.f32 v49, v59;
	v49 =	vadd.s32 $0xEA60, v39;
	v38 =	vld.idx.msk [tilespmem:v56+s2+$0x0], $0xffff  }
0x90: {  	v15 =	vadd.f32 v57, v15;
	v56 =	vmul.f32 v43, v59;
	v34 =	vld.idx.msk [tilespmem:v0+s2+$0x0], $0xffff;
	v43 =	vmul.f32 v45, v59  }
0x91: {  	[tilespmem:$0x1FEF0] =	vst v12;
	v12 =	vadd.f32 v51, v28;
	v28 =	vadd.f32 v46, v33;
	v33 =	vld.idx.msk [tilespmem:v26+s2+$0x0], $0xffff  }
0x92: {  	v17 =	vadd.f32 v17, v1;
	v1 =	vadd.s32 $0xD6D8, v39;
	v8 =	vadd.f32 v43, v8;
	v43 =	vld [tilespmem:$0x1FCF0]  }
0x93: {  	v45 =	vadd.s32 $0x7530, v39;
	v11 =	vadd.f32 v56, v11;
	v56 =	vmul.f32 v47, v59;
	v47 =	vld [tilespmem:$0x1FD10]  }
0x94: {  	v57 =	vmul.f32 v48, v59;
	v51 =	vadd.s32 $0x88B8, v39;
	v59 =	vmul.f32 v53, v50;
	v26 =	vld.idx.msk [tilespmem:v49+s2+$0x0], $0xffff  }
0x95: {  	[tilespmem:$0x1FF10] =	vst v37;
	v37 =	vld.idx.msk [tilespmem:v61+s2+$0x0], $0xffff  }
0x96: {  	v9 =	vadd.f32 v14, v9;
	v14 =	vadd.f32 v59, v5;
	v59 =	vld [tilespmem:s19+$0x138F0]  }
0x97: {  	v61 =	vadd.s32 $0xC350, v39;
	v36 =	vld.idx.msk [tilespmem:v1+s2+$0x0], $0xffff  }
0x98: {  	v23 =	vadd.f32 v56, v13;
	v56 =	vadd.s32 $0xFDE8, v39;
	v60 =	vld.idx.msk [tilespmem:v45+s2+$0x0], $0xffff  }
0x99: {  	v40 =	vld.idx.msk [tilespmem:v51+s2+$0x0], $0xffff  }
0x9a: {  	v6 =	vadd.f32 v55, v6;
	v55 =	vadd.s32 $0x9C40, v39;
	v45 =	vld [tilespmem:$0x1FD00]  }
0x9b: {  	v44 =	vmul.f32 v43, v50;
	v48 =	vmul.f32 v47, v50;
	v47 =	vld [tilespmem:$0x1FD70]  }
0x9c: {  	v13 =	vadd.f32 v57, v2;
	v57 =	vld.idx.msk [tilespmem:v61+s2+$0x0], $0xffff  }
0x9d: {  	v5 =	vadd.f32 v44, v10;
	v44 =	vld.idx.msk [tilespmem:v56+s2+$0x0], $0xffff  }
0x9e: {  	v1 =	vmul.f32 v19, v50;
	v43 =	vadd.s32 $0x1388, v59;
	v56 =	vld [tilespmem:$0x1FD80]  }
0x9f: {  	[tilespmem:$0x1FF50] =	vst v40;
	v40 =	vld.idx.msk [tilespmem:v55+s2+$0x0], $0xffff  }
0xa0: {  	v19 =	vadd.f32 v1, v15;
	v1 =	vadd.s32 $0x2710, v59;
	[tilespmem:$0x1FF40] =	vst v60;
	v46 =	vmul.f32 v45, v50;
	v60 =	vld [tilespmem:$0x1FD20]  }
0xa1: {  	v21 =	vmul.f32 v21, v50;
	v45 =	vld [tilespmem:$0x1FD60]  }
0xa2: {  	[tilespmem:$0x1FEE0] =	vst v18;
	v49 =	vadd.s32 $0x3A98, v59;
	v18 =	vadd.f32 v46, v9;
	v9 =	vld [tilespmem:$0x1FD40]  }
0xa3: {  	v20 =	vadd.f32 v21, v22;
	v53 =	vld.idx.msk [tilespmem:v43+s2+$0x0], $0xffff  }
0xa4: {  	[tilespmem:$0x1FF30] =	vst v24;
	v24 =	vadd.f32 v48, v3;
	v22 =	vadd.s32 $0x4E20, v59;
	v48 =	vmul.f32 v47, v50;
	v43 =	vld [tilespmem:$0x1FD90]  }
0xa5: {  	v2 =	vadd.s32 $0x11170, v39;
	v39 =	vadd.s32 $0x124F8, v39;
	v1 =	vld.idx.msk [tilespmem:v1+s2+$0x0], $0xffff  }
0xa6: {  	v27 =	vadd.f32 v48, v27;
	v48 =	vld [tilespmem:$0x1FDB0]  }
0xa7: {  	v51 =	vadd.s32 $0x61A8, v59;
	v3 =	vld.idx.msk [tilespmem:v49+s2+$0x0], $0xffff  }
0xa8: {  	[tilespmem:$0x1FF60] =	vst v57;
	v57 =	vmul.f32 v56, v50;
	v56 =	vld [tilespmem:$0x1FDC0]  }
0xa9: {  	[tilespmem:$0x1FF20] =	vst v7;
	v7 =	vmul.f32 v4, v50;
	v4 =	vld.idx.msk [tilespmem:v22+s2+$0x0], $0xffff  }
0xaa: {  	v16 =	vadd.f32 v52, v16;
	v63 =	vmul.f32 v63, v50;
	v61 =	vmul.f32 v60, v50;
	v60 =	vld.idx.msk [tilespmem:v39+s2+$0x0], $0xffff  }
0xab: {  	v46 =	vmul.f32 v45, v50;
	v45 =	vld [tilespmem:$0x1FDA0]  }
0xac: {  	v39 =	vadd.f32 v63, v16;
	v63 =	vld.idx.msk [tilespmem:v51+s2+$0x0], $0xffff  }
0xad: {  	v49 =	vadd.s32 $0x9C40, v59;
	v16 =	vld [tilespmem:s19+$0x13900]  }
0xae: {  	v0 =	vmul.f32 v9, v50;
	v12 =	vadd.f32 v61, v12;
	v61 =	vld.idx.msk [tilespmem:v2+s2+$0x0], $0xffff  }
0xaf: {  	v9 =	vadd.f32 v7, v6;
	v6 =	vld [tilespmem:$0x1FE00]  }
0xb0: {  	v55 =	vadd.s32 $0x7530, v59;
	v52 =	vadd.f32 v0, v11;
	v0 =	vld [tilespmem:s19+$0x169C0]  }
0xb1: {  	v47 =	vadd.s32 $0x88B8, v59;
	v7 =	vadd.f32 v46, v8;
	[tilespmem:$0x1FFA0] =	vst v1;
	v1 =	vmul.f32 v48, v50;
	v48 =	vld [tilespmem:$0x1FDF0]  }
0xb2: {  	[tilespmem:$0x1FF80] =	vst v44;
	v44 =	vmul.f32 v43, v50;
	v43 =	vadd.s32 $0xAFC8, v59;
	v49 =	vld.idx.msk [tilespmem:v49+s2+$0x0], $0xffff;
	v46 =	vmul.f32 v45, v50  }
0xb3: {  	v45 =	vadd.s32 $0xC350, v59;
	v50 =	vld [tilespmem:$0x1FDD0]  }
0xb4: {  	v28 =	vadd.f32 v57, v28;
	v13 =	vadd.f32 v46, v13;
	v46 =	vld [tilespmem:$0x1FDE0]  }
0xb5: {  	v10 =	vadd.f32 v44, v23;
	v57 =	vmul.f32 v56, v0;
	v44 =	vmul.f32 v62, v0;
	v62 =	vld.idx.msk [tilespmem:v55+s2+$0x0], $0xffff  }
0xb6: {  	[tilespmem:$0x1FF90] =	vst v53;
	v53 =	vmul.f32 v58, v0;
	v58 =	vld.idx.msk [tilespmem:v47+s2+$0x0], $0xffff  }
0xb7: {  	v15 =	vadd.f32 v57, v5;
	v57 =	vld.idx.msk [tilespmem:v43+s2+$0x0], $0xffff  }
0xb8: {  	v8 =	vmul.f32 v6, v0;
	v43 =	vld.idx.msk [tilespmem:v45+s2+$0x0], $0xffff  }
0xb9: {  	v51 =	vmul.f32 v50, v0;
	v50 =	vadd.s32 $0xEA60, v59;
	v45 =	vld [tilespmem:$0x1FE20]  }
0xba: {  	v21 =	vadd.f32 v1, v17;
	v1 =	vmul.f32 v48, v0;
	v17 =	vadd.f32 v8, v52;
	v52 =	vld.idx.msk [tilespmem:v59+s2+$0x0], $0xffff  }
0xbb: {  	v18 =	vadd.f32 v44, v18;
	v44 =	vadd.s32 $0xFDE8, v59;
	v5 =	vld [tilespmem:$0x1FE40];
	v47 =	vmul.f32 v46, v0  }
0xbc: {  	v46 =	vld [tilespmem:$0x1FE30]  }
0xbd: {  	[tilespmem:$0x1FF70] =	vst v26;
	v26 =	vadd.f32 v47, v12;
	v12 =	vadd.f32 v1, v9;
	v9 =	vld [tilespmem:$0x1FE10]  }
0xbe: {  	v20 =	vadd.f32 v53, v20;
	v53 =	vld.idx.msk [tilespmem:v50+s2+$0x0], $0xffff  }
0xbf: {  	v50 =	vld [tilespmem:$0x1FE80]  }
0xc0: {  	[tilespmem:$0x1FFD0] =	vst v49;
	v47 =	vadd.s32 $0x11170, v59;
	v49 =	vld.idx.msk [tilespmem:v44+s2+$0x0], $0xffff  }
0xc1: {  	v55 =	vadd.s32 $0xD6D8, v59;
	[tilespmem:$0x1FFE0] =	vst v43;
	v43 =	vadd.s32 $0x124F8, v59;
	v59 =	vld [tilespmem:$0x1FE90];
	v2 =	vmul.f32 v46, v0  }
0xc2: {  	v44 =	vld [tilespmem:$0x1FEC0]  }
0xc3: {  	v22 =	vadd.f32 v51, v24;
	v24 =	vadd.s32 $0x1388, v16;
	v23 =	vadd.f32 v2, v27;
	v27 =	vld [tilespmem:s19+$0x169D0]  }
0xc4: {  	v11 =	vmul.f32 v9, v0;
	v9 =	vld [tilespmem:$0x1FE50]  }
0xc5: {  	v46 =	vld.idx.msk [tilespmem:v47+s2+$0x0], $0xffff  }
0xc6: {  	v25 =	vmul.f32 v25, v0;
	v6 =	vadd.f32 v11, v19;
	v11 =	vld [tilespmem:$0x1FE60]  }
0xc7: {  	[tilespmem:$0x1FFB0] =	vst v3;
	v3 =	vadd.s32 $0x2710, v16;
	v47 =	vld [tilespmem:$0x1FE70]  }
0xc8: {  	v25 =	vadd.f32 v25, v14;
	v14 =	vadd.s32 $0x3A98, v16;
	v1 =	vmul.f32 v45, v0;
	v56 =	vld.idx.msk [tilespmem:v24+s2+$0x0], $0xffff  }
0xc9: {  	[tilespmem:$0x1FFC0] =	vst v4;
	v4 =	vadd.s32 $0x4E20, v16;
	v30 =	vmul.f32 v30, v0;
	v8 =	vmul.f32 v5, v0;
	v24 =	vld [tilespmem:$0x1FEB0]  }
0xca: {  	v7 =	vadd.f32 v1, v7;
	v45 =	vld.idx.msk [tilespmem:v43+s2+$0x0], $0xffff;
	v1 =	vmul.f32 v9, v0;
	v48 =	vmul.f32 v54, v27  }
0xcb: {  	v43 =	vadd.s32 $0x61A8, v16;
	v51 =	vmul.f32 v50, v27;
	v50 =	vld [tilespmem:$0x1FED0];
	v2 =	vmul.f32 v11, v0  }
0xcc: {  	v39 =	vadd.f32 v1, v39;
	v0 =	vmul.f32 v47, v0;
	v1 =	vmul.f32 v59, v27;
	v59 =	vld.idx.msk [tilespmem:v3+s2+$0x0], $0xffff  }
0xcd: {  	v47 =	vld.idx.msk [tilespmem:v14+s2+$0x0], $0xffff  }
0xce: {  	v3 =	vadd.s32 $0x88B8, v16;
	v5 =	vadd.f32 v0, v21;
	v21 =	vadd.f32 v48, v25;
	v48 =	vld.idx.msk [tilespmem:v4+s2+$0x0], $0xffff  }
0xcf: {  	v14 =	vadd.s32 $0x9C40, v16;
	v15 =	vadd.f32 v51, v15;
	v4 =	vld [tilespmem:$0x1FEA0]  }
0xd0: {  	v9 =	vadd.f32 v2, v10;
	v10 =	vadd.f32 v30, v13;
	v30 =	vld.idx.msk [tilespmem:v43+s2+$0x0], $0xffff;
	v43 =	vadd.s32 $0xAFC8, v16  }
0xd1: {  	v51 =	vld [tilespmem:$0x1FEE0];
	v11 =	vadd.f32 v1, v18;
	v0 =	vmul.f32 v44, v27;
	v1 =	vmul.f32 v50, v27  }
0xd2: {  	v28 =	vadd.f32 v8, v28;
	v25 =	vmul.f32 v24, v27;
	v24 =	vld [tilespmem:$0x1FEF0]  }
0xd3: {  	v50 =	vld.idx.msk [tilespmem:v3+s2+$0x0], $0xffff;
	v3 =	vadd.f32 v0, v26;
	v18 =	vadd.f32 v1, v12  }
0xd4: {  	v26 =	vld [tilespmem:$0x1FF00];
	v12 =	vmul.f32 v29, v27;
	v29 =	vadd.s32 $0x11170, v16;
	v8 =	vmul.f32 v4, v27  }
0xd5: {  	v44 =	vld.idx.msk [tilespmem:v43+s2+$0x0], $0xffff  }
0xd6: {  	v2 =	vadd.s32 $0xC350, v16;
	v4 =	vadd.f32 v8, v22;
	v8 =	vmul.f32 v51, v27;
	v51 =	vld.idx.msk [tilespmem:v14+s2+$0x0], $0xffff  }
0xd7: {  	v22 =	vld [tilespmem:s19+$0x13910]  }
0xd8: {  	v14 =	vadd.s32 $0xD6D8, v16;
	v19 =	vadd.f32 v8, v17;
	v17 =	vld [tilespmem:s19+$0x169E0]  }
0xd9: {  	v20 =	vadd.f32 v25, v20;
	v25 =	vmul.f32 v24, v27;
	v8 =	vmul.f32 v42, v27;
	v42 =	vld.idx.msk [tilespmem:v29+s2+$0x0], $0xffff  }
0xda: {  	v54 =	vadd.s32 $0x7530, v16;
	v38 =	vmul.f32 v38, v27;
	v0 =	vadd.s32 $0xEA60, v16;
	v29 =	vld [tilespmem:$0x1FF30]  }
0xdb: {  	v1 =	vmul.f32 v31, v27;
	v43 =	vld.idx.msk [tilespmem:v2+s2+$0x0], $0xffff;
	v13 =	vadd.f32 v25, v6;
	v6 =	vmul.f32 v41, v27  }
0xdc: {  	[tilespmem:$0x1FFF0] =	vst v30;
	v2 =	vadd.s32 $0xFDE8, v16;
	v25 =	vld.idx.msk [tilespmem:v16+s2+$0x0], $0xffff;
	v30 =	vmul.f32 v26, v27;
	v27 =	vmul.f32 v34, v27  }
0xdd: {  	v24 =	vadd.f32 v38, v23;
	v23 =	vadd.f32 v12, v28;
	v31 =	vld.idx.msk [tilespmem:v14+s2+$0x0], $0xffff;
	v14 =	vadd.s32 $0x1388, v22  }
0xde: {  	v28 =	vadd.f32 v6, v39;
	v6 =	vld [tilespmem:$0x1FF10];
	v12 =	vadd.f32 v27, v5;
	v5 =	vmul.f32 v32, v17  }
0xdf: {  	v16 =	vadd.s32 $0x124F8, v16;
	v38 =	vld.idx.msk [tilespmem:v0+s2+$0x0], $0xffff;
	v7 =	vadd.f32 v30, v7;
	v30 =	vmul.f32 v29, v17  }
0xe0: {  	v21 =	vadd.f32 v5, v21;
	v5 =	vld [tilespmem:$0x1FF20]  }
0xe1: {  	v27 =	vadd.f32 v30, v3;
	v30 =	vld [tilespmem:$0x1FF50]  }
0xe2: {  	v34 =	vld.idx.msk [tilespmem:v14+s2+$0x0], $0xffff;
	v14 =	vadd.s32 $0x7530, v22  }
0xe3: {  	v9 =	vadd.f32 v8, v9;
	v0 =	vadd.s32 $0x4E20, v22;
	v8 =	vmul.f32 v6, v17;
	v29 =	vld [tilespmem:$0x1FF40]  }
0xe4: {  	v35 =	vmul.f32 v35, v17;
	v32 =	vld.idx.msk [tilespmem:v16+s2+$0x0], $0xffff;
	v16 =	vadd.s32 $0x61A8, v22  }
0xe5: {  	v55 =	vld.idx.msk [tilespmem:v55+s2+$0x0], $0xffff;
	v15 =	vadd.f32 v8, v15;
	v6 =	vmul.f32 v5, v17  }
0xe6: {  	v54 =	vld.idx.msk [tilespmem:v54+s2+$0x0], $0xffff;
	v11 =	vadd.f32 v35, v11;
	v35 =	vmul.f32 v37, v17;
	v26 =	vmul.f32 v30, v17  }
0xe7: {  	v30 =	vmul.f32 v33, v17;
	v33 =	vld.idx.msk [tilespmem:v14+s2+$0x0], $0xffff;
	v8 =	vadd.f32 v6, v4;
	v4 =	vadd.s32 $0x88B8, v22  }
0xe8: {  	v6 =	vadd.f32 v35, v20;
	v20 =	vmul.f32 v29, v17;
	v35 =	vld.idx.msk [tilespmem:v0+s2+$0x0], $0xffff  }
0xe9: {  	v29 =	vmul.f32 v40, v17;
	v40 =	vld.idx.msk [tilespmem:v16+s2+$0x0], $0xffff  }
0xea: {  	v16 =	vadd.f32 v20, v18;
	v18 =	vld [tilespmem:s19+$0x169F0]  }
0xeb: {  	v5 =	vadd.s32 $0x9C40, v22;
	v20 =	vld [tilespmem:$0x1FF60]  }
0xec: {  	v0 =	vmul.f32 v36, v17;
	v36 =	vld.idx.msk [tilespmem:v4+s2+$0x0], $0xffff  }
0xed: {  	v14 =	vadd.s32 $0xAFC8, v22;
	v4 =	vld [tilespmem:$0x1FF70]  }
0xee: {  	v41 =	vld.idx.msk [tilespmem:v2+s2+$0x0], $0xffff  }
0xef: {  	v3 =	vld [tilespmem:s19+$0x16A10]  }
0xf0: {  	v19 =	vadd.f32 v26, v19;
	v7 =	vadd.f32 v30, v7;
	v30 =	vld.idx.msk [tilespmem:v5+s2+$0x0], $0xffff;
	v26 =	vmul.f32 v20, v17  }
0xf1: {  	v39 =	vadd.s32 $0x2710, v22;
	v20 =	vld [tilespmem:$0x1FF80];
	v63 =	vmul.f32 v63, v18  }
0xf2: {  	v24 =	vadd.f32 v26, v24;
	v26 =	vmul.f32 v60, v17;
	v60 =	vld.idx.msk [tilespmem:v14+s2+$0x0], $0xffff;
	v4 =	vmul.f32 v4, v17  }
0xf3: {  	v2 =	vadd.s32 $0x3A98, v22;
	v52 =	vmul.f32 v52, v18;
	v63 =	vadd.f32 v63, v27;
	v27 =	vld [tilespmem:$0x1FFE0]  }
0xf4: {  	v28 =	vadd.f32 v4, v28;
	v4 =	vld [tilespmem:$0x1FF90]  }
0xf5: {  	v10 =	vadd.f32 v1, v10;
	v5 =	vadd.s32 $0xD6D8, v22;
	v14 =	vadd.f32 v52, v21;
	v52 =	vld [tilespmem:$0x1FFA0]  }
0xf6: {  	v23 =	vadd.f32 v0, v23;
	v0 =	vmul.f32 v61, v17;
	v1 =	vmul.f32 v20, v17;
	v17 =	vld [tilespmem:s19+$0x13920]  }
0xf7: {  	v39 =	vld.idx.msk [tilespmem:v39+s2+$0x0], $0xffff  }
0xf8: {  	v37 =	vld.idx.msk [tilespmem:v2+s2+$0x0], $0xffff;
	v2 =	vadd.s32 $0xC350, v22;
	v20 =	vadd.f32 v1, v9  }
0xf9: {  	v9 =	vadd.f32 v0, v10;
	v0 =	vld [tilespmem:s19+$0x16A00];
	v27 =	vmul.f32 v27, v18;
	v10 =	vmul.f32 v4, v18  }
0xfa: {  	v34 =	vmul.f32 v34, v3;
	v12 =	vadd.f32 v26, v12;
	v26 =	vld.idx.msk [tilespmem:v5+s2+$0x0], $0xffff;
	v1 =	vmul.f32 v52, v18  }
0xfb: {  	v24 =	vadd.f32 v27, v24;
	v27 =	vadd.s32 $0x7530, v17;
	v52 =	vadd.f32 v10, v15;
	v10 =	vld [tilespmem:$0x1FFB0]  }
0xfc: {  	v46 =	vmul.f32 v46, v18;
	v5 =	vadd.f32 v1, v11;
	v11 =	vld [tilespmem:$0x1FFC0];
	v4 =	vadd.s32 $0xFDE8, v22  }
0xfd: {  	v39 =	vmul.f32 v39, v3;
	v13 =	vadd.f32 v29, v13;
	v29 =	vld.idx.msk [tilespmem:v2+s2+$0x0], $0xffff;
	v2 =	vadd.s32 $0xEA60, v22  }
0xfe: {  	v61 =	vld.idx.msk [tilespmem:v22+s2+$0x0], $0xffff;
	v21 =	vadd.s32 $0x11170, v22;
	v46 =	vadd.f32 v46, v9;
	v9 =	vmul.f32 v56, v0  }
0xff: {  	v56 =	vmul.f32 v59, v0;
	v59 =	vmul.f32 v48, v0;
	v48 =	vld [tilespmem:s19+$0x13930]  }
0x100: {  	v35 =	vmul.f32 v35, v3;
	v27 =	vld.idx.msk [tilespmem:v27+s2+$0x0], $0xffff;
	v15 =	vmul.f32 v10, v18  }
0x101: {  	v55 =	vmul.f32 v55, v18;
	v11 =	vmul.f32 v11, v18;
	v10 =	vld.idx.msk [tilespmem:v4+s2+$0x0], $0xffff;
	v4 =	vadd.s32 $0x1388, v17  }
0x102: {  	v15 =	vadd.f32 v15, v8;
	v8 =	vmul.f32 v62, v18;
	v62 =	vmul.f32 v58, v18;
	v58 =	vld.idx.msk [tilespmem:v2+s2+$0x0], $0xffff  }
0x103: {  	v53 =	vmul.f32 v53, v18;
	v45 =	vmul.f32 v45, v18;
	v2 =	vadd.f32 v11, v6;
	v11 =	vld.idx.msk [tilespmem:v21+s2+$0x0], $0xffff  }
0x104: {  	v23 =	vadd.f32 v55, v23;
	v22 =	vadd.s32 $0x124F8, v22;
	v52 =	vadd.f32 v9, v52;
	v21 =	vld [tilespmem:$0x1FFD0]  }
0x105: {  	v36 =	vmul.f32 v36, v3;
	v1 =	vadd.s32 $0x4E20, v17;
	v62 =	vadd.f32 v62, v19;
	v19 =	vld [tilespmem:s19+$0x16A20]  }
0x106: {  	v34 =	vadd.f32 v34, v52;
	v52 =	vadd.s32 $0xD6D8, v48;
	v2 =	vadd.f32 v59, v2;
	v59 =	vld [tilespmem:$0x1FFF0]  }
0x107: {  	v28 =	vadd.f32 v53, v28;
	v50 =	vmul.f32 v50, v0;
	v6 =	vadd.f32 v8, v16;
	v55 =	vld.idx.msk [tilespmem:v4+s2+$0x0], $0xffff  }
0x108: {  	v16 =	vadd.s32 $0x2710, v17;
	v4 =	vmul.f32 v49, v18;
	v35 =	vadd.f32 v35, v2;
	v2 =	vld [tilespmem:s19+$0x16A40]  }
0x109: {  	v50 =	vadd.f32 v50, v62;
	v8 =	vmul.f32 v21, v18;
	v21 =	vmul.f32 v57, v18;
	v57 =	vld.idx.msk [tilespmem:v22+s2+$0x0], $0xffff  }
0x10a: {  	v38 =	vmul.f32 v38, v0;
	v22 =	vadd.s32 $0x3A98, v17;
	v53 =	vadd.f32 v4, v20;
	v4 =	vld.idx.msk [tilespmem:v1+s2+$0x0], $0xffff  }
0x10b: {  	v41 =	vmul.f32 v41, v0;
	v1 =	vadd.s32 $0xAFC8, v17;
	v36 =	vadd.f32 v36, v50;
	v50 =	vld.idx.msk [tilespmem:v52+s2+$0x0], $0xffff  }
0x10c: {  	v8 =	vadd.f32 v8, v13;
	v21 =	vadd.f32 v21, v7;
	v7 =	vld.idx.msk [tilespmem:v17+s2+$0x0], $0xffff;
	v13 =	vadd.s32 $0x61A8, v17  }
0x10d: {  	v25 =	vmul.f32 v25, v0;
	v44 =	vmul.f32 v44, v0;
	v49 =	vld.idx.msk [tilespmem:v16+s2+$0x0], $0xffff;
	v16 =	vadd.s32 $0x88B8, v17  }
0x10e: {  	v28 =	vadd.f32 v38, v28;
	v38 =	vadd.f32 v41, v53;
	v41 =	vld.idx.msk [tilespmem:v48+s2+$0x0], $0xffff;
	v53 =	vadd.s32 $0x61A8, v48  }
0x10f: {  	v47 =	vmul.f32 v47, v0;
	v21 =	vadd.f32 v44, v21;
	v44 =	vadd.s32 $0x2710, v48;
	v18 =	vld.idx.msk [tilespmem:v22+s2+$0x0], $0xffff  }
0x110: {  	v54 =	vmul.f32 v54, v0;
	v5 =	vadd.f32 v56, v5;
	v56 =	vmul.f32 v59, v0;
	v9 =	vld.idx.msk [tilespmem:v1+s2+$0x0], $0xffff  }
0x111: {  	v43 =	vmul.f32 v43, v0;
	v25 =	vadd.f32 v25, v14;
	v22 =	vadd.s32 $0x9C40, v17;
	v20 =	vld.idx.msk [tilespmem:v13+s2+$0x0], $0xffff  }
0x112: {  	v56 =	vadd.f32 v56, v63;
	v63 =	vmul.f32 v51, v0;
	v1 =	vadd.s32 $0x11170, v17;
	v14 =	vld.idx.msk [tilespmem:v16+s2+$0x0], $0xffff  }
0x113: {  	v31 =	vmul.f32 v31, v0;
	v5 =	vadd.f32 v39, v5;
	v39 =	vld.idx.msk [tilespmem:v53+s2+$0x0], $0xffff;
	v49 =	vmul.f32 v49, v19  }
0x114: {  	v8 =	vadd.f32 v63, v8;
	v63 =	vmul.f32 v42, v0;
	v42 =	vadd.s32 $0x4E20, v48;
	v44 =	vld.idx.msk [tilespmem:v44+s2+$0x0], $0xffff  }
0x115: {  	v0 =	vmul.f32 v32, v0;
	v32 =	vadd.s32 $0x7530, v48;
	v5 =	vadd.f32 v49, v5;
	v49 =	vld [tilespmem:s19+$0x13950]  }
0x116: {  	v45 =	vadd.f32 v45, v12;
	v13 =	vadd.s32 $0xC350, v17;
	v12 =	vld.idx.msk [tilespmem:v22+s2+$0x0], $0xffff  }
0x117: {  	v24 =	vadd.f32 v43, v24;
	v15 =	vadd.f32 v47, v15;
	v47 =	vadd.s32 $0xFDE8, v17;
	v43 =	vld.idx.msk [tilespmem:v1+s2+$0x0], $0xffff  }
0x118: {  	v16 =	vadd.s32 $0xD6D8, v17;
	v1 =	vld [tilespmem:s19+$0x16A30]  }
0x119: {  	v22 =	vadd.s32 $0xEA60, v17;
	v42 =	vld.idx.msk [tilespmem:v42+s2+$0x0], $0xffff  }
0x11a: {  	v62 =	vadd.s32 $0x1388, v48;
	v32 =	vld.idx.msk [tilespmem:v32+s2+$0x0], $0xffff  }
0x11b: {  	v37 =	vmul.f32 v37, v3;
	v60 =	vmul.f32 v60, v3;
	v59 =	vld.idx.msk [tilespmem:v13+s2+$0x0], $0xffff;
	v13 =	vadd.s32 $0x124F8, v17  }
0x11c: {  	v26 =	vmul.f32 v26, v3;
	v23 =	vadd.f32 v31, v23;
	v17 =	vld.idx.msk [tilespmem:v47+s2+$0x0], $0xffff;
	v47 =	vadd.s32 $0x3A98, v48  }
0x11d: {  	v52 =	vmul.f32 v10, v3;
	v51 =	vadd.f32 v54, v6;
	v54 =	vadd.s32 $0x88B8, v48;
	v16 =	vld.idx.msk [tilespmem:v16+s2+$0x0], $0xffff  }
0x11e: {  	v23 =	vadd.f32 v26, v23;
	v31 =	vadd.f32 v63, v46;
	v63 =	vadd.s32 $0x9C40, v48;
	v6 =	vld.idx.msk [tilespmem:v22+s2+$0x0], $0xffff  }
0x11f: {  	v15 =	vadd.f32 v37, v15;
	v27 =	vmul.f32 v27, v19;
	v38 =	vadd.f32 v52, v38;
	v22 =	vld.idx.msk [tilespmem:v62+s2+$0x0], $0xffff  }
0x120: {  	v4 =	vmul.f32 v4, v19;
	v46 =	vadd.s32 $0xAFC8, v48;
	v62 =	vmul.f32 v61, v3;
	v13 =	vld.idx.msk [tilespmem:v13+s2+$0x0], $0xffff  }
0x121: {  	v53 =	vadd.s32 $0xEA60, v48;
	v0 =	vadd.f32 v0, v45;
	v61 =	vmul.f32 v40, v3;
	v45 =	vld.idx.msk [tilespmem:v47+s2+$0x0], $0xffff  }
0x122: {  	v40 =	vadd.s32 $0xC350, v48;
	v25 =	vadd.f32 v62, v25;
	v62 =	vmul.f32 v33, v3;
	v33 =	vld.idx.msk [tilespmem:v54+s2+$0x0], $0xffff  }
0x123: {  	v37 =	vadd.f32 v61, v56;
	v47 =	vld.idx.msk [tilespmem:v63+s2+$0x0], $0xffff;
	v63 =	vmul.f32 v30, v3;
	v30 =	vadd.s32 $0xFDE8, v48  }
0x124: {  	v54 =	vld [tilespmem:s19+$0x13940];
	v56 =	vadd.s32 $0x11170, v48;
	v61 =	vmul.f32 v29, v3;
	v51 =	vadd.f32 v62, v51  }
0x125: {  	v46 =	vld.idx.msk [tilespmem:v46+s2+$0x0], $0xffff;
	v8 =	vadd.f32 v63, v8;
	v62 =	vadd.s32 $0x124F8, v48;
	v63 =	vmul.f32 v58, v3  }
0x126: {  	v21 =	vadd.f32 v60, v21;
	v58 =	vmul.f32 v11, v3;
	v11 =	vld.idx.msk [tilespmem:v53+s2+$0x0], $0xffff;
	v3 =	vmul.f32 v57, v3  }
0x127: {  	v7 =	vmul.f32 v7, v19;
	v4 =	vadd.f32 v4, v35;
	v29 =	vld.idx.msk [tilespmem:v40+s2+$0x0], $0xffff;
	v26 =	vadd.f32 v63, v28  }
0x128: {  	v41 =	vmul.f32 v41, v1;
	v10 =	vadd.f32 v58, v31;
	v0 =	vadd.f32 v3, v0;
	v28 =	vld.idx.msk [tilespmem:v30+s2+$0x0], $0xffff  }
0x129: {  	v3 =	vadd.f32 v7, v25;
	v60 =	vadd.s32 $0x1388, v54;
	v31 =	vld.idx.msk [tilespmem:v56+s2+$0x0], $0xffff;
	v13 =	vmul.f32 v13, v19  }
0x12a: {  	v18 =	vmul.f32 v18, v19;
	v24 =	vadd.f32 v61, v24;
	v61 =	vadd.s32 $0x2710, v54;
	v40 =	vld.idx.msk [tilespmem:v62+s2+$0x0], $0xffff  }
0x12b: {  	v58 =	vadd.s32 $0x3A98, v54;
	v0 =	vadd.f32 v13, v0;
	v13 =	vadd.f32 v41, v3;
	v3 =	vld [tilespmem:s19+$0x16A50]  }
0x12c: {  	v9 =	vmul.f32 v9, v19;
	v20 =	vmul.f32 v20, v19;
	v63 =	vadd.s32 $0x61A8, v54;
	v41 =	vld.idx.msk [tilespmem:v49+s2+$0x0], $0xffff  }
0x12d: {  	v15 =	vadd.f32 v18, v15;
	v14 =	vmul.f32 v14, v19;
	v57 =	vadd.s32 $0xC350, v54;
	v7 =	vld.idx.msk [tilespmem:v54+s2+$0x0], $0xffff  }
0x12e: {  	v9 =	vadd.f32 v9, v21;
	v62 =	vmul.f32 v55, v19;
	v55 =	vadd.s32 $0x4E20, v54;
	v30 =	vld.idx.msk [tilespmem:v60+s2+$0x0], $0xffff  }
0x12f: {  	v14 =	vadd.f32 v14, v36;
	v12 =	vmul.f32 v12, v19;
	v60 =	vadd.s32 $0x7530, v54;
	v48 =	vld.idx.msk [tilespmem:v61+s2+$0x0], $0xffff  }
0x130: {  	v43 =	vmul.f32 v43, v19;
	v39 =	vmul.f32 v39, v1;
	v61 =	vadd.s32 $0x88B8, v54;
	v52 =	vld.idx.msk [tilespmem:v58+s2+$0x0], $0xffff  }
0x131: {  	v42 =	vmul.f32 v42, v1;
	v34 =	vadd.f32 v62, v34;
	v62 =	vadd.s32 $0x9C40, v54;
	v25 =	vld.idx.msk [tilespmem:v63+s2+$0x0], $0xffff  }
0x132: {  	v20 =	vadd.f32 v20, v37;
	v58 =	vmul.f32 v59, v19;
	v59 =	vadd.s32 $0xD6D8, v54;
	v37 =	vld.idx.msk [tilespmem:v57+s2+$0x0], $0xffff  }
0x133: {  	v32 =	vmul.f32 v32, v1;
	v17 =	vmul.f32 v17, v19;
	v57 =	vadd.s32 $0x2710, v49;
	v18 =	vld.idx.msk [tilespmem:v55+s2+$0x0], $0xffff  }
0x134: {  	v6 =	vmul.f32 v6, v19;
	v27 =	vadd.f32 v27, v51;
	v63 =	vadd.s32 $0xAFC8, v54;
	v36 =	vld.idx.msk [tilespmem:v60+s2+$0x0], $0xffff  }
0x135: {  	v21 =	vadd.f32 v58, v24;
	v55 =	vadd.s32 $0x1388, v49;
	v58 =	vmul.f32 v45, v1;
	v51 =	vld.idx.msk [tilespmem:v61+s2+$0x0], $0xffff  }
0x136: {  	v4 =	vadd.f32 v42, v4;
	v6 =	vadd.f32 v6, v26;
	v60 =	vmul.f32 v16, v19;
	v16 =	vld.idx.msk [tilespmem:v62+s2+$0x0], $0xffff  }
0x137: {  	v7 =	vmul.f32 v7, v2;
	v15 =	vadd.f32 v58, v15;
	v58 =	vadd.s32 $0xAFC8, v49;
	v26 =	vld.idx.msk [tilespmem:v59+s2+$0x0], $0xffff  }
0x138: {  	v8 =	vadd.f32 v12, v8;
	v41 =	vmul.f32 v41, v3;
	v61 =	vadd.s32 $0xEA60, v54;
	v35 =	vld.idx.msk [tilespmem:v57+s2+$0x0], $0xffff  }
0x139: {  	v62 =	vadd.s32 $0xFDE8, v54;
	v7 =	vadd.f32 v7, v13;
	v12 =	vadd.f32 v60, v23;
	v23 =	vld.idx.msk [tilespmem:v63+s2+$0x0], $0xffff  }
0x13a: {  	v17 =	vadd.f32 v17, v38;
	v11 =	vmul.f32 v11, v1;
	v59 =	vadd.s32 $0x3A98, v49;
	v24 =	vld.idx.msk [tilespmem:v55+s2+$0x0], $0xffff  }
0x13b: {  	v53 =	vadd.s32 $0x11170, v49;
	v63 =	vadd.s32 $0x11170, v54;
	v7 =	vadd.f32 v41, v7;
	v41 =	vld [tilespmem:s19+$0x13970]  }
0x13c: {  	v6 =	vadd.f32 v11, v6;
	v54 =	vadd.s32 $0x124F8, v54;
	v55 =	vmul.f32 v46, v1;
	v11 =	vld.idx.msk [tilespmem:v58+s2+$0x0], $0xffff  }
0x13d: {  	v22 =	vmul.f32 v22, v1;
	v20 =	vadd.f32 v39, v20;
	v60 =	vadd.s32 $0x4E20, v49;
	v38 =	vld.idx.msk [tilespmem:v61+s2+$0x0], $0xffff  }
0x13e: {  	v56 =	vmul.f32 v44, v1;
	v9 =	vadd.f32 v55, v9;
	v55 =	vadd.s32 $0x124F8, v49;
	v19 =	vld.idx.msk [tilespmem:v62+s2+$0x0], $0xffff  }
0x13f: {  	v33 =	vmul.f32 v33, v1;
	v47 =	vmul.f32 v47, v1;
	v61 =	vadd.s32 $0x61A8, v49;
	v44 =	vld.idx.msk [tilespmem:v59+s2+$0x0], $0xffff  }
0x140: {  	v10 =	vadd.f32 v43, v10;
	v22 =	vadd.f32 v22, v34;
	v62 =	vadd.s32 $0x7530, v49;
	v34 =	vld.idx.msk [tilespmem:v63+s2+$0x0], $0xffff  }
0x141: {  	v27 =	vadd.f32 v32, v27;
	v5 =	vadd.f32 v56, v5;
	v56 =	vadd.s32 $0x9C40, v49;
	v43 =	vld.idx.msk [tilespmem:v54+s2+$0x0], $0xffff  }
0x142: {  	v14 =	vadd.f32 v33, v14;
	v29 =	vmul.f32 v29, v1;
	v57 =	vmul.f32 v50, v1;
	v33 =	vld.idx.msk [tilespmem:v60+s2+$0x0], $0xffff  }
0x143: {  	v8 =	vadd.f32 v47, v8;
	v28 =	vmul.f32 v28, v1;
	v59 =	vadd.s32 $0xC350, v49;
	v39 =	vld.idx.msk [tilespmem:v55+s2+$0x0], $0xffff  }
0x144: {  	v21 =	vadd.f32 v29, v21;
	v12 =	vadd.f32 v57, v12;
	v57 =	vmul.f32 v52, v2;
	v42 =	vld.idx.msk [tilespmem:v61+s2+$0x0], $0xffff  }
0x145: {  	v58 =	vmul.f32 v18, v2;
	v63 =	vadd.s32 $0x88B8, v49;
	v23 =	vmul.f32 v23, v2;
	v29 =	vld.idx.msk [tilespmem:v62+s2+$0x0], $0xffff  }
0x146: {  	v36 =	vmul.f32 v36, v2;
	v60 =	vadd.s32 $0xD6D8, v49;
	v61 =	vmul.f32 v31, v1;
	v31 =	vld.idx.msk [tilespmem:v56+s2+$0x0], $0xffff  }
0x147: {  	v9 =	vadd.f32 v23, v9;
	v11 =	vmul.f32 v11, v3;
	v1 =	vmul.f32 v40, v1;
	v40 =	vld [tilespmem:s19+$0x13960]  }
0x148: {  	v17 =	vadd.f32 v28, v17;
	v16 =	vmul.f32 v16, v2;
	v54 =	vmul.f32 v30, v2;
	v30 =	vld.idx.msk [tilespmem:v59+s2+$0x0], $0xffff  }
0x149: {  	v26 =	vmul.f32 v26, v2;
	v13 =	vadd.f32 v57, v15;
	v9 =	vadd.f32 v11, v9;
	v11 =	vld [tilespmem:s19+$0x16A70]  }
0x14a: {  	v4 =	vadd.f32 v58, v4;
	v62 =	vadd.s32 $0xEA60, v49;
	v59 =	vmul.f32 v25, v2;
	v32 =	vld.idx.msk [tilespmem:v63+s2+$0x0], $0xffff  }
0x14b: {  	v27 =	vadd.f32 v36, v27;
	v8 =	vadd.f32 v16, v8;
	v63 =	vadd.s32 $0xFDE8, v49;
	v47 =	vld.idx.msk [tilespmem:v60+s2+$0x0], $0xffff  }
0x14c: {  	v50 =	vadd.s32 $0x1388, v41;
	v44 =	vmul.f32 v44, v3;
	v18 =	vadd.f32 v59, v20;
	v20 =	vld.idx.msk [tilespmem:v53+s2+$0x0], $0xffff  }
0x14d: {  	v35 =	vmul.f32 v35, v3;
	v12 =	vadd.f32 v26, v12;
	v1 =	vadd.f32 v1, v0;
	v0 =	vld [tilespmem:s19+$0x16A60]  }
0x14e: {  	v24 =	vmul.f32 v24, v3;
	v13 =	vadd.f32 v44, v13;
	v44 =	vld.idx.msk [tilespmem:v41+s2+$0x0], $0xffff;
	v60 =	vadd.s32 $0x1388, v40  }
0x14f: {  	v22 =	vadd.f32 v54, v22;
	v10 =	vadd.f32 v61, v10;
	v25 =	vld.idx.msk [tilespmem:v62+s2+$0x0], $0xffff;
	v61 =	vadd.s32 $0x2710, v40  }
0x150: {  	v55 =	vmul.f32 v37, v2;
	v56 =	vmul.f32 v48, v2;
	v52 =	vadd.s32 $0x4E20, v40;
	v15 =	vld.idx.msk [tilespmem:v63+s2+$0x0], $0xffff  }
0x151: {  	v38 =	vmul.f32 v38, v2;
	v53 =	vadd.s32 $0x61A8, v40;
	v49 =	vmul.f32 v32, v3;
	v32 =	vld.idx.msk [tilespmem:v50+s2+$0x0], $0xffff  }
0x152: {  	v19 =	vmul.f32 v19, v2;
	v21 =	vadd.f32 v55, v21;
	v54 =	vadd.s32 $0x7530, v40;
	v36 =	vld.idx.msk [tilespmem:v40+s2+$0x0], $0xffff  }
0x153: {  	v22 =	vadd.f32 v24, v22;
	v5 =	vadd.f32 v56, v5;
	v56 =	vadd.s32 $0x88B8, v40;
	v16 =	vld.idx.msk [tilespmem:v60+s2+$0x0], $0xffff  }
0x154: {  	v6 =	vadd.f32 v38, v6;
	v34 =	vmul.f32 v34, v2;
	v57 =	vadd.s32 $0x9C40, v40;
	v37 =	vld.idx.msk [tilespmem:v61+s2+$0x0], $0xffff  }
0x155: {  	v17 =	vadd.f32 v19, v17;
	v33 =	vmul.f32 v33, v3;
	v58 =	vadd.s32 $0xAFC8, v40;
	v26 =	vld.idx.msk [tilespmem:v52+s2+$0x0], $0xffff  }
0x156: {  	v10 =	vadd.f32 v34, v10;
	v5 =	vadd.f32 v35, v5;
	v59 =	vadd.s32 $0xC350, v40;
	v19 =	vld.idx.msk [tilespmem:v53+s2+$0x0], $0xffff  }
0x157: {  	v62 =	vmul.f32 v51, v2;
	v2 =	vmul.f32 v43, v2;
	v51 =	vadd.s32 $0x2710, v41;
	v23 =	vld.idx.msk [tilespmem:v54+s2+$0x0], $0xffff  }
0x158: {  	v42 =	vmul.f32 v42, v3;
	v29 =	vmul.f32 v29, v3;
	v63 =	vadd.s32 $0x3A98, v40;
	v43 =	vld.idx.msk [tilespmem:v56+s2+$0x0], $0xffff  }
0x159: {  	v14 =	vadd.f32 v62, v14;
	v1 =	vadd.f32 v2, v1;
	v62 =	vadd.s32 $0xFDE8, v40;
	v2 =	vld.idx.msk [tilespmem:v57+s2+$0x0], $0xffff  }
0x15a: {  	v4 =	vadd.f32 v33, v4;
	v31 =	vmul.f32 v31, v3;
	v60 =	vadd.s32 $0xD6D8, v40;
	v28 =	vld.idx.msk [tilespmem:v58+s2+$0x0], $0xffff  }
0x15b: {  	v18 =	vadd.f32 v42, v18;
	v27 =	vadd.f32 v29, v27;
	v61 =	vadd.s32 $0xEA60, v40;
	v38 =	vld.idx.msk [tilespmem:v59+s2+$0x0], $0xffff  }
0x15c: {  	v55 =	vmul.f32 v47, v3;
	v20 =	vmul.f32 v20, v3;
	v53 =	vadd.s32 $0x3A98, v41;
	v29 =	vld.idx.msk [tilespmem:v51+s2+$0x0], $0xffff  }
0x15d: {  	v8 =	vadd.f32 v31, v8;
	v14 =	vadd.f32 v49, v14;
	v54 =	vadd.s32 $0x4E20, v41;
	v48 =	vld.idx.msk [tilespmem:v63+s2+$0x0], $0xffff  }
0x15e: {  	v12 =	vadd.f32 v55, v12;
	v10 =	vadd.f32 v20, v10;
	v56 =	vadd.s32 $0x61A8, v41;
	v24 =	vld.idx.msk [tilespmem:v62+s2+$0x0], $0xffff  }
0x15f: {  	v49 =	vadd.s32 $0xEA60, v41;
	v57 =	vadd.s32 $0x7530, v41;
	v15 =	vmul.f32 v15, v3;
	v35 =	vld.idx.msk [tilespmem:v60+s2+$0x0], $0xffff  }
0x160: {  	v55 =	vadd.s32 $0x124F8, v41;
	v52 =	vmul.f32 v30, v3;
	v59 =	vadd.s32 $0x9C40, v41;
	v33 =	vld.idx.msk [tilespmem:v61+s2+$0x0], $0xffff  }
0x161: {  	v25 =	vmul.f32 v25, v3;
	v58 =	vadd.s32 $0x88B8, v41;
	v15 =	vadd.f32 v15, v17;
	v17 =	vld.idx.msk [tilespmem:v53+s2+$0x0], $0xffff  }
0x162: {  	v51 =	vadd.s32 $0xFDE8, v41;
	v63 =	vadd.s32 $0x11170, v40;
	v40 =	vadd.s32 $0x124F8, v40;
	v20 =	vld.idx.msk [tilespmem:v54+s2+$0x0], $0xffff  }
0x163: {  	v21 =	vadd.f32 v52, v21;
	v6 =	vadd.f32 v25, v6;
	v3 =	vmul.f32 v39, v3;
	v39 =	vld.idx.msk [tilespmem:v56+s2+$0x0], $0xffff  }
0x164: {  	v52 =	vadd.s32 $0x11170, v41;
	v36 =	vmul.f32 v36, v0;
	v62 =	vmul.f32 v37, v0;
	v37 =	vld.idx.msk [tilespmem:v57+s2+$0x0], $0xffff  }
0x165: {  	v1 =	vadd.f32 v3, v1;
	v60 =	vadd.s32 $0xAFC8, v41;
	v16 =	vmul.f32 v16, v0;
	v25 =	vld.idx.msk [tilespmem:v59+s2+$0x0], $0xffff  }
0x166: {  	v7 =	vadd.f32 v36, v7;
	v26 =	vmul.f32 v26, v0;
	v19 =	vmul.f32 v19, v0;
	v36 =	vld.idx.msk [tilespmem:v49+s2+$0x0], $0xffff  }
0x167: {  	v61 =	vadd.s32 $0xC350, v41;
	v53 =	vmul.f32 v23, v0;
	v56 =	vmul.f32 v43, v0;
	v34 =	vld.idx.msk [tilespmem:v63+s2+$0x0], $0xffff  }
0x168: {  	v2 =	vmul.f32 v2, v0;
	v59 =	vmul.f32 v28, v0;
	v30 =	vld.idx.msk [tilespmem:v40+s2+$0x0], $0xffff;
	v63 =	vadd.s32 $0xD6D8, v41  }
0x169: {  	v16 =	vadd.f32 v16, v22;
	v22 =	vld.idx.msk [tilespmem:v58+s2+$0x0], $0xffff;
	v3 =	vadd.f32 v62, v5;
	v50 =	vmul.f32 v48, v0  }
0x16a: {  	v4 =	vadd.f32 v26, v4;
	v18 =	vadd.f32 v19, v18;
	v58 =	vmul.f32 v44, v11;
	v40 =	vld.idx.msk [tilespmem:v55+s2+$0x0], $0xffff  }
0x16b: {  	v14 =	vadd.f32 v56, v14;
	v2 =	vadd.f32 v2, v8;
	v62 =	vmul.f32 v29, v11;
	v31 =	vld.idx.msk [tilespmem:v60+s2+$0x0], $0xffff  }
0x16c: {  	v41 =	vmul.f32 v38, v0;
	v5 =	vadd.f32 v50, v13;
	v13 =	vadd.f32 v53, v27;
	v54 =	vld.idx.msk [tilespmem:v61+s2+$0x0], $0xffff  }
0x16d: {  	v7 =	vadd.f32 v58, v7;
	v60 =	vmul.f32 v32, v11;
	v61 =	vld.idx.msk [tilespmem:v51+s2+$0x0], $0xffff;
	v17 =	vmul.f32 v17, v11  }
0x16e: {  	v3 =	vadd.f32 v62, v3;
	v42 =	vmul.f32 v20, v11;
	v43 =	vmul.f32 v35, v0;
	v57 =	vld.idx.msk [tilespmem:v63+s2+$0x0], $0xffff  }
0x16f: {  	v44 =	vmul.f32 v39, v11;
	v63 =	vld.idx.msk [tilespmem:v52+s2+$0x0], $0xffff;
	v16 =	vadd.f32 v60, v16;
	[tilespmem:s18+$0xFFFFE780] =	vst v7  }
0x170: {  	v45 =	vmul.f32 v37, v11;
	v49 =	vmul.f32 v33, v0;
	v5 =	vadd.f32 v17, v5;
	[tilespmem:s18+$0xFFFFEDA0] =	vst v3  }
0x171: {  	v50 =	vmul.f32 v25, v11;
	v51 =	vmul.f32 v24, v0;
	v4 =	vadd.f32 v42, v4;
	[tilespmem:s18+$0xFFFFEA90] =	vst v16  }
0x172: {  	v47 =	vadd.f32 v44, v18;
	v56 =	vmul.f32 v34, v0;
	v0 =	vmul.f32 v30, v0;
	[tilespmem:s18+$0xFFFFF0B0] =	vst v5  }
0x173: {  	v48 =	vmul.f32 v22, v11;
	v3 =	vadd.f32 v45, v13;
	[tilespmem:s18+$0xFFFFF3C0] =	vst v4  }
0x174: {  	v2 =	vadd.f32 v50, v2;
	v62 =	vmul.f32 v40, v11;
	[tilespmem:s18+$0xFFFFF6D0] =	vst v47;
	v0 =	vadd.f32 v0, v1  }
0x175: {  	v9 =	vadd.f32 v59, v9;
	v5 =	vadd.f32 v48, v14;
	[tilespmem:s18+$0xFFFFF9E0] =	vst v3;
	v52 =	vmul.f32 v31, v11  }
0x176: {  	v7 =	vadd.f32 v41, v21;
	[tilespmem:s18+$0x0] =	vst v2;
	v53 =	vmul.f32 v54, v11;
	v0 =	vadd.f32 v62, v0  }
0x177: {  	v54 =	vadd.f32 v51, v15;
	v59 =	vmul.f32 v61, v11;
	[tilespmem:s18+$0xFFFFFCF0] =	vst v5;
	v9 =	vadd.f32 v52, v9  }
0x178: {  	v46 =	vadd.f32 v43, v12;
	v55 =	vmul.f32 v57, v11;
	v3 =	vadd.f32 v53, v7;
	[tilespmem:s18+$0x1570] =	vst v0  }
0x179: {  	p0 =	sne.s32 s17, $0xC000;
	v4 =	vadd.f32 v49, v6;
	v57 =	vmul.f32 v36, v11;
	v61 =	vadd.f32 v59, v54;
	[tilespmem:s18+$0x310] =	vst v9  }
.Ltmp0:
0x17a: {  	v5 =	vadd.f32 v56, v10;
	v60 =	vmul.f32 v63, v11;
	v58 =	vadd.f32 v55, v46;
	[tilespmem:s18+$0x620] =	vst v3;
	(pc) =	sbr.rel @p0 .LBB2_3-.Ltmp0, $4  }
0x17b: {  	v4 =	vadd.f32 v57, v4;
	[tilespmem:s18+$0xF50] =	vst v61  }
0x17c: {  	v63 =	vadd.f32 v60, v5;
	[tilespmem:s18+$0x930] =	vst v58  }
0x17d: {  	[tilespmem:s18+$0xC40] =	vst v4  }
0x17e: {  	s17 =	sadd.s32 $0x400, s17;
	[tilespmem:s18+$0x1260] =	vst v63;
	s18 =	sadd.s32 $0x10, s18  }
0x17f: {  	s16 =	smul.u32 $0x31000, s16;
	_ =	sdelay $0x1  }
0x180: {  	s15 =	sadd.s32 $0x1, s15;
	s16 =	sadd.s32 s8, s16  }
0x181: {  	p0 =	sne.s32 s15, $0x20;
	s16 =	sshrl.u32 s16, $0x3  }
.Ltmp1:
0x182: {  	s16 =	sadd.s32 s5, s16;
	(pc) =	sbr.rel @p0 .LBB2_2-.Ltmp1, $4  }
0x183: {  	[hbm4b:s16+s2] =	stream.linear.scatter [tilespmem:s13], [sflag:$0x1], $0x3100, $0x38;
	[tilespmem:$0x1CB80] =	vst v63  }
0x184: {  	_ =	swait.ge [sflag:s10], $0x3100  }
0x185: {  	[sflag:s10] =	ssyncset.done $0x0  }
0x186: {  	[sflag:s10] =	ssyncadd.s32 $0xFFFFCF00  }
0x187: {  	s14 =	sadd.s32 $0x1, s14  }
0x188: {  	p0 =	sne.s32 s14, s9  }
.Ltmp2:
0x189: {  	_ = 	snop;
	(pc) =	sbr.rel @p0 .LBB2_1-.Ltmp2, $1  }
0x18a: {  	_ =	sdelay $0x3  }
0x18b: {  	_ =	sfence.sel $0x180000  }
0x18c: {  	[bflag:$0x0] =	sbarrier.arrive $0xFFFF  }
0x18d: {  	p0 =	sne.s32 s1, $0x0;
	_ =	strace $0x90000047  }
0x18e: {  	s0 =	sadd.s32 @!p0 $0x100000, s0;
	[bflag:$0x2] =	sbarrier.arrive $0xFFFF  }
0x18f: {  	[sflag:s0] =	ssyncadd.tile.s32 @!p0 $0x1;
	_ =	shalt  }
.Lfunc_end2:
_tile_overlayer_lowered:
.L_overlay_start_2:
0x190: {  	(tag) =	ssettag $0x2  }
0x191: {  	s0 =	rddreg [dreg:$0x0];
	s2 =	stileid.u32  }
0x192: {  	s1 =	rddreg [dreg:$0x1];
	p0 =	sne.s32 s2, $0x0  }
0x193: {  	s3 =	rddreg [dreg:$0x2];
	[bflag:$0x3] =	sbarrier.arrive $0xFFFF;
	s2 =	simm.s32 @!p0 $0x1C01  }
0x194: {  	[timem:s3], [sflag:s2] =	dma.local @!p0 [hbm:s0], s1  }
0x195: {  	s0 =	simm.s32 @!p0 $0x1  }
0x196: {  	_ =	swait.ge @!p0 [sflag:s0], s1  }
0x197: {  	s1 =	ssub.s32 @!p0 $0x0, s1;
	[sflag:s0] =	ssyncset.done @!p0 $0x0  }
0x198: {  	[sflag:s0] =	ssyncadd.s32 @!p0 s1  }
0x199: {  	[bflag:$0x3] =	sbarrier.arrive $0xFFFF  }
0x19a: {  	_ =	shalt  }

// kernel: sparse-core-data-format-call.1.cloned.1.call-start
scs
called_computation.1_lowered:
.L_overlay_start_0:
0x0: {  	s1 =	sld [smem:$0x3FD9]  }
0x1: {  	s2 =	sld [smem:$0x3FFE];
	_ =	sdelay $0x1  }
0x2: {  	s3 =	srdreg.scid  }
0x3: {  	s0 =	sand.u32 $0x1, s3  }
0x4: {  	s17 =	sshll.u32 s0, $0xA;
	s1 =	sadd.s32 s2, s1  }
0x5: {  	s1 =	sadd.s32 s1, s17  }
0x6: {  	[smem:$0x3FC6] =	sst s1  }
0x7: {  	_ = 	snop  }
0x8: {  	(tm) =	ssettm $0x1  }
0x9: {  	s18 =	sld [smem:$0x3FFB];
	_ =	sdelay $0x3  }
0xa: {  	_ =	strace s18  }
0xb: {  	s1 =	sld [smem:$0x3FFC];
	_ =	sdelay $0x3  }
0xc: {  	_ =	strace s1  }
0xd: {  	s1 =	sld [smem:$0x3FFD];
	_ =	sdelay $0x3  }
0xe: {  	_ =	strace s1  }
0xf: {  	_ =	strace $0x8FFFFFFF  }
0x10: {  	s19 =	sld [smem:$0x3FDB];
	_ =	sdelay $0x1  }
0x11: {  	s20 =	simm.s32 $_scs_section_size  }
0x12: {  	s4 =	simm.s32 $_size__tile_overlayer_lowered;
	s5 =	simm.s32 $_tile_overlayer_lowered  }
0x13: {  	s23 =	simm.s32 $0x1BFF;
	s22 =	sshll.u32 s5, $0x1;
	s1 =	sadd.s32 s20, s19  }
0x14: {  	s6 =	simm.s32 $0x0;
	s21 =	sshll.u32 s4, $0x1;
	s4 =	sadd.s32 s22, s1  }
0x15: {  	[timem:s6], [sflag:s23] =	dma.local [hbm:s4], s21  }
0x16: {  	_ =	swait.ge [sflag:s23], s21  }
0x17: {  	s2 =	ssub.s32 $0x0, s21;
	[sflag:s23] =	ssyncset.done $0x0  }
0x18: {  	[sflag:s23] =	ssyncadd.s32 s2;
	_ =	sdelay $0x1  }
0x19: {  	s24 =	simm.s32 $0x1B8B  }
0x1a: {  	_ =	swait.ge [sflag:s24], $0x1  }
0x1b: {  	[sflag:s24] =	ssyncset.done $0x0  }
0x1c: {  	s26 =	simm.s32 $0x1B8E;
	s25 =	sld [smem:$0x3FFE];
	[sflag:s24] =	ssyncadd.s32 $0xFFFFFFFF  }
0x1d: {  	s27 =	simm.s32 $execute0_lowered;
	[smem:$0x3FD2] =	sst s26  }
0x1e: {  	s4 =	sshll.u32 s27, $0x1;
	_ =	strace $0x80000049;
	[dreg:$0x1] =	wrdreg $0xFFFFFFFF  }
0x1f: {  	s28 =	simm.s32 $_size_execute0_lowered;
	s1 =	sadd.s32 s1, s4;
	[dreg:$0x0] =	wrdreg $0x0  }
0x20: {  	s4 =	sshll.u32 s28, $0x1;
	[dreg:$0x2] =	wrdreg s1  }
0x21: {  	[dreg:$0x3] =	wrdreg s4  }
0x22: {  	[dreg:$0x4] =	wrdreg $0xC0  }
0x23: {  	_ =	task [dreg:s6], $0x5FFFF  }
0x24: {  	[dreg:$0x1] =	wrdreg $0xFFFFFFFF  }
0x25: {  	[dreg:$0x0] =	wrdreg $0x60  }
0x26: {  	[dreg:$0x2] =	wrdreg s25  }
0x27: {  	[dreg:$0x3] =	wrdreg $0x9  }
0x28: {  	_ =	task.clear_ibuf [dreg:s6], $0x4FFFF;
	_ =	strace $0x90000049  }
0x29: {  	s29 =	simm.s32 $0x9;
	_ =	strace $0x8000004B  }
0x2a: {  	_ =	swait.ge [sflag:s29], $0x1  }
0x2b: {  	[sflag:s29] =	ssyncadd.s32 $0xFFFFFFFF  }
0x2c: {  	_ =	strace $0x9000004B  }
0x2d: {  	_ =	sfence  }
0x2e: {  	s30 =	sld [smem:$0x0];
	_ =	sdelay $0x2  }
0x2f: {  	s31 =	sshll.u32 s3, $0xD;
	s3 =	sshrl.u32 s3, $0x2  }
0x30: {  	s2 =	sand.u32 $0x4000, s31;
	s1 =	sadd.s32 s3, s30  }
0x31: {  	s0 =	sor.u32 s2, s0;
	s1 =	sshll.u32 s1, $0x11  }
0x32: {  	s0 =	sor.u32 s1, s0  }
0x33: {  	s0 =	sadd.s32 $0x8F2B, s0  }
0x34: {  	[sflag:s0] =	ssyncadd.remote.s32 $0x1  }
0x35: {  	_ =	sfence.sel $0xFFFF  }
0x36: {  	[dreg:$0x0] =	wrdreg $0xFFFFFFFF;
	(pc) =	sbr.abs _section_cstart, $3  }
0x37: {  	[dreg:$0x1] =	wrdreg $0xFFFFFFFF  }
0x38: {  	_ =	task.clear_ibuf [dreg:s6], $0x2FFFF;
	_ =	strace $0x9FFFFFFF  }
0x39: {  	(tm) =	ssettm $0x7FFFFFFF  }
tec
execute0_lowered:
.L_overlay_start_1:
0x0: {  	(tag) =	ssettag $0x1  }
0x1: {  	s1 =	rddreg [dreg:$0x0]  }
0x2: {  	s0 =	rddreg [dreg:$0x1];
	_ =	strace $0x8000004A  }
0x3: {  	s4 =	srdreg.scid;
	s6 =	simm.s32 $0x2;
	s13 =	simm.s32 $0x0  }
0x4: {  	p0 =	por $0x0, $0x0;
	s7 =	simm.s32 $0x80;
	s14 =	simm.s32 $0x0  }
0x5: {  	s15 =	simm.s32 $0x0;
	s16 =	simm.s32 $0x0;
	s9 =	simm.s32 $0x0  }
.Ltmp0:
0x6: {  	s10 =	simm.s32 $0x0;
	s11 =	simm.s32 $0x0;
	(pc) =	sbr.rel .LBB1_1-.Ltmp0, $4  }
0x7: {  	s2 =	sadd.s32 $0x1E1000, s1;
	s3 =	sadd.s32 $0x5E1000, s1;
	s4 =	sshll.u32 s4, $0x4  }
0x8: {  	s1 =	stileid.u32;
	s5 =	sand.u32 $0x10, s4;
	s4 =	simm.s32 $0x1  }
0x9: {  	s8 =	simm.s32 $0x0;
	s5 =	sor.u32 s1, s5;
	[sflag:s4] =	ssyncpa.u1 $0x0  }
0xa: {  	[sflag:s6] =	ssyncpa.u1 $0x0;
	s6 =	simm.s32 $0x40;
	s12 =	smov.u32 s5  }
.LBB1_7:
0xb: {  	s17 =	sadd.s32 $0x1, s9  }
0xc: {  	s13 =	sadd.s32 $0x10, s10;
	s18 =	smov.u32 s10;
	p2 =	sgt.s32 s17, $0xF  }
0xd: {  	s18 =	smov.u32 @p2 s13  }
0xe: {  	s19 =	smov.u32 s11;
	s13 =	sadd.s32 $0x10, s11;
	p3 =	sgt.s32 s18, $0xF  }
0xf: {  	s19 =	smov.u32 @p3 s13  }
0x10: {  	s20 =	smov.u32 s12;
	s13 =	sadd.s32 $0x20, s12;
	p4 =	sgt.s32 s19, $0xF  }
0x11: {  	p1 =	slt.u32 s8, $0x2;
	s20 =	smov.u32 @p4 s13  }
0x12: {  	s8 =	sadd.s32 $0x1, s8;
	s17 =	simm.s32 @p2 $0x0;
	p2 =	sgt.s32 s20, $0x3F  }
0x13: {  	s21 =	simm.s32 @!p1 $0x2;
	s20 =	smov.u32 @p2 s5;
	p2 =	sne.s32 s8, $0x22  }
.Ltmp1:
0x14: {  	s14 =	smov.u32 s10;
	_ =	swait.ge @!p1 [sflag:s21], $0x4000;
	(pc) =	sbr.rel @!p2 .LBB1_8-.Ltmp1, $4  }
0x15: {  	s15 =	smov.u32 s11;
	s16 =	smov.u32 s12;
	[sflag:s21] =	ssyncset.done @!p1 $0x0  }
0x16: {  	p0 =	por !p0, !p0;
	s18 =	simm.s32 @p3 $0x0;
	[sflag:s21] =	ssyncadd.s32 @!p1 $0xFFFFC000  }
0x17: {  	s10 =	smov.u32 s18;
	s19 =	simm.s32 @p4 $0x0;
	s13 =	smov.u32 s9  }
0x18: {  	s9 =	smov.u32 s17;
	s11 =	smov.u32 s19;
	s12 =	smov.u32 s20  }
.LBB1_1:
0x19: {  	p1 =	sgt.u32 s8, $0x1F  }
0x1a: {  	s17 =	sxor.u32 @!p1 $0xFFFFFFFF, s8;
	s18 =	sshll.u32 @!p1 s12, $0x10  }
0x1b: {  	s19 =	sshll.u32 @!p1 s11, $0xC;
	s20 =	sshll.u32 @!p1 s10, $0x8;
	s18 =	sadd.s32 @!p1 s2, s18  }
0x1c: {  	s21 =	sshll.u32 @!p1 s9, $0x4;
	s17 =	sshll.u32 @!p1 s17, $0xE;
	s18 =	sadd.s32 @!p1 s19, s18  }
0x1d: {  	s17 =	sand.u32 @!p1 $0x4000, s17;
	s19 =	sand.u32 @!p1 $0xF0, s21;
	s18 =	sadd.s32 @!p1 s20, s18  }
0x1e: {  	s20 =	simm.s32 @!p1 $0x800;
	s18 =	sadd.s32 @!p1 s19, s18;
	s19 =	simm.s32 @!p1 $0x40  }
0x1f: {  	[tilespmem:s17], [sflag:$0x1] =	stream.strided.gather @!p1 [hbm4b:s18+s19], $0x4000, s20, s19, $0x38;
	[tilespmem:$0x10000] =	vst v63  }
0x20: {  	p1 =	seq.s32 s8, $0x0  }
0x21: {  	p2 =	seq.s32 @!p1 s8, $0x21  }
0x22: {  	p1 =	por p1, p2  }
.Ltmp2:
0x23: {  	_ = 	snop;
	(pc) =	sbr.rel @p1 .LBB1_7-.Ltmp2, $1  }
0x24: {  	_ =	sdelay $0x3  }
0x25: {  	s17 =	simm.s32 $0x1;
	_ =	swait.ge [sflag:s4], $0x4000;
	s20 =	sshll.u32 s8, $0xE  }
0x26: {  	s17 =	simm.s32 @!p0 $0x0;
	[sflag:s4] =	ssyncset.done $0x0;
	s31 =	sand.u32 $0x4000, s20  }
0x27: {  	s20 =	simm.s32 $0x0;
	s17 =	sshll.u32 s17, $0xE;
	[sflag:s4] =	ssyncadd.s32 $0xFFFFC000  }
0x28: {  	s18 =	sor.u32 $0x30, s17;
	s19 =	sor.u32 $0x8020, s17;
	s17 =	sor.u32 $0x8000, s31  }
.LBB1_3:
0x29: {  	v1 =	vmov s18;
	_ =	sdelay $0x3  }
0x2a: {  	s21 =	simm.s32 $0x0  }
0x2b: {  	v3 =	vld.idx.msk [tilespmem:v1+s21+$0x0 ss:$0x1], $0xffff  }
0x2c: {  	v0 =	vmov s19;
	v4 =	vld.idx.msk [tilespmem:v1+s21+$0xFFFFFFD0 ss:$0x1], $0xffff  }
0x2d: {  	v2 =	vld.idx.msk [tilespmem:v1+s21+$0xFFFFFFE0 ss:$0x1], $0xffff  }
0x2e: {  	s22 =	simm.s32 $0x100;
	v5 =	vld.idx.msk [tilespmem:v1+s21+$0xFFFFFFF0 ss:$0x1], $0xffff  }
.LBB1_4:
0x2f: {  	p1 =	sne.s32 s22, $0xF00  }
.Ltmp3:
0x30: {  	s23 =	sshra.s32 s22, $0x2;
	s22 =	sadd.s32 $0x100, s22;
	(pc) =	sbr.rel @p1 .LBB1_4-.Ltmp3, $4  }
0x31: {  	[tilespmem:v0+s21+$0x10 ss:$0x1] =	vst.idx.msk $0xffff, v3;
	v3 =	vld.idx.msk [tilespmem:v1+s23+$0x0 ss:$0x1], $0xffff  }
0x32: {  	[tilespmem:v0+s21+$0xFFFFFFE0 ss:$0x1] =	vst.idx.msk $0xffff, v4;
	v4 =	vld.idx.msk [tilespmem:v1+s23+$0xFFFFFFD0 ss:$0x1], $0xffff  }
0x33: {  	[tilespmem:v0+s21+$0xFFFFFFF0 ss:$0x1] =	vst.idx.msk $0xffff, v2;
	v2 =	vld.idx.msk [tilespmem:v1+s23+$0xFFFFFFE0 ss:$0x1], $0xffff  }
0x34: {  	[tilespmem:v0+s21+$0x0 ss:$0x1] =	vst.idx.msk $0xffff, v5;
	v5 =	vld.idx.msk [tilespmem:v1+s23+$0xFFFFFFF0 ss:$0x1], $0xffff;
	s21 =	smov.u32 s23  }
0x35: {  	_ = 	snop  }
0x36: {  	s20 =	sadd.s32 $0x1, s20  }
0x37: {  	p1 =	sne.s32 s20, $0x10  }
.Ltmp4:
0x38: {  	_ = 	snop;
	(pc) =	sbr.rel @p1 .LBB1_3-.Ltmp4, $4  }
0x39: {  	[tilespmem:v0+s21+$0x10 ss:$0x1] =	vst.idx.msk $0xffff, v3  }
0x3a: {  	[tilespmem:v0+s21+$0xFFFFFFE0 ss:$0x1] =	vst.idx.msk $0xffff, v4  }
0x3b: {  	[tilespmem:v0+s21+$0xFFFFFFF0 ss:$0x1] =	vst.idx.msk $0xffff, v2  }
0x3c: {  	s18 =	sadd.s32 $0x400, s18;
	s19 =	sadd.s32 $0x400, s19;
	[tilespmem:v0+s21+$0x0 ss:$0x1] =	vst.idx.msk $0xffff, v5  }
0x3d: {  	s16 =	sshll.u32 s16, $0x10  }
.Ltmp5:
0x3e: {  	s15 =	sshll.u32 s15, $0x8;
	s16 =	sadd.s32 s3, s16;
	(pc) =	sbr.rel .LBB1_7-.Ltmp5, $4  }
0x3f: {  	s13 =	sshll.u32 s13, $0xC;
	s14 =	sshll.u32 s14, $0x4;
	s15 =	sadd.s32 s15, s16  }
0x40: {  	s14 =	sand.u32 $0xF0, s14;
	s13 =	sadd.s32 s13, s15  }
0x41: {  	s13 =	sadd.s32 s14, s13  }
0x42: {  	[hbm4b:s13+s6] =	stream.strided.scatter [tilespmem:s17], [sflag:$0x2], $0x4000, s7, s6, $0x38;
	[tilespmem:$0x10000] =	vst v63  }
.LBB1_8:
0x43: {  	_ =	sfence.sel $0x180000  }
0x44: {  	s2 =	simm.s32 $0x1;
	[bflag:$0x0] =	sbarrier.arrive $0xFFFF  }
0x45: {  	s31 =	simm.s32 $0x2;
	[sflag:s2] =	ssyncpa.u1 $0x1  }
0x46: {  	[sflag:s31] =	ssyncpa.u1 $0x1  }
0x47: {  	p0 =	sne.s32 s1, $0x0;
	_ =	strace $0x9000004A  }
0x48: {  	s0 =	sadd.s32 @!p0 $0x100000, s0;
	[bflag:$0x2] =	sbarrier.arrive $0xFFFF  }
0x49: {  	[sflag:s0] =	ssyncadd.tile.s32 @!p0 $0x1;
	_ =	shalt  }
.Lfunc_end1:
_tile_overlayer_lowered:
.L_overlay_start_2:
0x4a: {  	(tag) =	ssettag $0x2  }
0x4b: {  	s0 =	rddreg [dreg:$0x0];
	s2 =	stileid.u32  }
0x4c: {  	s1 =	rddreg [dreg:$0x1];
	p0 =	sne.s32 s2, $0x0  }
0x4d: {  	s3 =	rddreg [dreg:$0x2];
	[bflag:$0x3] =	sbarrier.arrive $0xFFFF;
	s2 =	simm.s32 @!p0 $0x1C01  }
0x4e: {  	[timem:s3], [sflag:s2] =	dma.local @!p0 [hbm:s0], s1  }
0x4f: {  	s0 =	simm.s32 @!p0 $0x1  }
0x50: {  	_ =	swait.ge @!p0 [sflag:s0], s1  }
0x51: {  	s1 =	ssub.s32 @!p0 $0x0, s1;
	[sflag:s0] =	ssyncset.done @!p0 $0x0  }
0x52: {  	[sflag:s0] =	ssyncadd.s32 @!p0 s1  }
0x53: {  	[bflag:$0x3] =	sbarrier.arrive $0xFFFF  }
0x54: {  	_ =	shalt  }

// kernel: sparse-core-data-format-call.cloned.1.call-start
scs
called_computation_lowered:
.L_overlay_start_0:
0x0: {  	s2 =	sld [smem:$0x3FD9]  }
0x1: {  	s3 =	sld [smem:$0x3FFE];
	_ =	sdelay $0x1  }
0x2: {  	s1 =	srdreg.scid  }
0x3: {  	s0 =	sand.u32 $0x1, s1  }
0x4: {  	s18 =	sshll.u32 s0, $0xA;
	s2 =	sadd.s32 s3, s2  }
0x5: {  	s2 =	sadd.s32 s2, s18  }
0x6: {  	[smem:$0x3FC6] =	sst s2  }
0x7: {  	_ = 	snop  }
0x8: {  	s2 =	sld [smem:$0x3FD0];
	(tm) =	ssettm $0x1  }
0x9: {  	s19 =	sld [smem:$0x3FFB];
	_ =	sdelay $0x3  }
0xa: {  	_ =	strace s19  }
0xb: {  	s3 =	sld [smem:$0x3FFC];
	_ =	sdelay $0x3  }
0xc: {  	_ =	strace s3  }
0xd: {  	s3 =	sld [smem:$0x3FFD];
	_ =	sdelay $0x3  }
0xe: {  	_ =	strace s3  }
0xf: {  	_ =	strace $0x8FFFFFFF  }
0x10: {  	s20 =	sld [smem:$0x3FDB];
	_ =	sdelay $0x1  }
0x11: {  	s4 =	simm.s32 $_scs_section_size  }
0x12: {  	s5 =	simm.s32 $_size__tile_overlayer_lowered;
	s6 =	simm.s32 $_tile_overlayer_lowered  }
0x13: {  	s23 =	simm.s32 $0x1BFF;
	s22 =	sshll.u32 s6, $0x1;
	s3 =	sadd.s32 s4, s20  }
0x14: {  	s7 =	simm.s32 $0x0;
	s21 =	sshll.u32 s5, $0x1;
	s5 =	sadd.s32 s22, s3  }
0x15: {  	[timem:s7], [sflag:s23] =	dma.local [hbm:s5], s21  }
0x16: {  	_ =	swait.ge [sflag:s23], s21  }
0x17: {  	s4 =	ssub.s32 $0x0, s21;
	[sflag:s23] =	ssyncset.done $0x0  }
0x18: {  	[sflag:s23] =	ssyncadd.s32 s4;
	_ =	sdelay $0x1  }
0x19: {  	s24 =	simm.s32 $0x1B8B  }
0x1a: {  	_ =	swait.ge [sflag:s24], $0x1  }
0x1b: {  	[sflag:s24] =	ssyncset.done $0x0  }
0x1c: {  	s26 =	simm.s32 $0x1B8E;
	s25 =	sld [smem:$0x3FFE];
	[sflag:s24] =	ssyncadd.s32 $0xFFFFFFFF  }
0x1d: {  	s27 =	simm.s32 $execute0_lowered;
	[smem:$0x3FD2] =	sst s26  }
0x1e: {  	s5 =	sshll.u32 s27, $0x1;
	_ =	strace $0x8000004C;
	[dreg:$0x1] =	wrdreg $0xFFFFFFFF  }
0x1f: {  	s28 =	simm.s32 $_size_execute0_lowered;
	s3 =	sadd.s32 s3, s5;
	[dreg:$0x0] =	wrdreg $0x0  }
0x20: {  	s5 =	sshll.u32 s28, $0x1;
	[dreg:$0x2] =	wrdreg s3  }
0x21: {  	[dreg:$0x3] =	wrdreg s5  }
0x22: {  	[dreg:$0x4] =	wrdreg $0xC0  }
0x23: {  	_ =	task [dreg:s7], $0x5FFFF  }
0x24: {  	[dreg:$0x1] =	wrdreg $0xFFFFFFFF  }
0x25: {  	[dreg:$0x0] =	wrdreg $0x60  }
0x26: {  	[dreg:$0x2] =	wrdreg s25  }
0x27: {  	[dreg:$0x3] =	wrdreg s2  }
0x28: {  	[dreg:$0x4] =	wrdreg $0x9  }
0x29: {  	_ =	task.clear_ibuf [dreg:s7], $0x5FFFF;
	_ =	strace $0x9000004C  }
0x2a: {  	s29 =	simm.s32 $0x9;
	_ =	strace $0x8000004E  }
0x2b: {  	_ =	swait.ge [sflag:s29], $0x1  }
0x2c: {  	[sflag:s29] =	ssyncadd.s32 $0xFFFFFFFF  }
0x2d: {  	_ =	strace $0x9000004E  }
0x2e: {  	_ =	sfence  }
0x2f: {  	s30 =	sld [smem:$0x0];
	_ =	sdelay $0x2  }
0x30: {  	s31 =	sshll.u32 s1, $0xD;
	s1 =	sshrl.u32 s1, $0x2  }
0x31: {  	s3 =	sand.u32 $0x4000, s31;
	s1 =	sadd.s32 s1, s30  }
0x32: {  	s0 =	sor.u32 s3, s0;
	s1 =	sshll.u32 s1, $0x11  }
0x33: {  	s0 =	sor.u32 s1, s0  }
0x34: {  	s0 =	sadd.s32 $0x8F2B, s0  }
0x35: {  	[sflag:s0] =	ssyncadd.remote.s32 $0x1  }
0x36: {  	_ =	sfence.sel $0xFFFF  }
0x37: {  	[dreg:$0x0] =	wrdreg $0xFFFFFFFF;
	(pc) =	sbr.abs _section_cstart, $3  }
0x38: {  	[dreg:$0x1] =	wrdreg $0xFFFFFFFF  }
0x39: {  	_ =	task.clear_ibuf [dreg:s7], $0x2FFFF;
	_ =	strace $0x9FFFFFFF  }
0x3a: {  	(tm) =	ssettm $0x7FFFFFFF  }
0x3b: {  	_ =	shalt  }
tec
execute0_lowered:
.L_overlay_start_1:
0x0: {  	(tag) =	ssettag $0x1  }
0x1: {  	s0 =	srdreg.scid;
	s5 =	rddreg [dreg:$0x0]  }
0x2: {  	s2 =	rddreg [dreg:$0x1];
	s1 =	stileid.u32  }
0x3: {  	s9 =	simm.s32 $0x1;
	s31 =	simm.s32 $0x2;
	s15 =	simm.s32 $0x0  }
0x4: {  	s11 =	simm.s32 $0x3E800;
	s16 =	simm.s32 $0x0;
	s12 =	simm.s32 $0x0  }
0x5: {  	s14 =	simm.s32 $0x0;
	s0 =	sshll.u32 s0, $0x7;
	s4 =	sshll.u32 s1, $0x1  }
0x6: {  	s3 =	sand.u32 $0x80, s0;
	s0 =	rddreg [dreg:$0x2];
	s28 =	ssub.s32 $0x3E8, s4  }
0x7: {  	_ =	strace $0x8000004D;
	s6 =	sshll.u32 s3, $0x4;
	s29 =	sshrl.u32 s28, $0x5  }
0x8: {  	s7 =	ssub.s32 $0x100, s3;
	s8 =	sadd.s32 s6, s5;
	s5 =	sand.u32 $0x1E, s28  }
0x9: {  	s30 =	sshrl.u32 s7, $0x7;
	s7 =	sshrl.u32 s7, $0x8;
	p0 =	sne.s32 s5, $0x0  }
.Ltmp0:
0xa: {  	s10 =	sand.u32 $0x1, s30;
	s9 =	simm.s32 @!p0 $0x0;
	(pc) =	sbr.rel .LBB1_1-.Ltmp0, $4  }
0xb: {  	s5 =	simm.s32 $0x1;
	s7 =	sadd.s32 s7, s10;
	s6 =	sadd.s32 s9, s29  }
0xc: {  	s13 =	smov.u32 s4;
	[sflag:s5] =	ssyncpa.u1 $0x0;
	s6 =	smul.u32 s6, s7  }
0xd: {  	p0 =	por $0x0, $0x0;
	s10 =	simm.s32 $0x100;
	[sflag:s31] =	ssyncpa.u1 $0x0  }
0xe: {  	s7 =	sadd.s32 $0xE00, s8;
	s8 =	sadd.s32 $0x1E00, s8;
	s9 =	sadd.s32 $0x1, s6  }
.LBB1_7:
0xf: {  	p1 =	slt.u32 s14, $0x2  }
0x10: {  	p2 =	sgt.s32 @!p1 s15, $0x3E6  }
0x11: {  	s16 =	smov.u32 s15;
	s17 =	sshra.s32 @!p1 s15, $0x1F;
	p2 =	por !p2, p1  }
0x12: {  	s15 =	sand.u32 @!p1 s17, s15;
	s16 =	simm.s32 @p2 $0x3E6  }
0x13: {  	s15 =	ssub.s32 @!p1 s16, s15  }
0x14: {  	s16 =	ssub.s32 @!p1 $0x3E8, s15  }
0x15: {  	s15 =	sadd.s32 @!p1 $0xFFFFFC1A, s15;
	s16 =	smul.u32 @!p1 $0x1880, s16  }
0x16: {  	p2 =	sgt.s32 @!p1 s15, $0x1  }
0x17: {  	s17 =	sadd.s32 $0x20, s13;
	p2 =	por !p2, p1;
	s15 =	sand.u32 @!p1 $0x3FFFFF80, s16  }
0x18: {  	s15 =	simm.s32 @!p2 $0x0;
	p2 =	sgt.s32 s17, $0x3E7  }
0x19: {  	s17 =	smov.u32 @p2 s4;
	p2 =	sne.s32 s14, s9  }
.Ltmp1:
0x1a: {  	_ = 	snop;
	(pc) =	sbr.rel @!p2 .LBB1_8-.Ltmp1, $4  }
0x1b: {  	p0 =	por !p0, !p0;
	s16 =	simm.s32 @!p1 $0x2  }
0x1c: {  	_ =	swait.ge @!p1 [sflag:s16], s15;
	s18 =	ssub.s32 @!p1 $0x0, s15;
	s15 =	smov.u32 s12  }
0x1d: {  	s14 =	sadd.s32 $0x1, s14;
	s12 =	smov.u32 s13;
	[sflag:s16] =	ssyncset.done @!p1 $0x0  }
0x1e: {  	s13 =	smov.u32 s17;
	[sflag:s16] =	ssyncadd.s32 @!p1 s18;
	s16 =	smov.u32 s3  }
.LBB1_1:
0x1f: {  	p1 =	sge.u32 s14, s6  }
0x20: {  	s17 =	sxor.u32 @!p1 $0xFFFFFFFF, s14  }
0x21: {  	s18 =	sshll.u32 @!p1 s13, $0xC;
	s20 =	simm.s32 @!p1 $0x40;
	s17 =	sshll.u32 @!p1 s17, $0xE  }
0x22: {  	s21 =	simm.s32 @!p1 $0x80;
	s19 =	sadd.s32 @!p1 s18, s7;
	s17 =	sand.u32 @!p1 $0x4000, s17  }
0x23: {  	[tilespmem:s17], [sflag:$0x1] =	stream.strided.gather @!p1 [hbm4b:s19+s20], $0x2000, s21, s20, $0x38;
	[tilespmem:$0x10100] =	vst v63  }
0x24: {  	s31 =	sadd.s32 $0xFFFFFFFF, s14;
	s18 =	sadd.s32 @!p1 s18, s8;
	s17 =	sor.u32 @!p1 $0x2000, s17  }
0x25: {  	[tilespmem:s17], [sflag:$0x1] =	stream.strided.gather @!p1 [hbm4b:s18+s20], $0x2000, s21, s20, $0x38;
	[tilespmem:$0x10100] =	vst v63  }
0x26: {  	p1 =	sge.u32 s31, s6  }
.Ltmp2:
0x27: {  	_ = 	snop;
	(pc) =	sbr.rel @p1 .LBB1_7-.Ltmp2, $1  }
0x28: {  	_ =	sdelay $0x3  }
0x29: {  	s17 =	simm.s32 $0x1;
	s19 =	sand.u32 $0x1, s14  }
0x2a: {  	_ =	swait.ge [sflag:s5], $0x4000;
	s17 =	simm.s32 @!p0 $0x0;
	s19 =	smul.u32 $0x10200, s19  }
0x2b: {  	p2 =	por $0x1, $0x1;
	[sflag:s5] =	ssyncset.done $0x0;
	s18 =	smul.u32 $0x10200, s17  }
0x2c: {  	s20 =	sshll.u32 s17, $0x10;
	[sflag:s5] =	ssyncadd.s32 $0xFFFFC000;
	s30 =	sshrl.u32 s19, $0x2  }
0x2d: {  	s31 =	sshrl.u32 s20, $0x2;
	s20 =	simm.s32 $0x0;
	s18 =	sshrl.u32 s18, $0x2  }
0x2e: {  	s17 =	sor.u32 $0x8000, s30;
	s19 =	sadd.s32 $0x20, s31;
	s18 =	sor.u32 $0x8000, s18  }
.LBB1_3:
0x2f: {  	s21 =	sshll.u32 s20, $0xD  }
0x30: {  	s21 =	sand.u32 $0x3FFFE000, s21  }
0x31: {  	s23 =	sadd.s32 s21, s19  }
0x32: {  	s31 =	smul.u32 $0x204, s20;
	v3 =	vld [tilespmem:s23+$0x10]  }
0x33: {  	v1 =	vld [tilespmem:s23+$0xFFFFFFF0]  }
0x34: {  	s20 =	sshra.s32 s31, $0x2;
	v0 =	vld [tilespmem:s23+$0x0]  }
0x35: {  	s20 =	sadd.s32 s20, s18;
	v2 =	vld [tilespmem:s23+$0xFFFFFFE0]  }
0x36: {  	s21 =	sadd.s32 $0x0, s20  }
0x37: {  	p1 =	por p2, p2;
	s22 =	simm.s32 $0x4;
	s23 =	sadd.s32 $0x40, s23;
	[tilespmem:s21+$0x3060 ss:$0x102] =	vst.msk $0xffff, v3  }
.LBB1_4:
0x38: {  	v3 =	vld [tilespmem:s23+$0x10];
	p2 =	sne.s32 s22, $0x1FC;
	[tilespmem:s21+$0x1020 ss:$0x102] =	vst.msk $0xffff, v1;
	s24 =	smov.u32 s22;
	s22 =	sadd.s32 $0x4, s22  }
.Ltmp3:
0x39: {  	v1 =	vld [tilespmem:s23+$0xFFFFFFF0];
	[tilespmem:s21+$0x2040 ss:$0x102] =	vst.msk $0xffff, v0;
	(pc) =	sbr.rel @p2 .LBB1_4-.Ltmp3, $4  }
0x3a: {  	v0 =	vld [tilespmem:s23+$0x0];
	[tilespmem:s21+$0x0 ss:$0x102] =	vst.msk $0xffff, v2  }
0x3b: {  	s21 =	sshra.s32 s24, $0x2;
	v2 =	vld [tilespmem:s23+$0xFFFFFFE0]  }
0x3c: {  	s21 =	sadd.s32 s21, s20  }
0x3d: {  	s23 =	sadd.s32 $0x40, s23;
	[tilespmem:s21+$0x3060 ss:$0x102] =	vst.msk $0xffff, v3  }
.Ltmp4:
0x3e: {  	(pc) =	sbr.rel @p1 .LBB1_3-.Ltmp4, $4  }
0x3f: {  	_ = 	snop  }
0x40: {  	[tilespmem:s21+$0x1020 ss:$0x102] =	vst.msk $0xffff, v1  }
0x41: {  	[tilespmem:s21+$0x2040 ss:$0x102] =	vst.msk $0xffff, v0  }
0x42: {  	s20 =	simm.s32 $0x1;
	p2 =	por $0x0, $0x0;
	[tilespmem:s21+$0x0 ss:$0x102] =	vst.msk $0xffff, v2  }
0x43: {  	s18 =	sshll.u32 s12, $0x8  }
0x44: {  	s16 =	sshll.u32 s16, $0x3;
	s19 =	sshll.u32 s12, $0x7;
	s18 =	sand.u32 $0xFFFFF800, s18  }
0x45: {  	p1 =	sgt.s32 s12, $0x3E6;
	s29 =	sand.u32 $0x300, s19;
	s16 =	sor.u32 s16, s18  }
0x46: {  	s20 =	sshra.s32 s12, $0x1F;
	s19 =	smov.u32 s12;
	s16 =	sor.u32 s29, s16  }
0x47: {  	s20 =	sand.u32 s20, s12;
	s19 =	simm.s32 @!p1 $0x3E6;
	s16 =	sshrl.u32 s16, $0x8  }
0x48: {  	s19 =	ssub.s32 s19, s20;
	s30 =	smulhi.u32 $0x83126F, s16  }
0x49: {  	s20 =	ssub.s32 $0x3E8, s19  }
0x4a: {  	s20 =	smul.u32 $0x1880, s20;
	s18 =	sshrl.u32 s30, $0x1  }
0x4b: {  	s18 =	smul.u32 $0x3E8, s18  }
.Ltmp5:
0x4c: {  	s21 =	sshll.u32 s12, $0x4;
	s19 =	sadd.s32 $0xFFFFFC1A, s19;
	(pc) =	sbr.rel .LBB1_7-.Ltmp5, $4  }
0x4d: {  	s31 =	sand.u32 $0x10, s21;
	p1 =	sgt.s32 s19, $0x1;
	s16 =	ssub.s32 s16, s18  }
0x4e: {  	s19 =	sand.u32 $0x3FFFFF80, s20;
	s18 =	sadd.s32 s2, s31;
	s16 =	sshll.u32 s16, $0x5  }
0x4f: {  	s19 =	simm.s32 @p1 $0x0;
	s16 =	sadd.s32 s16, s18  }
0x50: {  	[hbm4b:s16+s10] =	stream.strided.scatter [tilespmem:s17], [sflag:$0x2], s19, s11, s10, $0x20;
	[tilespmem:$0x10100] =	vst v63  }
.LBB1_8:
0x51: {  	_ =	sfence.sel $0x180000  }
0x52: {  	s2 =	simm.s32 $0x1;
	[bflag:$0x0] =	sbarrier.arrive $0xFFFF  }
0x53: {  	s31 =	simm.s32 $0x2;
	[sflag:s2] =	ssyncpa.u1 $0x1  }
0x54: {  	[sflag:s31] =	ssyncpa.u1 $0x1  }
0x55: {  	p0 =	sne.s32 s1, $0x0;
	_ =	strace $0x9000004D  }
0x56: {  	s0 =	sadd.s32 @!p0 $0x100000, s0;
	[bflag:$0x2] =	sbarrier.arrive $0xFFFF  }
0x57: {  	[sflag:s0] =	ssyncadd.tile.s32 @!p0 $0x1;
	_ =	shalt  }
.Lfunc_end1:
_tile_overlayer_lowered:
.L_overlay_start_2:
0x58: {  	(tag) =	ssettag $0x2  }
0x59: {  	s0 =	rddreg [dreg:$0x0];
	s2 =	stileid.u32  }
0x5a: {  	s1 =	rddreg [dreg:$0x1];
	p0 =	sne.s32 s2, $0x0  }
0x5b: {  	s3 =	rddreg [dreg:$0x2];
	[bflag:$0x3] =	sbarrier.arrive $0xFFFF;
	s2 =	simm.s32 @!p0 $0x1C01  }
0x5c: {  	[timem:s3], [sflag:s2] =	dma.local @!p0 [hbm:s0], s1  }
0x5d: {  	s0 =	simm.s32 @!p0 $0x1  }
0x5e: {  	_ =	swait.ge @!p0 [sflag:s0], s1  }
0x5f: {  	s1 =	ssub.s32 @!p0 $0x0, s1;
	[sflag:s0] =	ssyncset.done @!p0 $0x0  }
0x60: {  	[sflag:s0] =	ssyncadd.s32 @!p0 s1  }
0x61: {  	[bflag:$0x3] =	sbarrier.arrive $0xFFFF  }
0x62: {  	_ =	shalt  }

</sc_bundles>
